<compile_context>
chip_gen: v7x
topology: tpu7x:2x2x1
jax: 0.10.2.dev20260603
libtpu: 0.0.44.dev20260713+nightly
codegen_flags: <defaults>
</compile_context>

<pallas_src>
import functools

import jax
import jax.numpy as jnp
from jax import lax
from jax.experimental import pallas as pl
from jax.experimental.pallas import tpu as pltpu
from jax.experimental.pallas import tpu_sc as plsc

B, S, M, E, F = 2, 4096, 1024, 64, 1024
T = B * S
CAP = 128
NSLOT = (E + 1) * CAP
ZROW = E * CAP
TRASH = NSLOT - 1
CHUNK = 512
NCHUNK = T // CHUNK
GW = 128

NC, NS = 2, 16
NW = NC * NS
TPW = T // NW
CH = 32
NCH = TPW // CH
NBUF = 3
KLAG = 1
PAD_PER_TILE = (NSLOT - E * CAP) // NW


def _router_body(x_ref, wg_ref, dest_ref, src_ref, gate_ref, xbf_ref,
                 laux_ref, base_ref, sumg_ref, tri_ref):
    i = pl.program_id(0)

    @pl.when(i == 0)
    def _init():
        base_ref[...] = jnp.zeros_like(base_ref)
        sumg_ref[...] = jnp.zeros_like(sumg_ref)
        r = lax.broadcasted_iota(jnp.int32, (CHUNK, CHUNK), 0)
        c = lax.broadcasted_iota(jnp.int32, (CHUNK, CHUNK), 1)
        tri_ref[...] = (r >= c).astype(jnp.float32)

    x = x_ref[...]
    logits = jnp.dot(x, wg_ref[...], preferred_element_type=jnp.float32)
    rowmax = jnp.max(logits, axis=1, keepdims=True)
    ez = jnp.exp(logits - rowmax)
    gates = ez / jnp.sum(ez, axis=1, keepdims=True)

    lane = lax.broadcasted_iota(jnp.int32, (CHUNK, E), 1)
    ismax = logits == rowmax
    aidx = jnp.min(jnp.where(ismax, lane, E), axis=1, keepdims=True)
    onehot = (lane == aidx).astype(jnp.float32)

    csum = jnp.dot(tri_ref[...], onehot, preferred_element_type=jnp.float32)
    locations = csum - 1.0 + base_ref[...]
    keep = jnp.where(locations < CAP, onehot, 0.0)
    locf = jnp.sum(locations * keep, axis=1)
    gate_s = jnp.sum(gates * keep, axis=1)
    validb = jnp.sum(keep, axis=1) > 0.0

    slot = aidx[:, 0] * CAP + locf.astype(jnp.int32)
    dest_ref[...] = jnp.where(validb, slot, TRASH).reshape(1, 1, CHUNK)
    src_ref[...] = jnp.where(validb, slot, ZROW).reshape(1, 1, CHUNK)
    gate_ref[...] = jnp.broadcast_to(gate_s[:, None], (CHUNK, GW))
    u = lax.bitcast_convert_type(x, jnp.int32)
    rnd = u + 0x7FFF + jnp.bitwise_and(lax.shift_right_logical(u, 16), 1)
    hi = jnp.bitwise_and(rnd[:, :M // 2], jnp.int32(-65536))
    lo = lax.shift_right_logical(rnd[:, M // 2:], 16)
    xbf_ref[...] = jnp.bitwise_or(hi, lo)

    sumg_ref[...] += jnp.sum(gates, axis=0, keepdims=True)
    base_ref[...] += csum[CHUNK - 1:CHUNK, :]

    @pl.when(i == NCHUNK - 1)
    def _fin():
        laux_ref[0, 0] = jnp.sum(sumg_ref[...] * base_ref[...]) * (E / (T * T))


def _router(x, wg):
    return pl.pallas_call(
        _router_body,
        grid=(NCHUNK,),
        in_specs=[
            pl.BlockSpec((CHUNK, M), lambda i: (i, 0)),
            pl.BlockSpec((M, E), lambda i: (0, 0)),
        ],
        out_specs=[
            pl.BlockSpec((1, 1, CHUNK), lambda i: (i, 0, 0)),
            pl.BlockSpec((1, 1, CHUNK), lambda i: (i, 0, 0)),
            pl.BlockSpec((CHUNK, GW), lambda i: (i, 0)),
            pl.BlockSpec((CHUNK, M // 2), lambda i: (i, 0)),
            pl.BlockSpec(memory_space=pltpu.SMEM, block_shape=(1, 1),
                         index_map=lambda i: (0, 0)),
        ],
        out_shape=[
            jax.ShapeDtypeStruct((NCHUNK, 1, CHUNK), jnp.int32),
            jax.ShapeDtypeStruct((NCHUNK, 1, CHUNK), jnp.int32),
            jax.ShapeDtypeStruct((T, GW), jnp.float32),
            jax.ShapeDtypeStruct((T, M // 2), jnp.int32),
            jax.ShapeDtypeStruct((1, 1), jnp.float32),
        ],
        scratch_shapes=[
            pltpu.VMEM((1, E), jnp.float32),
            pltpu.VMEM((1, E), jnp.float32),
            pltpu.VMEM((CHUNK, CHUNK), jnp.float32),
        ],
    )(x, wg)


CHD = 64
NCHD = TPW // CHD
NBUFD = 2
KLAGD = 1


def _dispatch(x, gate16, dest):
    mesh = plsc.VectorSubcoreMesh(core_axis_name="c", subcore_axis_name="s")

    @functools.partial(
        pl.kernel,
        out_type=[
            jax.ShapeDtypeStruct((NSLOT, M // 2), jnp.int32),
            jax.ShapeDtypeStruct((NSLOT, GW), jnp.float32),
        ],
        mesh=mesh,
        scratch_types=[
            pltpu.VMEM((NCHD, CHD), jnp.int32),
            [pltpu.VMEM((CHD, M // 2), jnp.int32)] * NBUFD,
            [pltpu.VMEM((CHD, GW), jnp.float32)] * NBUFD,
            [pltpu.SemaphoreType.DMA] * NBUFD,
            [pltpu.SemaphoreType.DMA] * NBUFD,
            [pltpu.SemaphoreType.DMA] * NBUFD,
            [pltpu.SemaphoreType.DMA] * NBUFD,
            pltpu.SemaphoreType.DMA,
        ],
    )
    def k(x_hbm, g_hbm, dest_hbm, disp_out, gslot_out,
          idx_v, rows, gbufs, semi, semgi, semo, semgo, semz):
        wid = lax.axis_index("s") * NC + lax.axis_index("c")
        tok0 = wid * TPW

        pltpu.sync_copy(dest_hbm.at[pl.ds(wid * NCHD, NCHD)], idx_v)

        for r in range(PAD_PER_TILE):
            def zcol(c, __, r=r):
                rows[0][r, pl.ds(c * 16, 16)] = jnp.zeros((16,), jnp.int32)
                return __
            lax.fori_loop(0, M // 32, zcol, 0)
            def zgcol(c, __, r=r):
                gbufs[0][r, pl.ds(c * 16, 16)] = jnp.zeros((16,), jnp.float32)
                return __
            lax.fori_loop(0, GW // 16, zgcol, 0)
        pad0 = E * CAP + wid * PAD_PER_TILE
        zc1 = pltpu.async_copy(rows[0].at[pl.ds(0, PAD_PER_TILE)],
                               disp_out.at[pl.ds(pad0, PAD_PER_TILE)], semz)
        zc2 = pltpu.async_copy(gbufs[0].at[pl.ds(0, PAD_PER_TILE)],
                               gslot_out.at[pl.ds(pad0, PAD_PER_TILE)], semz)

        incps = [None] * NCHD
        outs = [None] * NCHD

        def start_in(b):
            s = b % NBUFD
            incps[b] = (
                pltpu.async_copy(x_hbm.at[pl.ds(tok0 + b * CHD, CHD)],
                                 rows[s], semi[s]),
                pltpu.async_copy(g_hbm.at[pl.ds(tok0 + b * CHD, CHD)],
                                 gbufs[s], semgi[s]),
            )

        zc1.wait()
        zc2.wait()
        for b in range(min(NBUFD, NCHD)):
            start_in(b)
        drained = 0
        for b in range(NCHD):
            s = b % NBUFD
            for cp in incps[b]:
                cp.wait()
            outs[b] = (
                pltpu.async_copy(rows[s], disp_out.at[idx_v.at[b]], semo[s]),
                pltpu.async_copy(gbufs[s], gslot_out.at[idx_v.at[b]],
                                 semgo[s]),
            )
            j = b - KLAGD
            if j >= 0 and j + NBUFD < NCHD:
                for cp in outs[j]:
                    cp.wait()
                drained = j + 1
                start_in(j + NBUFD)
        for j in range(drained, NCHD):
            for cp in outs[j]:
                cp.wait()

    return k(x, gate16, dest.reshape(T // CHD, CHD))


def _ffn_body(disp_ref, g_ref, w1_ref, b1_ref, w2_ref, b2_ref, out_ref):
    w = disp_ref[...]
    x1 = lax.bitcast_convert_type(
        jnp.bitwise_and(w, jnp.int32(-65536)), jnp.float32)
    x2 = lax.bitcast_convert_type(lax.shift_left(w, 16), jnp.float32)
    xb = jnp.concatenate([x1, x2], axis=1)
    h = jnp.dot(xb, w1_ref[0], preferred_element_type=jnp.float32)
    h = jnp.maximum(h + b1_ref[0], 0.0)
    o = jnp.dot(h, w2_ref[0], preferred_element_type=jnp.float32)
    out_ref[...] = (o + b2_ref[0]) * g_ref[:, 0:1]


def _ffn(disp, gslot, W1, b1, W2, b2):
    ew = lambda e: (jnp.minimum(e, E - 1), 0, 0)
    return pl.pallas_call(
        _ffn_body,
        grid=(NSLOT // CAP,),
        in_specs=[
            pl.BlockSpec((CAP, M // 2), lambda e: (e, 0)),
            pl.BlockSpec((CAP, GW), lambda e: (e, 0)),
            pl.BlockSpec((1, M, F), ew),
            pl.BlockSpec((1, 1, F), ew),
            pl.BlockSpec((1, F, M), ew),
            pl.BlockSpec((1, 1, M), ew),
        ],
        out_specs=pl.BlockSpec((CAP, M), lambda e: (e, 0)),
        out_shape=jax.ShapeDtypeStruct((NSLOT, M), jnp.float32),
    )(disp, gslot, W1, b1.reshape(E, 1, F), W2, b2.reshape(E, 1, M))


def _combine(eo, src):
    mesh = plsc.VectorSubcoreMesh(core_axis_name="c", subcore_axis_name="s")

    @functools.partial(
        pl.kernel,
        out_type=jax.ShapeDtypeStruct((T, M), jnp.float32),
        mesh=mesh,
        scratch_types=[
            pltpu.VMEM((NCH, CH), jnp.int32),
            [pltpu.VMEM((CH, M), jnp.float32)] * NBUF,
            [pltpu.SemaphoreType.DMA] * NBUF,
            [pltpu.SemaphoreType.DMA] * NBUF,
        ],
    )
    def k(eo_hbm, src_hbm, y_out, idx_v, rows, semi, semo):
        wid = lax.axis_index("s") * NC + lax.axis_index("c")
        tok0 = wid * TPW
        pltpu.sync_copy(src_hbm.at[pl.ds(wid * NCH, NCH)], idx_v)

        incps = [None] * NCH
        outs = [None] * NCH

        def start_in(b):
            s = b % NBUF
            incps[b] = pltpu.async_copy(eo_hbm.at[idx_v.at[b]], rows[s],
                                        semi[s])

        for b in range(min(NBUF, NCH)):
            start_in(b)
        drained = 0
        for b in range(NCH):
            s = b % NBUF
            incps[b].wait()
            outs[b] = pltpu.async_copy(
                rows[s], y_out.at[pl.ds(tok0 + b * CH, CH)], semo[s])
            j = b - KLAG
            if j >= 0 and j + NBUF < NCH:
                outs[j].wait()
                drained = j + 1
                start_in(j + NBUF)
        for j in range(drained, NCH):
            outs[j].wait()

    return k(eo, src.reshape(T // CH, CH))


def kernel(hidden_states, wg, W1, b1, W2, b2):
    x = hidden_states.reshape(T, M)
    dest, src, gate16, xbf, laux = _router(x, wg)
    dest = dest.reshape(T)
    src = src.reshape(T)
    disp, gslot = _dispatch(xbf, gate16, dest)
    eo = _ffn(disp, gslot, W1, b1, W2, b2)
    y = _combine(eo, src)
    return (y.reshape(B, S, M), laux[0, 0])

# --- scband reference (transcript-rebuilt; emitter-appended) ---
"""Pipeline reference for scband-mo-e-47158740910699 (READ-ONLY COPY).

The authoritative reference and input builder live on the scoring server;
editing this copy changes nothing except your own understanding.
"""

import jax, jax.numpy as jnp
import numpy as np

B, S, M, E, F = 2, 4096, 1024, 64, 1024
T = B * S
CAP = int(np.ceil((T / E) * 1.0))  # capacity_factor=1.0 -> 128


def setup_inputs(seed: int = 0) -> dict:
    key = jax.random.key(seed)
    ks = jax.random.split(key, 6)
    hidden_states = jax.random.normal(ks[0], (B, S, M), dtype=jnp.float32)
    wg = jax.random.normal(ks[1], (M, E), dtype=jnp.float32) * (1.0 / np.sqrt(M))
    W1 = jax.random.normal(ks[2], (E, M, F), dtype=jnp.float32) * (1.0 / np.sqrt(M))
    b1 = jnp.zeros((E, F), dtype=jnp.float32)
    W2 = jax.random.normal(ks[3], (E, F, M), dtype=jnp.float32) * (1.0 / np.sqrt(F))
    b2 = jnp.zeros((E, M), dtype=jnp.float32)
    return {"hidden_states": hidden_states, "wg": wg, "W1": W1, "b1": b1, "W2": W2, "b2": b2}


def reference(hidden_states, wg, W1, b1, W2, b2):
    # DeepSpeed MoE with TopKGate(k=1), GShard-style top-1 gating + capacity drop.
    x = hidden_states.reshape(-1, M)  # [T, M]
    logits = x @ wg                   # [T, E]
    gates = jax.nn.softmax(logits, axis=-1)
    idx = jnp.argmax(gates, axis=-1)  # [T] expert assignment (int, no grad path)
    mask1 = jax.nn.one_hot(idx, E, dtype=jnp.float32)  # [T, E]
    # load-balancing auxiliary loss
    me = jnp.mean(gates, axis=0)
    ce = jnp.mean(mask1, axis=0)
    l_aux = jnp.sum(me * ce) * E
    # position of each token within its expert's capacity buffer
    locations = jnp.cumsum(mask1, axis=0) - 1.0  # [T, E]
    mask1 = mask1 * (locations < CAP).astype(jnp.float32)  # drop overflow tokens
    loc_s = jnp.sum(locations * mask1, axis=1).astype(jnp.int32)  # [T]
    gate_s = jnp.sum(gates * mask1, axis=1)  # [T]
    valid = (jnp.sum(mask1, axis=1) > 0).astype(jnp.float32)  # [T]
    # dispatch: scatter-add tokens into per-expert capacity slots [E, CAP, M]
    disp = jnp.zeros((E, CAP, M), dtype=jnp.float32).at[idx, loc_s].add(x * valid[:, None])
    # expert FFN (Experts module: Linear->ReLU->Linear per expert)
    h = jax.nn.relu(jnp.einsum('ecm,emf->ecf', disp, W1) + b1[:, None, :])
    eo = jnp.einsum('ecf,efm->ecm', h, W2) + b2[:, None, :]
    # combine: gather each token's expert output, scale by gate value
    y = gate_s[:, None] * eo[idx, loc_s] * valid[:, None]
    out = y.reshape(B, S, M)
    # output dropout is identity in eval/deterministic mode
    return (out, l_aux)

if __name__ == "__main__":
    import jax
    _d = setup_inputs()
    print(jax.jit(kernel)(*tuple(_d.values())))

</pallas_src>

<mosaic_0001>
#map = affine_map<(d0, d1) -> (0, 0)>
module attributes {stable_mosaic.version = 14 : i64} {
  func.func @k(%arg0: i32, %arg1: i32, %arg2: memref<8192x512xi32, #tpu.memory_space<hbm>>, %arg3: memref<8192x128xf32, #tpu.memory_space<hbm>>, %arg4: memref<128x64xi32, #tpu.memory_space<hbm>>, %arg5: memref<8320x512xi32, #tpu.memory_space<hbm>>, %arg6: memref<8320x128xf32, #tpu.memory_space<hbm>>, %arg7: memref<4x64xi32, #tpu.memory_space<vmem>>, %arg8: memref<64x512xi32, #tpu.memory_space<vmem>>, %arg9: memref<64x512xi32, #tpu.memory_space<vmem>>, %arg10: memref<64x128xf32, #tpu.memory_space<vmem>>, %arg11: memref<64x128xf32, #tpu.memory_space<vmem>>, %arg12: memref<!tpu.dma_semaphore, #tpu.memory_space<semaphore_mem>>, %arg13: memref<!tpu.dma_semaphore, #tpu.memory_space<semaphore_mem>>, %arg14: memref<!tpu.dma_semaphore, #tpu.memory_space<semaphore_mem>>, %arg15: memref<!tpu.dma_semaphore, #tpu.memory_space<semaphore_mem>>, %arg16: memref<!tpu.dma_semaphore, #tpu.memory_space<semaphore_mem>>, %arg17: memref<!tpu.dma_semaphore, #tpu.memory_space<semaphore_mem>>, %arg18: memref<!tpu.dma_semaphore, #tpu.memory_space<semaphore_mem>>, %arg19: memref<!tpu.dma_semaphore, #tpu.memory_space<semaphore_mem>>, %arg20: memref<!tpu.dma_semaphore, #tpu.memory_space<semaphore_mem>>) attributes {dimension_semantics = [#tpu.dimension_semantics<core_parallel>, #tpu.dimension_semantics<subcore_parallel>], iteration_bounds = array<i64: 2, 16>, scalar_prefetch = 0 : i64, scratch_operands = 14 : i64, tpu.core_type = #tpu.core_type<sc_vector_subcore>, window_params = [{transform_indices = #map}, {transform_indices = #map}, {transform_indices = #map}, {transform_indices = #map}, {transform_indices = #map}]} {
    %mul3A = arith.constant 2 : i32
    %mul3A_0 = arith.muli %arg1, %mul3A : i32
    %add3A = arith.addi %mul3A_0, %arg0 : i32
    %mul3A_1 = arith.constant 256 : i32
    %mul3A_2 = arith.muli %add3A, %mul3A_1 : i32
    %mul3A_3 = arith.constant 4 : i32
    %mul3A_4 = arith.muli %add3A, %mul3A_3 : i32
    "tpu.region"() ({
      %run_scoped3A = tpu.sem_alloc : memref<!tpu.dma_semaphore, #tpu.memory_space<semaphore_mem>>
      %dma_start3A_286 = arith.constant 0 : i32
      %dma_start3A_287 = tpu.memref_slice %arg4[%mul3A_4, %dma_start3A_286] : memref<128x64xi32, #tpu.memory_space<hbm>> -> memref<4x64xi32, #tpu.memory_space<hbm>>
      %dma_start3A_288 = arith.constant 0 : i32
      %dma_start3A_289 = tpu.memref_slice %arg4[%mul3A_4, %dma_start3A_288] : memref<128x64xi32, #tpu.memory_space<hbm>> -> memref<4x64xi32, #tpu.memory_space<hbm>>
      tpu.enqueue_dma source(%dma_start3A_289 : memref<4x64xi32, #tpu.memory_space<hbm>>) target(%arg7 : memref<4x64xi32, #tpu.memory_space<vmem>>) target_semaphore(%run_scoped3A : memref<!tpu.dma_semaphore, #tpu.memory_space<semaphore_mem>>)
      %dma_wait3A_290 = arith.constant 0 : i32
      %dma_wait3A_291 = tpu.memref_slice %arg4[%mul3A_4, %dma_wait3A_290] : memref<128x64xi32, #tpu.memory_space<hbm>> -> memref<4x64xi32, #tpu.memory_space<hbm>>
      %dma_wait3A_292 = arith.constant 0 : i32
      %dma_wait3A_293 = tpu.memref_slice %arg4[%mul3A_4, %dma_wait3A_292] : memref<128x64xi32, #tpu.memory_space<hbm>> -> memref<4x64xi32, #tpu.memory_space<hbm>>
      tpu.wait_dma2 semaphore(%run_scoped3A : memref<!tpu.dma_semaphore, #tpu.memory_space<semaphore_mem>>) src(%dma_wait3A_293 : memref<4x64xi32, #tpu.memory_space<hbm>>) dst(%arg7 : memref<4x64xi32, #tpu.memory_space<vmem>>)
      tpu.yield
    }) : () -> ()
    %scan3A = arith.constant 0 : i32
    %scan3A_5 = arith.constant 0 : i32
    %scan3A_6 = arith.constant 32 : i32
    %scan3A_7 = arith.addi %scan3A_5, %scan3A_6 : i32
    %scan3A_8 = arith.constant 1 : i32
    scf.for %scan3A_286 = %scan3A_5 to %scan3A_7 step %scan3A_8  : i32 {
      %broadcast_in_dim3A = arith.constant 0 : i32
      %broadcast_in_dim3A_287 = vector.broadcast %broadcast_in_dim3A : i32 to vector<16xi32>
      %mul3A_288 = arith.constant 16 : i32
      %mul3A_289 = arith.muli %scan3A_286, %mul3A_288 : i32
      %swap3A = arith.constant 0 : i32
      %swap3A_290 = arith.index_cast %swap3A : i32 to index
      %swap3A_291 = arith.index_cast %mul3A_289 : i32 to index
      %swap3A_292 = tpu.vector_load %arg8[%swap3A_290, %swap3A_291] {strides = array<i32>} : memref<64x512xi32, #tpu.memory_space<vmem>>, vector<1x16xi32>,
      %swap3A_293 = vector.shape_cast %swap3A_292 : vector<1x16xi32> to vector<16xi32>
      %swap3A_294 = vector.shape_cast %broadcast_in_dim3A_287 : vector<16xi32> to vector<1x16xi32>
      tpu.vector_store %arg8[%swap3A_290, %swap3A_291], %swap3A_294 {strides = array<i32>} : memref<64x512xi32, #tpu.memory_space<vmem>>, vector<1x16xi32>,
    }
    %scan3A_9 = arith.constant 32 : i32
    %scan3A_10 = arith.constant 0 : i32
    %scan3A_11 = arith.constant 0 : i32
    %scan3A_12 = arith.constant 8 : i32
    %scan3A_13 = arith.addi %scan3A_11, %scan3A_12 : i32
    %scan3A_14 = arith.constant 1 : i32
    scf.for %scan3A_286 = %scan3A_11 to %scan3A_13 step %scan3A_14  : i32 {
      %broadcast_in_dim3A = arith.constant 0.000000e+00 : f32
      %broadcast_in_dim3A_287 = vector.broadcast %broadcast_in_dim3A : f32 to vector<16xf32>
      %mul3A_288 = arith.constant 16 : i32
      %mul3A_289 = arith.muli %scan3A_286, %mul3A_288 : i32
      %swap3A = arith.constant 0 : i32
      %swap3A_290 = arith.index_cast %swap3A : i32 to index
      %swap3A_291 = arith.index_cast %mul3A_289 : i32 to index
      %swap3A_292 = tpu.vector_load %arg10[%swap3A_290, %swap3A_291] {strides = array<i32>} : memref<64x128xf32, #tpu.memory_space<vmem>>, vector<1x16xf32>,
      %swap3A_293 = vector.shape_cast %swap3A_292 : vector<1x16xf32> to vector<16xf32>
      %swap3A_294 = vector.shape_cast %broadcast_in_dim3A_287 : vector<16xf32> to vector<1x16xf32>
      tpu.vector_store %arg10[%swap3A_290, %swap3A_291], %swap3A_294 {strides = array<i32>} : memref<64x128xf32, #tpu.memory_space<vmem>>, vector<1x16xf32>,
    }
    %scan3A_15 = arith.constant 8 : i32
    %scan3A_16 = arith.constant 0 : i32
    %scan3A_17 = arith.constant 0 : i32
    %scan3A_18 = arith.constant 32 : i32
    %scan3A_19 = arith.addi %scan3A_17, %scan3A_18 : i32
    %scan3A_20 = arith.constant 1 : i32
    scf.for %scan3A_286 = %scan3A_17 to %scan3A_19 step %scan3A_20  : i32 {
      %broadcast_in_dim3A = arith.constant 0 : i32
      %broadcast_in_dim3A_287 = vector.broadcast %broadcast_in_dim3A : i32 to vector<16xi32>
      %mul3A_288 = arith.constant 16 : i32
      %mul3A_289 = arith.muli %scan3A_286, %mul3A_288 : i32
      %swap3A = arith.constant 1 : i32
      %swap3A_290 = arith.index_cast %swap3A : i32 to index
      %swap3A_291 = arith.index_cast %mul3A_289 : i32 to index
      %swap3A_292 = tpu.vector_load %arg8[%swap3A_290, %swap3A_291] {strides = array<i32>} : memref<64x512xi32, #tpu.memory_space<vmem>>, vector<1x16xi32>,
      %swap3A_293 = vector.shape_cast %swap3A_292 : vector<1x16xi32> to vector<16xi32>
      %swap3A_294 = vector.shape_cast %broadcast_in_dim3A_287 : vector<16xi32> to vector<1x16xi32>
      tpu.vector_store %arg8[%swap3A_290, %swap3A_291], %swap3A_294 {strides = array<i32>} : memref<64x512xi32, #tpu.memory_space<vmem>>, vector<1x16xi32>,
    }
    %scan3A_21 = arith.constant 32 : i32
    %scan3A_22 = arith.constant 0 : i32
    %scan3A_23 = arith.constant 0 : i32
    %scan3A_24 = arith.constant 8 : i32
    %scan3A_25 = arith.addi %scan3A_23, %scan3A_24 : i32
    %scan3A_26 = arith.constant 1 : i32
    scf.for %scan3A_286 = %scan3A_23 to %scan3A_25 step %scan3A_26  : i32 {
      %broadcast_in_dim3A = arith.constant 0.000000e+00 : f32
      %broadcast_in_dim3A_287 = vector.broadcast %broadcast_in_dim3A : f32 to vector<16xf32>
      %mul3A_288 = arith.constant 16 : i32
      %mul3A_289 = arith.muli %scan3A_286, %mul3A_288 : i32
      %swap3A = arith.constant 1 : i32
      %swap3A_290 = arith.index_cast %swap3A : i32 to index
      %swap3A_291 = arith.index_cast %mul3A_289 : i32 to index
      %swap3A_292 = tpu.vector_load %arg10[%swap3A_290, %swap3A_291] {strides = array<i32>} : memref<64x128xf32, #tpu.memory_space<vmem>>, vector<1x16xf32>,
      %swap3A_293 = vector.shape_cast %swap3A_292 : vector<1x16xf32> to vector<16xf32>
      %swap3A_294 = vector.shape_cast %broadcast_in_dim3A_287 : vector<16xf32> to vector<1x16xf32>
      tpu.vector_store %arg10[%swap3A_290, %swap3A_291], %swap3A_294 {strides = array<i32>} : memref<64x128xf32, #tpu.memory_space<vmem>>, vector<1x16xf32>,
    }
    %scan3A_27 = arith.constant 8 : i32
    %scan3A_28 = arith.constant 0 : i32
    %scan3A_29 = arith.constant 0 : i32
    %scan3A_30 = arith.constant 32 : i32
    %scan3A_31 = arith.addi %scan3A_29, %scan3A_30 : i32
    %scan3A_32 = arith.constant 1 : i32
    scf.for %scan3A_286 = %scan3A_29 to %scan3A_31 step %scan3A_32  : i32 {
      %broadcast_in_dim3A = arith.constant 0 : i32
      %broadcast_in_dim3A_287 = vector.broadcast %broadcast_in_dim3A : i32 to vector<16xi32>
      %mul3A_288 = arith.constant 16 : i32
      %mul3A_289 = arith.muli %scan3A_286, %mul3A_288 : i32
      %swap3A = arith.constant 2 : i32
      %swap3A_290 = arith.index_cast %swap3A : i32 to index
      %swap3A_291 = arith.index_cast %mul3A_289 : i32 to index
      %swap3A_292 = tpu.vector_load %arg8[%swap3A_290, %swap3A_291] {strides = array<i32>} : memref<64x512xi32, #tpu.memory_space<vmem>>, vector<1x16xi32>,
      %swap3A_293 = vector.shape_cast %swap3A_292 : vector<1x16xi32> to vector<16xi32>
      %swap3A_294 = vector.shape_cast %broadcast_in_dim3A_287 : vector<16xi32> to vector<1x16xi32>
      tpu.vector_store %arg8[%swap3A_290, %swap3A_291], %swap3A_294 {strides = array<i32>} : memref<64x512xi32, #tpu.memory_space<vmem>>, vector<1x16xi32>,
    }
    %scan3A_33 = arith.constant 32 : i32
    %scan3A_34 = arith.constant 0 : i32
    %scan3A_35 = arith.constant 0 : i32
    %scan3A_36 = arith.constant 8 : i32
    %scan3A_37 = arith.addi %scan3A_35, %scan3A_36 : i32
    %scan3A_38 = arith.constant 1 : i32
    scf.for %scan3A_286 = %scan3A_35 to %scan3A_37 step %scan3A_38  : i32 {
      %broadcast_in_dim3A = arith.constant 0.000000e+00 : f32
      %broadcast_in_dim3A_287 = vector.broadcast %broadcast_in_dim3A : f32 to vector<16xf32>
      %mul3A_288 = arith.constant 16 : i32
      %mul3A_289 = arith.muli %scan3A_286, %mul3A_288 : i32
      %swap3A = arith.constant 2 : i32
      %swap3A_290 = arith.index_cast %swap3A : i32 to index
      %swap3A_291 = arith.index_cast %mul3A_289 : i32 to index
      %swap3A_292 = tpu.vector_load %arg10[%swap3A_290, %swap3A_291] {strides = array<i32>} : memref<64x128xf32, #tpu.memory_space<vmem>>, vector<1x16xf32>,
      %swap3A_293 = vector.shape_cast %swap3A_292 : vector<1x16xf32> to vector<16xf32>
      %swap3A_294 = vector.shape_cast %broadcast_in_dim3A_287 : vector<16xf32> to vector<1x16xf32>
      tpu.vector_store %arg10[%swap3A_290, %swap3A_291], %swap3A_294 {strides = array<i32>} : memref<64x128xf32, #tpu.memory_space<vmem>>, vector<1x16xf32>,
    }
    %scan3A_39 = arith.constant 8 : i32
    %scan3A_40 = arith.constant 0 : i32
    %scan3A_41 = arith.constant 0 : i32
    %scan3A_42 = arith.constant 32 : i32
    %scan3A_43 = arith.addi %scan3A_41, %scan3A_42 : i32
    %scan3A_44 = arith.constant 1 : i32
    scf.for %scan3A_286 = %scan3A_41 to %scan3A_43 step %scan3A_44  : i32 {
      %broadcast_in_dim3A = arith.constant 0 : i32
      %broadcast_in_dim3A_287 = vector.broadcast %broadcast_in_dim3A : i32 to vector<16xi32>
      %mul3A_288 = arith.constant 16 : i32
      %mul3A_289 = arith.muli %scan3A_286, %mul3A_288 : i32
      %swap3A = arith.constant 3 : i32
      %swap3A_290 = arith.index_cast %swap3A : i32 to index
      %swap3A_291 = arith.index_cast %mul3A_289 : i32 to index
      %swap3A_292 = tpu.vector_load %arg8[%swap3A_290, %swap3A_291] {strides = array<i32>} : memref<64x512xi32, #tpu.memory_space<vmem>>, vector<1x16xi32>,
      %swap3A_293 = vector.shape_cast %swap3A_292 : vector<1x16xi32> to vector<16xi32>
      %swap3A_294 = vector.shape_cast %broadcast_in_dim3A_287 : vector<16xi32> to vector<1x16xi32>
      tpu.vector_store %arg8[%swap3A_290, %swap3A_291], %swap3A_294 {strides = array<i32>} : memref<64x512xi32, #tpu.memory_space<vmem>>, vector<1x16xi32>,
    }
    %scan3A_45 = arith.constant 32 : i32
    %scan3A_46 = arith.constant 0 : i32
    %scan3A_47 = arith.constant 0 : i32
    %scan3A_48 = arith.constant 8 : i32
    %scan3A_49 = arith.addi %scan3A_47, %scan3A_48 : i32
    %scan3A_50 = arith.constant 1 : i32
    scf.for %scan3A_286 = %scan3A_47 to %scan3A_49 step %scan3A_50  : i32 {
      %broadcast_in_dim3A = arith.constant 0.000000e+00 : f32
      %broadcast_in_dim3A_287 = vector.broadcast %broadcast_in_dim3A : f32 to vector<16xf32>
      %mul3A_288 = arith.constant 16 : i32
      %mul3A_289 = arith.muli %scan3A_286, %mul3A_288 : i32
      %swap3A = arith.constant 3 : i32
      %swap3A_290 = arith.index_cast %swap3A : i32 to index
      %swap3A_291 = arith.index_cast %mul3A_289 : i32 to index
      %swap3A_292 = tpu.vector_load %arg10[%swap3A_290, %swap3A_291] {strides = array<i32>} : memref<64x128xf32, #tpu.memory_space<vmem>>, vector<1x16xf32>,
      %swap3A_293 = vector.shape_cast %swap3A_292 : vector<1x16xf32> to vector<16xf32>
      %swap3A_294 = vector.shape_cast %broadcast_in_dim3A_287 : vector<16xf32> to vector<1x16xf32>
      tpu.vector_store %arg10[%swap3A_290, %swap3A_291], %swap3A_294 {strides = array<i32>} : memref<64x128xf32, #tpu.memory_space<vmem>>, vector<1x16xf32>,
    }
    %scan3A_51 = arith.constant 8 : i32
    %mul3A_52 = arith.constant 4 : i32
    %mul3A_53 = arith.muli %add3A, %mul3A_52 : i32
    %add3A_54 = arith.constant 8192 : i32
    %add3A_55 = arith.addi %add3A_54, %mul3A_53 : i32
    %dma_start3A = arith.constant 0 : i32
    %dma_start3A_56 = arith.constant 0 : i32
    %dma_start3A_57 = tpu.memref_slice %arg8[%dma_start3A, %dma_start3A_56] : memref<64x512xi32, #tpu.memory_space<vmem>> -> memref<4x512xi32, #tpu.memory_space<vmem>>
    %dma_start3A_58 = arith.constant 0 : i32
    %dma_start3A_59 = tpu.memref_slice %arg5[%add3A_55, %dma_start3A_58] : memref<8320x512xi32, #tpu.memory_space<hbm>> -> memref<4x512xi32, #tpu.memory_space<hbm>>
    %dma_start3A_60 = arith.constant 0 : i32
    %dma_start3A_61 = tpu.memref_slice %arg5[%add3A_55, %dma_start3A_60] : memref<8320x512xi32, #tpu.memory_space<hbm>> -> memref<4x512xi32, #tpu.memory_space<hbm>>
    %dma_start3A_62 = arith.constant 0 : i32
    %dma_start3A_63 = arith.constant 0 : i32
    %dma_start3A_64 = tpu.memref_slice %arg8[%dma_start3A_62, %dma_start3A_63] : memref<64x512xi32, #tpu.memory_space<vmem>> -> memref<4x512xi32, #tpu.memory_space<vmem>>
    tpu.enqueue_dma source(%dma_start3A_64 : memref<4x512xi32, #tpu.memory_space<vmem>>) target(%dma_start3A_61 : memref<4x512xi32, #tpu.memory_space<hbm>>) target_semaphore(%arg20 : memref<!tpu.dma_semaphore, #tpu.memory_space<semaphore_mem>>)
    %dma_start3A_65 = arith.constant 0 : i32
    %dma_start3A_66 = arith.constant 0 : i32
    %dma_start3A_67 = tpu.memref_slice %arg10[%dma_start3A_65, %dma_start3A_66] : memref<64x128xf32, #tpu.memory_space<vmem>> -> memref<4x128xf32, #tpu.memory_space<vmem>>
    %dma_start3A_68 = arith.constant 0 : i32
    %dma_start3A_69 = tpu.memref_slice %arg6[%add3A_55, %dma_start3A_68] : memref<8320x128xf32, #tpu.memory_space<hbm>> -> memref<4x128xf32, #tpu.memory_space<hbm>>
    %dma_start3A_70 = arith.constant 0 : i32
    %dma_start3A_71 = tpu.memref_slice %arg6[%add3A_55, %dma_start3A_70] : memref<8320x128xf32, #tpu.memory_space<hbm>> -> memref<4x128xf32, #tpu.memory_space<hbm>>
    %dma_start3A_72 = arith.constant 0 : i32
    %dma_start3A_73 = arith.constant 0 : i32
    %dma_start3A_74 = tpu.memref_slice %arg10[%dma_start3A_72, %dma_start3A_73] : memref<64x128xf32, #tpu.memory_space<vmem>> -> memref<4x128xf32, #tpu.memory_space<vmem>>
    tpu.enqueue_dma source(%dma_start3A_74 : memref<4x128xf32, #tpu.memory_space<vmem>>) target(%dma_start3A_71 : memref<4x128xf32, #tpu.memory_space<hbm>>) target_semaphore(%arg20 : memref<!tpu.dma_semaphore, #tpu.memory_space<semaphore_mem>>)
    %dma_wait3A = arith.constant 0 : i32
    %dma_wait3A_75 = arith.constant 0 : i32
    %dma_wait3A_76 = tpu.memref_slice %arg8[%dma_wait3A, %dma_wait3A_75] : memref<64x512xi32, #tpu.memory_space<vmem>> -> memref<4x512xi32, #tpu.memory_space<vmem>>
    %dma_wait3A_77 = arith.constant 0 : i32
    %dma_wait3A_78 = tpu.memref_slice %arg5[%add3A_55, %dma_wait3A_77] : memref<8320x512xi32, #tpu.memory_space<hbm>> -> memref<4x512xi32, #tpu.memory_space<hbm>>
    %dma_wait3A_79 = arith.constant 0 : i32
    %dma_wait3A_80 = tpu.memref_slice %arg5[%add3A_55, %dma_wait3A_79] : memref<8320x512xi32, #tpu.memory_space<hbm>> -> memref<4x512xi32, #tpu.memory_space<hbm>>
    %dma_wait3A_81 = arith.constant 0 : i32
    %dma_wait3A_82 = arith.constant 0 : i32
    %dma_wait3A_83 = tpu.memref_slice %arg8[%dma_wait3A_81, %dma_wait3A_82] : memref<64x512xi32, #tpu.memory_space<vmem>> -> memref<4x512xi32, #tpu.memory_space<vmem>>
    tpu.wait_dma2 semaphore(%arg20 : memref<!tpu.dma_semaphore, #tpu.memory_space<semaphore_mem>>) src(%dma_wait3A_83 : memref<4x512xi32, #tpu.memory_space<vmem>>) dst(%dma_wait3A_80 : memref<4x512xi32, #tpu.memory_space<hbm>>)
    %dma_wait3A_84 = arith.constant 0 : i32
    %dma_wait3A_85 = arith.constant 0 : i32
    %dma_wait3A_86 = tpu.memref_slice %arg10[%dma_wait3A_84, %dma_wait3A_85] : memref<64x128xf32, #tpu.memory_space<vmem>> -> memref<4x128xf32, #tpu.memory_space<vmem>>
    %dma_wait3A_87 = arith.constant 0 : i32
    %dma_wait3A_88 = tpu.memref_slice %arg6[%add3A_55, %dma_wait3A_87] : memref<8320x128xf32, #tpu.memory_space<hbm>> -> memref<4x128xf32, #tpu.memory_space<hbm>>
    %dma_wait3A_89 = arith.constant 0 : i32
    %dma_wait3A_90 = tpu.memref_slice %arg6[%add3A_55, %dma_wait3A_89] : memref<8320x128xf32, #tpu.memory_space<hbm>> -> memref<4x128xf32, #tpu.memory_space<hbm>>
    %dma_wait3A_91 = arith.constant 0 : i32
    %dma_wait3A_92 = arith.constant 0 : i32
    %dma_wait3A_93 = tpu.memref_slice %arg10[%dma_wait3A_91, %dma_wait3A_92] : memref<64x128xf32, #tpu.memory_space<vmem>> -> memref<4x128xf32, #tpu.memory_space<vmem>>
    tpu.wait_dma2 semaphore(%arg20 : memref<!tpu.dma_semaphore, #tpu.memory_space<semaphore_mem>>) src(%dma_wait3A_93 : memref<4x128xf32, #tpu.memory_space<vmem>>) dst(%dma_wait3A_90 : memref<4x128xf32, #tpu.memory_space<hbm>>)
    %add3A_94 = arith.constant 0 : i32
    %add3A_95 = arith.addi %mul3A_2, %add3A_94 : i32
    %dma_start3A_96 = arith.constant 0 : i32
    %dma_start3A_97 = tpu.memref_slice %arg2[%add3A_95, %dma_start3A_96] : memref<8192x512xi32, #tpu.memory_space<hbm>> -> memref<64x512xi32, #tpu.memory_space<hbm>>
    %dma_start3A_98 = arith.constant 0 : i32
    %dma_start3A_99 = tpu.memref_slice %arg2[%add3A_95, %dma_start3A_98] : memref<8192x512xi32, #tpu.memory_space<hbm>> -> memref<64x512xi32, #tpu.memory_space<hbm>>
    tpu.enqueue_dma source(%dma_start3A_99 : memref<64x512xi32, #tpu.memory_space<hbm>>) target(%arg8 : memref<64x512xi32, #tpu.memory_space<vmem>>) target_semaphore(%arg12 : memref<!tpu.dma_semaphore, #tpu.memory_space<semaphore_mem>>)
    %add3A_100 = arith.constant 0 : i32
    %add3A_101 = arith.addi %mul3A_2, %add3A_100 : i32
    %dma_start3A_102 = arith.constant 0 : i32
    %dma_start3A_103 = tpu.memref_slice %arg3[%add3A_101, %dma_start3A_102] : memref<8192x128xf32, #tpu.memory_space<hbm>> -> memref<64x128xf32, #tpu.memory_space<hbm>>
    %dma_start3A_104 = arith.constant 0 : i32
    %dma_start3A_105 = tpu.memref_slice %arg3[%add3A_101, %dma_start3A_104] : memref<8192x128xf32, #tpu.memory_space<hbm>> -> memref<64x128xf32, #tpu.memory_space<hbm>>
    tpu.enqueue_dma source(%dma_start3A_105 : memref<64x128xf32, #tpu.memory_space<hbm>>) target(%arg10 : memref<64x128xf32, #tpu.memory_space<vmem>>) target_semaphore(%arg14 : memref<!tpu.dma_semaphore, #tpu.memory_space<semaphore_mem>>)
    %add3A_106 = arith.constant 64 : i32
    %add3A_107 = arith.addi %mul3A_2, %add3A_106 : i32
    %dma_start3A_108 = arith.constant 0 : i32
    %dma_start3A_109 = tpu.memref_slice %arg2[%add3A_107, %dma_start3A_108] : memref<8192x512xi32, #tpu.memory_space<hbm>> -> memref<64x512xi32, #tpu.memory_space<hbm>>
    %dma_start3A_110 = arith.constant 0 : i32
    %dma_start3A_111 = tpu.memref_slice %arg2[%add3A_107, %dma_start3A_110] : memref<8192x512xi32, #tpu.memory_space<hbm>> -> memref<64x512xi32, #tpu.memory_space<hbm>>
    tpu.enqueue_dma source(%dma_start3A_111 : memref<64x512xi32, #tpu.memory_space<hbm>>) target(%arg9 : memref<64x512xi32, #tpu.memory_space<vmem>>) target_semaphore(%arg13 : memref<!tpu.dma_semaphore, #tpu.memory_space<semaphore_mem>>)
    %add3A_112 = arith.constant 64 : i32
    %add3A_113 = arith.addi %mul3A_2, %add3A_112 : i32
    %dma_start3A_114 = arith.constant 0 : i32
    %dma_start3A_115 = tpu.memref_slice %arg3[%add3A_113, %dma_start3A_114] : memref<8192x128xf32, #tpu.memory_space<hbm>> -> memref<64x128xf32, #tpu.memory_space<hbm>>
    %dma_start3A_116 = arith.constant 0 : i32
    %dma_start3A_117 = tpu.memref_slice %arg3[%add3A_113, %dma_start3A_116] : memref<8192x128xf32, #tpu.memory_space<hbm>> -> memref<64x128xf32, #tpu.memory_space<hbm>>
    tpu.enqueue_dma source(%dma_start3A_117 : memref<64x128xf32, #tpu.memory_space<hbm>>) target(%arg11 : memref<64x128xf32, #tpu.memory_space<vmem>>) target_semaphore(%arg15 : memref<!tpu.dma_semaphore, #tpu.memory_space<semaphore_mem>>)
    %dma_wait3A_118 = arith.constant 0 : i32
    %dma_wait3A_119 = tpu.memref_slice %arg2[%add3A_95, %dma_wait3A_118] : memref<8192x512xi32, #tpu.memory_space<hbm>> -> memref<64x512xi32, #tpu.memory_space<hbm>>
    %dma_wait3A_120 = arith.constant 0 : i32
    %dma_wait3A_121 = tpu.memref_slice %arg2[%add3A_95, %dma_wait3A_120] : memref<8192x512xi32, #tpu.memory_space<hbm>> -> memref<64x512xi32, #tpu.memory_space<hbm>>
    tpu.wait_dma2 semaphore(%arg12 : memref<!tpu.dma_semaphore, #tpu.memory_space<semaphore_mem>>) src(%dma_wait3A_121 : memref<64x512xi32, #tpu.memory_space<hbm>>) dst(%arg8 : memref<64x512xi32, #tpu.memory_space<vmem>>)
    %dma_wait3A_122 = arith.constant 0 : i32
    %dma_wait3A_123 = tpu.memref_slice %arg3[%add3A_101, %dma_wait3A_122] : memref<8192x128xf32, #tpu.memory_space<hbm>> -> memref<64x128xf32, #tpu.memory_space<hbm>>
    %dma_wait3A_124 = arith.constant 0 : i32
    %dma_wait3A_125 = tpu.memref_slice %arg3[%add3A_101, %dma_wait3A_124] : memref<8192x128xf32, #tpu.memory_space<hbm>> -> memref<64x128xf32, #tpu.memory_space<hbm>>
    tpu.wait_dma2 semaphore(%arg14 : memref<!tpu.dma_semaphore, #tpu.memory_space<semaphore_mem>>) src(%dma_wait3A_125 : memref<64x128xf32, #tpu.memory_space<hbm>>) dst(%arg10 : memref<64x128xf32, #tpu.memory_space<vmem>>)
    %dma_start3A_126 = arith.constant 0 : i32
    %dma_start3A_127 = arith.constant 0 : i32
    %dma_start3A_128 = tpu.memref_slice %arg7[%dma_start3A_126, %dma_start3A_127] : memref<4x64xi32, #tpu.memory_space<vmem>> -> memref<1x64xi32, #tpu.memory_space<vmem>>
    %dma_start3A_129 = tpu.memref_squeeze %dma_start3A_128 : memref<1x64xi32, #tpu.memory_space<vmem>> -> memref<64xi32, #tpu.memory_space<vmem>>
    %dma_start3A_130 = arith.constant 0 : i32
    %dma_start3A_131 = arith.constant 0 : i32
    %dma_start3A_132 = tpu.memref_slice %arg5[%dma_start3A_130, %dma_start3A_131] : memref<8320x512xi32, #tpu.memory_space<hbm>> -> memref<8320x512xi32, #tpu.memory_space<hbm>>
    tpu.enqueue_indirect_dma source(%arg8 : memref<64x512xi32, #tpu.memory_space<vmem>>) target(%dma_start3A_132 : memref<8320x512xi32, #tpu.memory_space<hbm>>) offsets(%dma_start3A_129 : memref<64xi32, #tpu.memory_space<vmem>>) semaphore(%arg16 : memref<!tpu.dma_semaphore, #tpu.memory_space<semaphore_mem>>)
    %dma_start3A_133 = arith.constant 0 : i32
    %dma_start3A_134 = arith.constant 0 : i32
    %dma_start3A_135 = tpu.memref_slice %arg7[%dma_start3A_133, %dma_start3A_134] : memref<4x64xi32, #tpu.memory_space<vmem>> -> memref<1x64xi32, #tpu.memory_space<vmem>>
    %dma_start3A_136 = tpu.memref_squeeze %dma_start3A_135 : memref<1x64xi32, #tpu.memory_space<vmem>> -> memref<64xi32, #tpu.memory_space<vmem>>
    %dma_start3A_137 = arith.constant 0 : i32
    %dma_start3A_138 = arith.constant 0 : i32
    %dma_start3A_139 = tpu.memref_slice %arg6[%dma_start3A_137, %dma_start3A_138] : memref<8320x128xf32, #tpu.memory_space<hbm>> -> memref<8320x128xf32, #tpu.memory_space<hbm>>
    tpu.enqueue_indirect_dma source(%arg10 : memref<64x128xf32, #tpu.memory_space<vmem>>) target(%dma_start3A_139 : memref<8320x128xf32, #tpu.memory_space<hbm>>) offsets(%dma_start3A_136 : memref<64xi32, #tpu.memory_space<vmem>>) semaphore(%arg18 : memref<!tpu.dma_semaphore, #tpu.memory_space<semaphore_mem>>)
    %dma_wait3A_140 = arith.constant 0 : i32
    %dma_wait3A_141 = tpu.memref_slice %arg2[%add3A_107, %dma_wait3A_140] : memref<8192x512xi32, #tpu.memory_space<hbm>> -> memref<64x512xi32, #tpu.memory_space<hbm>>
    %dma_wait3A_142 = arith.constant 0 : i32
    %dma_wait3A_143 = tpu.memref_slice %arg2[%add3A_107, %dma_wait3A_142] : memref<8192x512xi32, #tpu.memory_space<hbm>> -> memref<64x512xi32, #tpu.memory_space<hbm>>
    tpu.wait_dma2 semaphore(%arg13 : memref<!tpu.dma_semaphore, #tpu.memory_space<semaphore_mem>>) src(%dma_wait3A_143 : memref<64x512xi32, #tpu.memory_space<hbm>>) dst(%arg9 : memref<64x512xi32, #tpu.memory_space<vmem>>)
    %dma_wait3A_144 = arith.constant 0 : i32
    %dma_wait3A_145 = tpu.memref_slice %arg3[%add3A_113, %dma_wait3A_144] : memref<8192x128xf32, #tpu.memory_space<hbm>> -> memref<64x128xf32, #tpu.memory_space<hbm>>
    %dma_wait3A_146 = arith.constant 0 : i32
    %dma_wait3A_147 = tpu.memref_slice %arg3[%add3A_113, %dma_wait3A_146] : memref<8192x128xf32, #tpu.memory_space<hbm>> -> memref<64x128xf32, #tpu.memory_space<hbm>>
    tpu.wait_dma2 semaphore(%arg15 : memref<!tpu.dma_semaphore, #tpu.memory_space<semaphore_mem>>) src(%dma_wait3A_147 : memref<64x128xf32, #tpu.memory_space<hbm>>) dst(%arg11 : memref<64x128xf32, #tpu.memory_space<vmem>>)
    %dma_start3A_148 = arith.constant 1 : i32
    %dma_start3A_149 = arith.constant 0 : i32
    %dma_start3A_150 = tpu.memref_slice %arg7[%dma_start3A_148, %dma_start3A_149] : memref<4x64xi32, #tpu.memory_space<vmem>> -> memref<1x64xi32, #tpu.memory_space<vmem>>
    %dma_start3A_151 = tpu.memref_squeeze %dma_start3A_150 : memref<1x64xi32, #tpu.memory_space<vmem>> -> memref<64xi32, #tpu.memory_space<vmem>>
    %dma_start3A_152 = arith.constant 0 : i32
    %dma_start3A_153 = arith.constant 0 : i32
    %dma_start3A_154 = tpu.memref_slice %arg5[%dma_start3A_152, %dma_start3A_153] : memref<8320x512xi32, #tpu.memory_space<hbm>> -> memref<8320x512xi32, #tpu.memory_space<hbm>>
    tpu.enqueue_indirect_dma source(%arg9 : memref<64x512xi32, #tpu.memory_space<vmem>>) target(%dma_start3A_154 : memref<8320x512xi32, #tpu.memory_space<hbm>>) offsets(%dma_start3A_151 : memref<64xi32, #tpu.memory_space<vmem>>) semaphore(%arg17 : memref<!tpu.dma_semaphore, #tpu.memory_space<semaphore_mem>>)
    %dma_start3A_155 = arith.constant 1 : i32
    %dma_start3A_156 = arith.constant 0 : i32
    %dma_start3A_157 = tpu.memref_slice %arg7[%dma_start3A_155, %dma_start3A_156] : memref<4x64xi32, #tpu.memory_space<vmem>> -> memref<1x64xi32, #tpu.memory_space<vmem>>
    %dma_start3A_158 = tpu.memref_squeeze %dma_start3A_157 : memref<1x64xi32, #tpu.memory_space<vmem>> -> memref<64xi32, #tpu.memory_space<vmem>>
    %dma_start3A_159 = arith.constant 0 : i32
    %dma_start3A_160 = arith.constant 0 : i32
    %dma_start3A_161 = tpu.memref_slice %arg6[%dma_start3A_159, %dma_start3A_160] : memref<8320x128xf32, #tpu.memory_space<hbm>> -> memref<8320x128xf32, #tpu.memory_space<hbm>>
    tpu.enqueue_indirect_dma source(%arg11 : memref<64x128xf32, #tpu.memory_space<vmem>>) target(%dma_start3A_161 : memref<8320x128xf32, #tpu.memory_space<hbm>>) offsets(%dma_start3A_158 : memref<64xi32, #tpu.memory_space<vmem>>) semaphore(%arg19 : memref<!tpu.dma_semaphore, #tpu.memory_space<semaphore_mem>>)
    %dma_wait3A_162 = arith.constant 0 : i32
    %dma_wait3A_163 = arith.constant 0 : i32
    %dma_wait3A_164 = tpu.memref_slice %arg7[%dma_wait3A_162, %dma_wait3A_163] : memref<4x64xi32, #tpu.memory_space<vmem>> -> memref<1x64xi32, #tpu.memory_space<vmem>>
    %dma_wait3A_165 = tpu.memref_squeeze %dma_wait3A_164 : memref<1x64xi32, #tpu.memory_space<vmem>> -> memref<64xi32, #tpu.memory_space<vmem>>
    %dma_wait3A_166 = arith.constant 0 : i32
    %dma_wait3A_167 = arith.constant 0 : i32
    %dma_wait3A_168 = tpu.memref_slice %arg5[%dma_wait3A_166, %dma_wait3A_167] : memref<8320x512xi32, #tpu.memory_space<hbm>> -> memref<8320x512xi32, #tpu.memory_space<hbm>>
    tpu.wait_indirect_dma semaphore(%arg16 : memref<!tpu.dma_semaphore, #tpu.memory_space<semaphore_mem>>) src(%arg8 : memref<64x512xi32, #tpu.memory_space<vmem>>) dst(%dma_wait3A_168 : memref<8320x512xi32, #tpu.memory_space<hbm>>)
    %dma_wait3A_169 = arith.constant 0 : i32
    %dma_wait3A_170 = arith.constant 0 : i32
    %dma_wait3A_171 = tpu.memref_slice %arg7[%dma_wait3A_169, %dma_wait3A_170] : memref<4x64xi32, #tpu.memory_space<vmem>> -> memref<1x64xi32, #tpu.memory_space<vmem>>
    %dma_wait3A_172 = tpu.memref_squeeze %dma_wait3A_171 : memref<1x64xi32, #tpu.memory_space<vmem>> -> memref<64xi32, #tpu.memory_space<vmem>>
    %dma_wait3A_173 = arith.constant 0 : i32
    %dma_wait3A_174 = arith.constant 0 : i32
    %dma_wait3A_175 = tpu.memref_slice %arg6[%dma_wait3A_173, %dma_wait3A_174] : memref<8320x128xf32, #tpu.memory_space<hbm>> -> memref<8320x128xf32, #tpu.memory_space<hbm>>
    tpu.wait_indirect_dma semaphore(%arg18 : memref<!tpu.dma_semaphore, #tpu.memory_space<semaphore_mem>>) src(%arg10 : memref<64x128xf32, #tpu.memory_space<vmem>>) dst(%dma_wait3A_175 : memref<8320x128xf32, #tpu.memory_space<hbm>>)
    %add3A_176 = arith.constant 128 : i32
    %add3A_177 = arith.addi %mul3A_2, %add3A_176 : i32
    %dma_start3A_178 = arith.constant 0 : i32
    %dma_start3A_179 = tpu.memref_slice %arg2[%add3A_177, %dma_start3A_178] : memref<8192x512xi32, #tpu.memory_space<hbm>> -> memref<64x512xi32, #tpu.memory_space<hbm>>
    %dma_start3A_180 = arith.constant 0 : i32
    %dma_start3A_181 = tpu.memref_slice %arg2[%add3A_177, %dma_start3A_180] : memref<8192x512xi32, #tpu.memory_space<hbm>> -> memref<64x512xi32, #tpu.memory_space<hbm>>
    tpu.enqueue_dma source(%dma_start3A_181 : memref<64x512xi32, #tpu.memory_space<hbm>>) target(%arg8 : memref<64x512xi32, #tpu.memory_space<vmem>>) target_semaphore(%arg12 : memref<!tpu.dma_semaphore, #tpu.memory_space<semaphore_mem>>)
    %add3A_182 = arith.constant 128 : i32
    %add3A_183 = arith.addi %mul3A_2, %add3A_182 : i32
    %dma_start3A_184 = arith.constant 0 : i32
    %dma_start3A_185 = tpu.memref_slice %arg3[%add3A_183, %dma_start3A_184] : memref<8192x128xf32, #tpu.memory_space<hbm>> -> memref<64x128xf32, #tpu.memory_space<hbm>>
    %dma_start3A_186 = arith.constant 0 : i32
    %dma_start3A_187 = tpu.memref_slice %arg3[%add3A_183, %dma_start3A_186] : memref<8192x128xf32, #tpu.memory_space<hbm>> -> memref<64x128xf32, #tpu.memory_space<hbm>>
    tpu.enqueue_dma source(%dma_start3A_187 : memref<64x128xf32, #tpu.memory_space<hbm>>) target(%arg10 : memref<64x128xf32, #tpu.memory_space<vmem>>) target_semaphore(%arg14 : memref<!tpu.dma_semaphore, #tpu.memory_space<semaphore_mem>>)
    %dma_wait3A_188 = arith.constant 0 : i32
    %dma_wait3A_189 = tpu.memref_slice %arg2[%add3A_177, %dma_wait3A_188] : memref<8192x512xi32, #tpu.memory_space<hbm>> -> memref<64x512xi32, #tpu.memory_space<hbm>>
    %dma_wait3A_190 = arith.constant 0 : i32
    %dma_wait3A_191 = tpu.memref_slice %arg2[%add3A_177, %dma_wait3A_190] : memref<8192x512xi32, #tpu.memory_space<hbm>> -> memref<64x512xi32, #tpu.memory_space<hbm>>
    tpu.wait_dma2 semaphore(%arg12 : memref<!tpu.dma_semaphore, #tpu.memory_space<semaphore_mem>>) src(%dma_wait3A_191 : memref<64x512xi32, #tpu.memory_space<hbm>>) dst(%arg8 : memref<64x512xi32, #tpu.memory_space<vmem>>)
    %dma_wait3A_192 = arith.constant 0 : i32
    %dma_wait3A_193 = tpu.memref_slice %arg3[%add3A_183, %dma_wait3A_192] : memref<8192x128xf32, #tpu.memory_space<hbm>> -> memref<64x128xf32, #tpu.memory_space<hbm>>
    %dma_wait3A_194 = arith.constant 0 : i32
    %dma_wait3A_195 = tpu.memref_slice %arg3[%add3A_183, %dma_wait3A_194] : memref<8192x128xf32, #tpu.memory_space<hbm>> -> memref<64x128xf32, #tpu.memory_space<hbm>>
    tpu.wait_dma2 semaphore(%arg14 : memref<!tpu.dma_semaphore, #tpu.memory_space<semaphore_mem>>) src(%dma_wait3A_195 : memref<64x128xf32, #tpu.memory_space<hbm>>) dst(%arg10 : memref<64x128xf32, #tpu.memory_space<vmem>>)
    %dma_start3A_196 = arith.constant 2 : i32
    %dma_start3A_197 = arith.constant 0 : i32
    %dma_start3A_198 = tpu.memref_slice %arg7[%dma_start3A_196, %dma_start3A_197] : memref<4x64xi32, #tpu.memory_space<vmem>> -> memref<1x64xi32, #tpu.memory_space<vmem>>
    %dma_start3A_199 = tpu.memref_squeeze %dma_start3A_198 : memref<1x64xi32, #tpu.memory_space<vmem>> -> memref<64xi32, #tpu.memory_space<vmem>>
    %dma_start3A_200 = arith.constant 0 : i32
    %dma_start3A_201 = arith.constant 0 : i32
    %dma_start3A_202 = tpu.memref_slice %arg5[%dma_start3A_200, %dma_start3A_201] : memref<8320x512xi32, #tpu.memory_space<hbm>> -> memref<8320x512xi32, #tpu.memory_space<hbm>>
    tpu.enqueue_indirect_dma source(%arg8 : memref<64x512xi32, #tpu.memory_space<vmem>>) target(%dma_start3A_202 : memref<8320x512xi32, #tpu.memory_space<hbm>>) offsets(%dma_start3A_199 : memref<64xi32, #tpu.memory_space<vmem>>) semaphore(%arg16 : memref<!tpu.dma_semaphore, #tpu.memory_space<semaphore_mem>>)
    %dma_start3A_203 = arith.constant 2 : i32
    %dma_start3A_204 = arith.constant 0 : i32
    %dma_start3A_205 = tpu.memref_slice %arg7[%dma_start3A_203, %dma_start3A_204] : memref<4x64xi32, #tpu.memory_space<vmem>> -> memref<1x64xi32, #tpu.memory_space<vmem>>
    %dma_start3A_206 = tpu.memref_squeeze %dma_start3A_205 : memref<1x64xi32, #tpu.memory_space<vmem>> -> memref<64xi32, #tpu.memory_space<vmem>>
    %dma_start3A_207 = arith.constant 0 : i32
    %dma_start3A_208 = arith.constant 0 : i32
    %dma_start3A_209 = tpu.memref_slice %arg6[%dma_start3A_207, %dma_start3A_208] : memref<8320x128xf32, #tpu.memory_space<hbm>> -> memref<8320x128xf32, #tpu.memory_space<hbm>>
    tpu.enqueue_indirect_dma source(%arg10 : memref<64x128xf32, #tpu.memory_space<vmem>>) target(%dma_start3A_209 : memref<8320x128xf32, #tpu.memory_space<hbm>>) offsets(%dma_start3A_206 : memref<64xi32, #tpu.memory_space<vmem>>) semaphore(%arg18 : memref<!tpu.dma_semaphore, #tpu.memory_space<semaphore_mem>>)
    %dma_wait3A_210 = arith.constant 1 : i32
    %dma_wait3A_211 = arith.constant 0 : i32
    %dma_wait3A_212 = tpu.memref_slice %arg7[%dma_wait3A_210, %dma_wait3A_211] : memref<4x64xi32, #tpu.memory_space<vmem>> -> memref<1x64xi32, #tpu.memory_space<vmem>>
    %dma_wait3A_213 = tpu.memref_squeeze %dma_wait3A_212 : memref<1x64xi32, #tpu.memory_space<vmem>> -> memref<64xi32, #tpu.memory_space<vmem>>
    %dma_wait3A_214 = arith.constant 0 : i32
    %dma_wait3A_215 = arith.constant 0 : i32
    %dma_wait3A_216 = tpu.memref_slice %arg5[%dma_wait3A_214, %dma_wait3A_215] : memref<8320x512xi32, #tpu.memory_space<hbm>> -> memref<8320x512xi32, #tpu.memory_space<hbm>>
    tpu.wait_indirect_dma semaphore(%arg17 : memref<!tpu.dma_semaphore, #tpu.memory_space<semaphore_mem>>) src(%arg9 : memref<64x512xi32, #tpu.memory_space<vmem>>) dst(%dma_wait3A_216 : memref<8320x512xi32, #tpu.memory_space<hbm>>)
    %dma_wait3A_217 = arith.constant 1 : i32
    %dma_wait3A_218 = arith.constant 0 : i32
    %dma_wait3A_219 = tpu.memref_slice %arg7[%dma_wait3A_217, %dma_wait3A_218] : memref<4x64xi32, #tpu.memory_space<vmem>> -> memref<1x64xi32, #tpu.memory_space<vmem>>
    %dma_wait3A_220 = tpu.memref_squeeze %dma_wait3A_219 : memref<1x64xi32, #tpu.memory_space<vmem>> -> memref<64xi32, #tpu.memory_space<vmem>>
    %dma_wait3A_221 = arith.constant 0 : i32
    %dma_wait3A_222 = arith.constant 0 : i32
    %dma_wait3A_223 = tpu.memref_slice %arg6[%dma_wait3A_221, %dma_wait3A_222] : memref<8320x128xf32, #tpu.memory_space<hbm>> -> memref<8320x128xf32, #tpu.memory_space<hbm>>
    tpu.wait_indirect_dma semaphore(%arg19 : memref<!tpu.dma_semaphore, #tpu.memory_space<semaphore_mem>>) src(%arg11 : memref<64x128xf32, #tpu.memory_space<vmem>>) dst(%dma_wait3A_223 : memref<8320x128xf32, #tpu.memory_space<hbm>>)
    %add3A_224 = arith.constant 192 : i32
    %add3A_225 = arith.addi %mul3A_2, %add3A_224 : i32
    %dma_start3A_226 = arith.constant 0 : i32
    %dma_start3A_227 = tpu.memref_slice %arg2[%add3A_225, %dma_start3A_226] : memref<8192x512xi32, #tpu.memory_space<hbm>> -> memref<64x512xi32, #tpu.memory_space<hbm>>
    %dma_start3A_228 = arith.constant 0 : i32
    %dma_start3A_229 = tpu.memref_slice %arg2[%add3A_225, %dma_start3A_228] : memref<8192x512xi32, #tpu.memory_space<hbm>> -> memref<64x512xi32, #tpu.memory_space<hbm>>
    tpu.enqueue_dma source(%dma_start3A_229 : memref<64x512xi32, #tpu.memory_space<hbm>>) target(%arg9 : memref<64x512xi32, #tpu.memory_space<vmem>>) target_semaphore(%arg13 : memref<!tpu.dma_semaphore, #tpu.memory_space<semaphore_mem>>)
    %add3A_230 = arith.constant 192 : i32
    %add3A_231 = arith.addi %mul3A_2, %add3A_230 : i32
    %dma_start3A_232 = arith.constant 0 : i32
    %dma_start3A_233 = tpu.memref_slice %arg3[%add3A_231, %dma_start3A_232] : memref<8192x128xf32, #tpu.memory_space<hbm>> -> memref<64x128xf32, #tpu.memory_space<hbm>>
    %dma_start3A_234 = arith.constant 0 : i32
    %dma_start3A_235 = tpu.memref_slice %arg3[%add3A_231, %dma_start3A_234] : memref<8192x128xf32, #tpu.memory_space<hbm>> -> memref<64x128xf32, #tpu.memory_space<hbm>>
    tpu.enqueue_dma source(%dma_start3A_235 : memref<64x128xf32, #tpu.memory_space<hbm>>) target(%arg11 : memref<64x128xf32, #tpu.memory_space<vmem>>) target_semaphore(%arg15 : memref<!tpu.dma_semaphore, #tpu.memory_space<semaphore_mem>>)
    %dma_wait3A_236 = arith.constant 0 : i32
    %dma_wait3A_237 = tpu.memref_slice %arg2[%add3A_225, %dma_wait3A_236] : memref<8192x512xi32, #tpu.memory_space<hbm>> -> memref<64x512xi32, #tpu.memory_space<hbm>>
    %dma_wait3A_238 = arith.constant 0 : i32
    %dma_wait3A_239 = tpu.memref_slice %arg2[%add3A_225, %dma_wait3A_238] : memref<8192x512xi32, #tpu.memory_space<hbm>> -> memref<64x512xi32, #tpu.memory_space<hbm>>
    tpu.wait_dma2 semaphore(%arg13 : memref<!tpu.dma_semaphore, #tpu.memory_space<semaphore_mem>>) src(%dma_wait3A_239 : memref<64x512xi32, #tpu.memory_space<hbm>>) dst(%arg9 : memref<64x512xi32, #tpu.memory_space<vmem>>)
    %dma_wait3A_240 = arith.constant 0 : i32
    %dma_wait3A_241 = tpu.memref_slice %arg3[%add3A_231, %dma_wait3A_240] : memref<8192x128xf32, #tpu.memory_space<hbm>> -> memref<64x128xf32, #tpu.memory_space<hbm>>
    %dma_wait3A_242 = arith.constant 0 : i32
    %dma_wait3A_243 = tpu.memref_slice %arg3[%add3A_231, %dma_wait3A_242] : memref<8192x128xf32, #tpu.memory_space<hbm>> -> memref<64x128xf32, #tpu.memory_space<hbm>>
    tpu.wait_dma2 semaphore(%arg15 : memref<!tpu.dma_semaphore, #tpu.memory_space<semaphore_mem>>) src(%dma_wait3A_243 : memref<64x128xf32, #tpu.memory_space<hbm>>) dst(%arg11 : memref<64x128xf32, #tpu.memory_space<vmem>>)
    %dma_start3A_244 = arith.constant 3 : i32
    %dma_start3A_245 = arith.constant 0 : i32
    %dma_start3A_246 = tpu.memref_slice %arg7[%dma_start3A_244, %dma_start3A_245] : memref<4x64xi32, #tpu.memory_space<vmem>> -> memref<1x64xi32, #tpu.memory_space<vmem>>
    %dma_start3A_247 = tpu.memref_squeeze %dma_start3A_246 : memref<1x64xi32, #tpu.memory_space<vmem>> -> memref<64xi32, #tpu.memory_space<vmem>>
    %dma_start3A_248 = arith.constant 0 : i32
    %dma_start3A_249 = arith.constant 0 : i32
    %dma_start3A_250 = tpu.memref_slice %arg5[%dma_start3A_248, %dma_start3A_249] : memref<8320x512xi32, #tpu.memory_space<hbm>> -> memref<8320x512xi32, #tpu.memory_space<hbm>>
    tpu.enqueue_indirect_dma source(%arg9 : memref<64x512xi32, #tpu.memory_space<vmem>>) target(%dma_start3A_250 : memref<8320x512xi32, #tpu.memory_space<hbm>>) offsets(%dma_start3A_247 : memref<64xi32, #tpu.memory_space<vmem>>) semaphore(%arg17 : memref<!tpu.dma_semaphore, #tpu.memory_space<semaphore_mem>>)
    %dma_start3A_251 = arith.constant 3 : i32
    %dma_start3A_252 = arith.constant 0 : i32
    %dma_start3A_253 = tpu.memref_slice %arg7[%dma_start3A_251, %dma_start3A_252] : memref<4x64xi32, #tpu.memory_space<vmem>> -> memref<1x64xi32, #tpu.memory_space<vmem>>
    %dma_start3A_254 = tpu.memref_squeeze %dma_start3A_253 : memref<1x64xi32, #tpu.memory_space<vmem>> -> memref<64xi32, #tpu.memory_space<vmem>>
    %dma_start3A_255 = arith.constant 0 : i32
    %dma_start3A_256 = arith.constant 0 : i32
    %dma_start3A_257 = tpu.memref_slice %arg6[%dma_start3A_255, %dma_start3A_256] : memref<8320x128xf32, #tpu.memory_space<hbm>> -> memref<8320x128xf32, #tpu.memory_space<hbm>>
    tpu.enqueue_indirect_dma source(%arg11 : memref<64x128xf32, #tpu.memory_space<vmem>>) target(%dma_start3A_257 : memref<8320x128xf32, #tpu.memory_space<hbm>>) offsets(%dma_start3A_254 : memref<64xi32, #tpu.memory_space<vmem>>) semaphore(%arg19 : memref<!tpu.dma_semaphore, #tpu.memory_space<semaphore_mem>>)
    %dma_wait3A_258 = arith.constant 2 : i32
    %dma_wait3A_259 = arith.constant 0 : i32
    %dma_wait3A_260 = tpu.memref_slice %arg7[%dma_wait3A_258, %dma_wait3A_259] : memref<4x64xi32, #tpu.memory_space<vmem>> -> memref<1x64xi32, #tpu.memory_space<vmem>>
    %dma_wait3A_261 = tpu.memref_squeeze %dma_wait3A_260 : memref<1x64xi32, #tpu.memory_space<vmem>> -> memref<64xi32, #tpu.memory_space<vmem>>
    %dma_wait3A_262 = arith.constant 0 : i32
    %dma_wait3A_263 = arith.constant 0 : i32
    %dma_wait3A_264 = tpu.memref_slice %arg5[%dma_wait3A_262, %dma_wait3A_263] : memref<8320x512xi32, #tpu.memory_space<hbm>> -> memref<8320x512xi32, #tpu.memory_space<hbm>>
    tpu.wait_indirect_dma semaphore(%arg16 : memref<!tpu.dma_semaphore, #tpu.memory_space<semaphore_mem>>) src(%arg8 : memref<64x512xi32, #tpu.memory_space<vmem>>) dst(%dma_wait3A_264 : memref<8320x512xi32, #tpu.memory_space<hbm>>)
    %dma_wait3A_265 = arith.constant 2 : i32
    %dma_wait3A_266 = arith.constant 0 : i32
    %dma_wait3A_267 = tpu.memref_slice %arg7[%dma_wait3A_265, %dma_wait3A_266] : memref<4x64xi32, #tpu.memory_space<vmem>> -> memref<1x64xi32, #tpu.memory_space<vmem>>
    %dma_wait3A_268 = tpu.memref_squeeze %dma_wait3A_267 : memref<1x64xi32, #tpu.memory_space<vmem>> -> memref<64xi32, #tpu.memory_space<vmem>>
    %dma_wait3A_269 = arith.constant 0 : i32
    %dma_wait3A_270 = arith.constant 0 : i32
    %dma_wait3A_271 = tpu.memref_slice %arg6[%dma_wait3A_269, %dma_wait3A_270] : memref<8320x128xf32, #tpu.memory_space<hbm>> -> memref<8320x128xf32, #tpu.memory_space<hbm>>
    tpu.wait_indirect_dma semaphore(%arg18 : memref<!tpu.dma_semaphore, #tpu.memory_space<semaphore_mem>>) src(%arg10 : memref<64x128xf32, #tpu.memory_space<vmem>>) dst(%dma_wait3A_271 : memref<8320x128xf32, #tpu.memory_space<hbm>>)
    %dma_wait3A_272 = arith.constant 3 : i32
    %dma_wait3A_273 = arith.constant 0 : i32
    %dma_wait3A_274 = tpu.memref_slice %arg7[%dma_wait3A_272, %dma_wait3A_273] : memref<4x64xi32, #tpu.memory_space<vmem>> -> memref<1x64xi32, #tpu.memory_space<vmem>>
    %dma_wait3A_275 = tpu.memref_squeeze %dma_wait3A_274 : memref<1x64xi32, #tpu.memory_space<vmem>> -> memref<64xi32, #tpu.memory_space<vmem>>
    %dma_wait3A_276 = arith.constant 0 : i32
    %dma_wait3A_277 = arith.constant 0 : i32
    %dma_wait3A_278 = tpu.memref_slice %arg5[%dma_wait3A_276, %dma_wait3A_277] : memref<8320x512xi32, #tpu.memory_space<hbm>> -> memref<8320x512xi32, #tpu.memory_space<hbm>>
    tpu.wait_indirect_dma semaphore(%arg17 : memref<!tpu.dma_semaphore, #tpu.memory_space<semaphore_mem>>) src(%arg9 : memref<64x512xi32, #tpu.memory_space<vmem>>) dst(%dma_wait3A_278 : memref<8320x512xi32, #tpu.memory_space<hbm>>)
    %dma_wait3A_279 = arith.constant 3 : i32
    %dma_wait3A_280 = arith.constant 0 : i32
    %dma_wait3A_281 = tpu.memref_slice %arg7[%dma_wait3A_279, %dma_wait3A_280] : memref<4x64xi32, #tpu.memory_space<vmem>> -> memref<1x64xi32, #tpu.memory_space<vmem>>
    %dma_wait3A_282 = tpu.memref_squeeze %dma_wait3A_281 : memref<1x64xi32, #tpu.memory_space<vmem>> -> memref<64xi32, #tpu.memory_space<vmem>>
    %dma_wait3A_283 = arith.constant 0 : i32
    %dma_wait3A_284 = arith.constant 0 : i32
    %dma_wait3A_285 = tpu.memref_slice %arg6[%dma_wait3A_283, %dma_wait3A_284] : memref<8320x128xf32, #tpu.memory_space<hbm>> -> memref<8320x128xf32, #tpu.memory_space<hbm>>
    tpu.wait_indirect_dma semaphore(%arg19 : memref<!tpu.dma_semaphore, #tpu.memory_space<semaphore_mem>>) src(%arg11 : memref<64x128xf32, #tpu.memory_space<vmem>>) dst(%dma_wait3A_285 : memref<8320x128xf32, #tpu.memory_space<hbm>>)
    return
  }
}

#map = affine_map<(d0, d1) -> (0, 0)>
module attributes {stable_mosaic.version = 14 : i64} {
  func.func @k(%arg0: i32, %arg1: i32, %arg2: memref<8320x1024xf32, #tpu.memory_space<hbm>>, %arg3: memref<256x32xi32, #tpu.memory_space<hbm>>, %arg4: memref<8192x1024xf32, #tpu.memory_space<hbm>>, %arg5: memref<8x32xi32, #tpu.memory_space<vmem>>, %arg6: memref<32x1024xf32, #tpu.memory_space<vmem>>, %arg7: memref<32x1024xf32, #tpu.memory_space<vmem>>, %arg8: memref<32x1024xf32, #tpu.memory_space<vmem>>, %arg9: memref<!tpu.dma_semaphore, #tpu.memory_space<semaphore_mem>>, %arg10: memref<!tpu.dma_semaphore, #tpu.memory_space<semaphore_mem>>, %arg11: memref<!tpu.dma_semaphore, #tpu.memory_space<semaphore_mem>>, %arg12: memref<!tpu.dma_semaphore, #tpu.memory_space<semaphore_mem>>, %arg13: memref<!tpu.dma_semaphore, #tpu.memory_space<semaphore_mem>>, %arg14: memref<!tpu.dma_semaphore, #tpu.memory_space<semaphore_mem>>) attributes {dimension_semantics = [#tpu.dimension_semantics<core_parallel>, #tpu.dimension_semantics<subcore_parallel>], iteration_bounds = array<i64: 2, 16>, scalar_prefetch = 0 : i64, scratch_operands = 10 : i64, tpu.core_type = #tpu.core_type<sc_vector_subcore>, window_params = [{transform_indices = #map}, {transform_indices = #map}, {transform_indices = #map}]} {
    %mul3A = arith.constant 2 : i32
    %mul3A_0 = arith.muli %arg1, %mul3A : i32
    %add3A = arith.addi %mul3A_0, %arg0 : i32
    %mul3A_1 = arith.constant 256 : i32
    %mul3A_2 = arith.muli %add3A, %mul3A_1 : i32
    %mul3A_3 = arith.constant 8 : i32
    %mul3A_4 = arith.muli %add3A, %mul3A_3 : i32
    "tpu.region"() ({
      %run_scoped3A = tpu.sem_alloc : memref<!tpu.dma_semaphore, #tpu.memory_space<semaphore_mem>>
      %dma_start3A_195 = arith.constant 0 : i32
      %dma_start3A_196 = tpu.memref_slice %arg3[%mul3A_4, %dma_start3A_195] : memref<256x32xi32, #tpu.memory_space<hbm>> -> memref<8x32xi32, #tpu.memory_space<hbm>>
      %dma_start3A_197 = arith.constant 0 : i32
      %dma_start3A_198 = tpu.memref_slice %arg3[%mul3A_4, %dma_start3A_197] : memref<256x32xi32, #tpu.memory_space<hbm>> -> memref<8x32xi32, #tpu.memory_space<hbm>>
      tpu.enqueue_dma source(%dma_start3A_198 : memref<8x32xi32, #tpu.memory_space<hbm>>) target(%arg5 : memref<8x32xi32, #tpu.memory_space<vmem>>) target_semaphore(%run_scoped3A : memref<!tpu.dma_semaphore, #tpu.memory_space<semaphore_mem>>)
      %dma_wait3A_199 = arith.constant 0 : i32
      %dma_wait3A_200 = tpu.memref_slice %arg3[%mul3A_4, %dma_wait3A_199] : memref<256x32xi32, #tpu.memory_space<hbm>> -> memref<8x32xi32, #tpu.memory_space<hbm>>
      %dma_wait3A_201 = arith.constant 0 : i32
      %dma_wait3A_202 = tpu.memref_slice %arg3[%mul3A_4, %dma_wait3A_201] : memref<256x32xi32, #tpu.memory_space<hbm>> -> memref<8x32xi32, #tpu.memory_space<hbm>>
      tpu.wait_dma2 semaphore(%run_scoped3A : memref<!tpu.dma_semaphore, #tpu.memory_space<semaphore_mem>>) src(%dma_wait3A_202 : memref<8x32xi32, #tpu.memory_space<hbm>>) dst(%arg5 : memref<8x32xi32, #tpu.memory_space<vmem>>)
      tpu.yield
    }) : () -> ()
    %dma_start3A = arith.constant 0 : i32
    %dma_start3A_5 = arith.constant 0 : i32
    %dma_start3A_6 = tpu.memref_slice %arg5[%dma_start3A, %dma_start3A_5] : memref<8x32xi32, #tpu.memory_space<vmem>> -> memref<1x32xi32, #tpu.memory_space<vmem>>
    %dma_start3A_7 = tpu.memref_squeeze %dma_start3A_6 : memref<1x32xi32, #tpu.memory_space<vmem>> -> memref<32xi32, #tpu.memory_space<vmem>>
    %dma_start3A_8 = arith.constant 0 : i32
    %dma_start3A_9 = arith.constant 0 : i32
    %dma_start3A_10 = tpu.memref_slice %arg2[%dma_start3A_8, %dma_start3A_9] : memref<8320x1024xf32, #tpu.memory_space<hbm>> -> memref<8320x1024xf32, #tpu.memory_space<hbm>>
    tpu.enqueue_indirect_dma source(%dma_start3A_10 : memref<8320x1024xf32, #tpu.memory_space<hbm>>) target(%arg6 : memref<32x1024xf32, #tpu.memory_space<vmem>>) offsets(%dma_start3A_7 : memref<32xi32, #tpu.memory_space<vmem>>) semaphore(%arg9 : memref<!tpu.dma_semaphore, #tpu.memory_space<semaphore_mem>>)
    %dma_start3A_11 = arith.constant 1 : i32
    %dma_start3A_12 = arith.constant 0 : i32
    %dma_start3A_13 = tpu.memref_slice %arg5[%dma_start3A_11, %dma_start3A_12] : memref<8x32xi32, #tpu.memory_space<vmem>> -> memref<1x32xi32, #tpu.memory_space<vmem>>
    %dma_start3A_14 = tpu.memref_squeeze %dma_start3A_13 : memref<1x32xi32, #tpu.memory_space<vmem>> -> memref<32xi32, #tpu.memory_space<vmem>>
    %dma_start3A_15 = arith.constant 0 : i32
    %dma_start3A_16 = arith.constant 0 : i32
    %dma_start3A_17 = tpu.memref_slice %arg2[%dma_start3A_15, %dma_start3A_16] : memref<8320x1024xf32, #tpu.memory_space<hbm>> -> memref<8320x1024xf32, #tpu.memory_space<hbm>>
    tpu.enqueue_indirect_dma source(%dma_start3A_17 : memref<8320x1024xf32, #tpu.memory_space<hbm>>) target(%arg7 : memref<32x1024xf32, #tpu.memory_space<vmem>>) offsets(%dma_start3A_14 : memref<32xi32, #tpu.memory_space<vmem>>) semaphore(%arg10 : memref<!tpu.dma_semaphore, #tpu.memory_space<semaphore_mem>>)
    %dma_start3A_18 = arith.constant 2 : i32
    %dma_start3A_19 = arith.constant 0 : i32
    %dma_start3A_20 = tpu.memref_slice %arg5[%dma_start3A_18, %dma_start3A_19] : memref<8x32xi32, #tpu.memory_space<vmem>> -> memref<1x32xi32, #tpu.memory_space<vmem>>
    %dma_start3A_21 = tpu.memref_squeeze %dma_start3A_20 : memref<1x32xi32, #tpu.memory_space<vmem>> -> memref<32xi32, #tpu.memory_space<vmem>>
    %dma_start3A_22 = arith.constant 0 : i32
    %dma_start3A_23 = arith.constant 0 : i32
    %dma_start3A_24 = tpu.memref_slice %arg2[%dma_start3A_22, %dma_start3A_23] : memref<8320x1024xf32, #tpu.memory_space<hbm>> -> memref<8320x1024xf32, #tpu.memory_space<hbm>>
    tpu.enqueue_indirect_dma source(%dma_start3A_24 : memref<8320x1024xf32, #tpu.memory_space<hbm>>) target(%arg8 : memref<32x1024xf32, #tpu.memory_space<vmem>>) offsets(%dma_start3A_21 : memref<32xi32, #tpu.memory_space<vmem>>) semaphore(%arg11 : memref<!tpu.dma_semaphore, #tpu.memory_space<semaphore_mem>>)
    %dma_wait3A = arith.constant 0 : i32
    %dma_wait3A_25 = arith.constant 0 : i32
    %dma_wait3A_26 = tpu.memref_slice %arg5[%dma_wait3A, %dma_wait3A_25] : memref<8x32xi32, #tpu.memory_space<vmem>> -> memref<1x32xi32, #tpu.memory_space<vmem>>
    %dma_wait3A_27 = tpu.memref_squeeze %dma_wait3A_26 : memref<1x32xi32, #tpu.memory_space<vmem>> -> memref<32xi32, #tpu.memory_space<vmem>>
    %dma_wait3A_28 = arith.constant 0 : i32
    %dma_wait3A_29 = arith.constant 0 : i32
    %dma_wait3A_30 = tpu.memref_slice %arg2[%dma_wait3A_28, %dma_wait3A_29] : memref<8320x1024xf32, #tpu.memory_space<hbm>> -> memref<8320x1024xf32, #tpu.memory_space<hbm>>
    tpu.wait_indirect_dma semaphore(%arg9 : memref<!tpu.dma_semaphore, #tpu.memory_space<semaphore_mem>>) src(%dma_wait3A_30 : memref<8320x1024xf32, #tpu.memory_space<hbm>>) dst(%arg6 : memref<32x1024xf32, #tpu.memory_space<vmem>>)
    %add3A_31 = arith.constant 0 : i32
    %add3A_32 = arith.addi %mul3A_2, %add3A_31 : i32
    %dma_start3A_33 = arith.constant 0 : i32
    %dma_start3A_34 = tpu.memref_slice %arg4[%add3A_32, %dma_start3A_33] : memref<8192x1024xf32, #tpu.memory_space<hbm>> -> memref<32x1024xf32, #tpu.memory_space<hbm>>
    %dma_start3A_35 = arith.constant 0 : i32
    %dma_start3A_36 = tpu.memref_slice %arg4[%add3A_32, %dma_start3A_35] : memref<8192x1024xf32, #tpu.memory_space<hbm>> -> memref<32x1024xf32, #tpu.memory_space<hbm>>
    tpu.enqueue_dma source(%arg6 : memref<32x1024xf32, #tpu.memory_space<vmem>>) target(%dma_start3A_36 : memref<32x1024xf32, #tpu.memory_space<hbm>>) target_semaphore(%arg12 : memref<!tpu.dma_semaphore, #tpu.memory_space<semaphore_mem>>)
    %dma_wait3A_37 = arith.constant 1 : i32
    %dma_wait3A_38 = arith.constant 0 : i32
    %dma_wait3A_39 = tpu.memref_slice %arg5[%dma_wait3A_37, %dma_wait3A_38] : memref<8x32xi32, #tpu.memory_space<vmem>> -> memref<1x32xi32, #tpu.memory_space<vmem>>
    %dma_wait3A_40 = tpu.memref_squeeze %dma_wait3A_39 : memref<1x32xi32, #tpu.memory_space<vmem>> -> memref<32xi32, #tpu.memory_space<vmem>>
    %dma_wait3A_41 = arith.constant 0 : i32
    %dma_wait3A_42 = arith.constant 0 : i32
    %dma_wait3A_43 = tpu.memref_slice %arg2[%dma_wait3A_41, %dma_wait3A_42] : memref<8320x1024xf32, #tpu.memory_space<hbm>> -> memref<8320x1024xf32, #tpu.memory_space<hbm>>
    tpu.wait_indirect_dma semaphore(%arg10 : memref<!tpu.dma_semaphore, #tpu.memory_space<semaphore_mem>>) src(%dma_wait3A_43 : memref<8320x1024xf32, #tpu.memory_space<hbm>>) dst(%arg7 : memref<32x1024xf32, #tpu.memory_space<vmem>>)
    %add3A_44 = arith.constant 32 : i32
    %add3A_45 = arith.addi %mul3A_2, %add3A_44 : i32
    %dma_start3A_46 = arith.constant 0 : i32
    %dma_start3A_47 = tpu.memref_slice %arg4[%add3A_45, %dma_start3A_46] : memref<8192x1024xf32, #tpu.memory_space<hbm>> -> memref<32x1024xf32, #tpu.memory_space<hbm>>
    %dma_start3A_48 = arith.constant 0 : i32
    %dma_start3A_49 = tpu.memref_slice %arg4[%add3A_45, %dma_start3A_48] : memref<8192x1024xf32, #tpu.memory_space<hbm>> -> memref<32x1024xf32, #tpu.memory_space<hbm>>
    tpu.enqueue_dma source(%arg7 : memref<32x1024xf32, #tpu.memory_space<vmem>>) target(%dma_start3A_49 : memref<32x1024xf32, #tpu.memory_space<hbm>>) target_semaphore(%arg13 : memref<!tpu.dma_semaphore, #tpu.memory_space<semaphore_mem>>)
    %dma_wait3A_50 = arith.constant 0 : i32
    %dma_wait3A_51 = tpu.memref_slice %arg4[%add3A_32, %dma_wait3A_50] : memref<8192x1024xf32, #tpu.memory_space<hbm>> -> memref<32x1024xf32, #tpu.memory_space<hbm>>
    %dma_wait3A_52 = arith.constant 0 : i32
    %dma_wait3A_53 = tpu.memref_slice %arg4[%add3A_32, %dma_wait3A_52] : memref<8192x1024xf32, #tpu.memory_space<hbm>> -> memref<32x1024xf32, #tpu.memory_space<hbm>>
    tpu.wait_dma2 semaphore(%arg12 : memref<!tpu.dma_semaphore, #tpu.memory_space<semaphore_mem>>) src(%arg6 : memref<32x1024xf32, #tpu.memory_space<vmem>>) dst(%dma_wait3A_53 : memref<32x1024xf32, #tpu.memory_space<hbm>>)
    %dma_start3A_54 = arith.constant 3 : i32
    %dma_start3A_55 = arith.constant 0 : i32
    %dma_start3A_56 = tpu.memref_slice %arg5[%dma_start3A_54, %dma_start3A_55] : memref<8x32xi32, #tpu.memory_space<vmem>> -> memref<1x32xi32, #tpu.memory_space<vmem>>
    %dma_start3A_57 = tpu.memref_squeeze %dma_start3A_56 : memref<1x32xi32, #tpu.memory_space<vmem>> -> memref<32xi32, #tpu.memory_space<vmem>>
    %dma_start3A_58 = arith.constant 0 : i32
    %dma_start3A_59 = arith.constant 0 : i32
    %dma_start3A_60 = tpu.memref_slice %arg2[%dma_start3A_58, %dma_start3A_59] : memref<8320x1024xf32, #tpu.memory_space<hbm>> -> memref<8320x1024xf32, #tpu.memory_space<hbm>>
    tpu.enqueue_indirect_dma source(%dma_start3A_60 : memref<8320x1024xf32, #tpu.memory_space<hbm>>) target(%arg6 : memref<32x1024xf32, #tpu.memory_space<vmem>>) offsets(%dma_start3A_57 : memref<32xi32, #tpu.memory_space<vmem>>) semaphore(%arg9 : memref<!tpu.dma_semaphore, #tpu.memory_space<semaphore_mem>>)
    %dma_wait3A_61 = arith.constant 2 : i32
    %dma_wait3A_62 = arith.constant 0 : i32
    %dma_wait3A_63 = tpu.memref_slice %arg5[%dma_wait3A_61, %dma_wait3A_62] : memref<8x32xi32, #tpu.memory_space<vmem>> -> memref<1x32xi32, #tpu.memory_space<vmem>>
    %dma_wait3A_64 = tpu.memref_squeeze %dma_wait3A_63 : memref<1x32xi32, #tpu.memory_space<vmem>> -> memref<32xi32, #tpu.memory_space<vmem>>
    %dma_wait3A_65 = arith.constant 0 : i32
    %dma_wait3A_66 = arith.constant 0 : i32
    %dma_wait3A_67 = tpu.memref_slice %arg2[%dma_wait3A_65, %dma_wait3A_66] : memref<8320x1024xf32, #tpu.memory_space<hbm>> -> memref<8320x1024xf32, #tpu.memory_space<hbm>>
    tpu.wait_indirect_dma semaphore(%arg11 : memref<!tpu.dma_semaphore, #tpu.memory_space<semaphore_mem>>) src(%dma_wait3A_67 : memref<8320x1024xf32, #tpu.memory_space<hbm>>) dst(%arg8 : memref<32x1024xf32, #tpu.memory_space<vmem>>)
    %add3A_68 = arith.constant 64 : i32
    %add3A_69 = arith.addi %mul3A_2, %add3A_68 : i32
    %dma_start3A_70 = arith.constant 0 : i32
    %dma_start3A_71 = tpu.memref_slice %arg4[%add3A_69, %dma_start3A_70] : memref<8192x1024xf32, #tpu.memory_space<hbm>> -> memref<32x1024xf32, #tpu.memory_space<hbm>>
    %dma_start3A_72 = arith.constant 0 : i32
    %dma_start3A_73 = tpu.memref_slice %arg4[%add3A_69, %dma_start3A_72] : memref<8192x1024xf32, #tpu.memory_space<hbm>> -> memref<32x1024xf32, #tpu.memory_space<hbm>>
    tpu.enqueue_dma source(%arg8 : memref<32x1024xf32, #tpu.memory_space<vmem>>) target(%dma_start3A_73 : memref<32x1024xf32, #tpu.memory_space<hbm>>) target_semaphore(%arg14 : memref<!tpu.dma_semaphore, #tpu.memory_space<semaphore_mem>>)
    %dma_wait3A_74 = arith.constant 0 : i32
    %dma_wait3A_75 = tpu.memref_slice %arg4[%add3A_45, %dma_wait3A_74] : memref<8192x1024xf32, #tpu.memory_space<hbm>> -> memref<32x1024xf32, #tpu.memory_space<hbm>>
    %dma_wait3A_76 = arith.constant 0 : i32
    %dma_wait3A_77 = tpu.memref_slice %arg4[%add3A_45, %dma_wait3A_76] : memref<8192x1024xf32, #tpu.memory_space<hbm>> -> memref<32x1024xf32, #tpu.memory_space<hbm>>
    tpu.wait_dma2 semaphore(%arg13 : memref<!tpu.dma_semaphore, #tpu.memory_space<semaphore_mem>>) src(%arg7 : memref<32x1024xf32, #tpu.memory_space<vmem>>) dst(%dma_wait3A_77 : memref<32x1024xf32, #tpu.memory_space<hbm>>)
    %dma_start3A_78 = arith.constant 4 : i32
    %dma_start3A_79 = arith.constant 0 : i32
    %dma_start3A_80 = tpu.memref_slice %arg5[%dma_start3A_78, %dma_start3A_79] : memref<8x32xi32, #tpu.memory_space<vmem>> -> memref<1x32xi32, #tpu.memory_space<vmem>>
    %dma_start3A_81 = tpu.memref_squeeze %dma_start3A_80 : memref<1x32xi32, #tpu.memory_space<vmem>> -> memref<32xi32, #tpu.memory_space<vmem>>
    %dma_start3A_82 = arith.constant 0 : i32
    %dma_start3A_83 = arith.constant 0 : i32
    %dma_start3A_84 = tpu.memref_slice %arg2[%dma_start3A_82, %dma_start3A_83] : memref<8320x1024xf32, #tpu.memory_space<hbm>> -> memref<8320x1024xf32, #tpu.memory_space<hbm>>
    tpu.enqueue_indirect_dma source(%dma_start3A_84 : memref<8320x1024xf32, #tpu.memory_space<hbm>>) target(%arg7 : memref<32x1024xf32, #tpu.memory_space<vmem>>) offsets(%dma_start3A_81 : memref<32xi32, #tpu.memory_space<vmem>>) semaphore(%arg10 : memref<!tpu.dma_semaphore, #tpu.memory_space<semaphore_mem>>)
    %dma_wait3A_85 = arith.constant 3 : i32
    %dma_wait3A_86 = arith.constant 0 : i32
    %dma_wait3A_87 = tpu.memref_slice %arg5[%dma_wait3A_85, %dma_wait3A_86] : memref<8x32xi32, #tpu.memory_space<vmem>> -> memref<1x32xi32, #tpu.memory_space<vmem>>
    %dma_wait3A_88 = tpu.memref_squeeze %dma_wait3A_87 : memref<1x32xi32, #tpu.memory_space<vmem>> -> memref<32xi32, #tpu.memory_space<vmem>>
    %dma_wait3A_89 = arith.constant 0 : i32
    %dma_wait3A_90 = arith.constant 0 : i32
    %dma_wait3A_91 = tpu.memref_slice %arg2[%dma_wait3A_89, %dma_wait3A_90] : memref<8320x1024xf32, #tpu.memory_space<hbm>> -> memref<8320x1024xf32, #tpu.memory_space<hbm>>
    tpu.wait_indirect_dma semaphore(%arg9 : memref<!tpu.dma_semaphore, #tpu.memory_space<semaphore_mem>>) src(%dma_wait3A_91 : memref<8320x1024xf32, #tpu.memory_space<hbm>>) dst(%arg6 : memref<32x1024xf32, #tpu.memory_space<vmem>>)
    %add3A_92 = arith.constant 96 : i32
    %add3A_93 = arith.addi %mul3A_2, %add3A_92 : i32
    %dma_start3A_94 = arith.constant 0 : i32
    %dma_start3A_95 = tpu.memref_slice %arg4[%add3A_93, %dma_start3A_94] : memref<8192x1024xf32, #tpu.memory_space<hbm>> -> memref<32x1024xf32, #tpu.memory_space<hbm>>
    %dma_start3A_96 = arith.constant 0 : i32
    %dma_start3A_97 = tpu.memref_slice %arg4[%add3A_93, %dma_start3A_96] : memref<8192x1024xf32, #tpu.memory_space<hbm>> -> memref<32x1024xf32, #tpu.memory_space<hbm>>
    tpu.enqueue_dma source(%arg6 : memref<32x1024xf32, #tpu.memory_space<vmem>>) target(%dma_start3A_97 : memref<32x1024xf32, #tpu.memory_space<hbm>>) target_semaphore(%arg12 : memref<!tpu.dma_semaphore, #tpu.memory_space<semaphore_mem>>)
    %dma_wait3A_98 = arith.constant 0 : i32
    %dma_wait3A_99 = tpu.memref_slice %arg4[%add3A_69, %dma_wait3A_98] : memref<8192x1024xf32, #tpu.memory_space<hbm>> -> memref<32x1024xf32, #tpu.memory_space<hbm>>
    %dma_wait3A_100 = arith.constant 0 : i32
    %dma_wait3A_101 = tpu.memref_slice %arg4[%add3A_69, %dma_wait3A_100] : memref<8192x1024xf32, #tpu.memory_space<hbm>> -> memref<32x1024xf32, #tpu.memory_space<hbm>>
    tpu.wait_dma2 semaphore(%arg14 : memref<!tpu.dma_semaphore, #tpu.memory_space<semaphore_mem>>) src(%arg8 : memref<32x1024xf32, #tpu.memory_space<vmem>>) dst(%dma_wait3A_101 : memref<32x1024xf32, #tpu.memory_space<hbm>>)
    %dma_start3A_102 = arith.constant 5 : i32
    %dma_start3A_103 = arith.constant 0 : i32
    %dma_start3A_104 = tpu.memref_slice %arg5[%dma_start3A_102, %dma_start3A_103] : memref<8x32xi32, #tpu.memory_space<vmem>> -> memref<1x32xi32, #tpu.memory_space<vmem>>
    %dma_start3A_105 = tpu.memref_squeeze %dma_start3A_104 : memref<1x32xi32, #tpu.memory_space<vmem>> -> memref<32xi32, #tpu.memory_space<vmem>>
    %dma_start3A_106 = arith.constant 0 : i32
    %dma_start3A_107 = arith.constant 0 : i32
    %dma_start3A_108 = tpu.memref_slice %arg2[%dma_start3A_106, %dma_start3A_107] : memref<8320x1024xf32, #tpu.memory_space<hbm>> -> memref<8320x1024xf32, #tpu.memory_space<hbm>>
    tpu.enqueue_indirect_dma source(%dma_start3A_108 : memref<8320x1024xf32, #tpu.memory_space<hbm>>) target(%arg8 : memref<32x1024xf32, #tpu.memory_space<vmem>>) offsets(%dma_start3A_105 : memref<32xi32, #tpu.memory_space<vmem>>) semaphore(%arg11 : memref<!tpu.dma_semaphore, #tpu.memory_space<semaphore_mem>>)
    %dma_wait3A_109 = arith.constant 4 : i32
    %dma_wait3A_110 = arith.constant 0 : i32
    %dma_wait3A_111 = tpu.memref_slice %arg5[%dma_wait3A_109, %dma_wait3A_110] : memref<8x32xi32, #tpu.memory_space<vmem>> -> memref<1x32xi32, #tpu.memory_space<vmem>>
    %dma_wait3A_112 = tpu.memref_squeeze %dma_wait3A_111 : memref<1x32xi32, #tpu.memory_space<vmem>> -> memref<32xi32, #tpu.memory_space<vmem>>
    %dma_wait3A_113 = arith.constant 0 : i32
    %dma_wait3A_114 = arith.constant 0 : i32
    %dma_wait3A_115 = tpu.memref_slice %arg2[%dma_wait3A_113, %dma_wait3A_114] : memref<8320x1024xf32, #tpu.memory_space<hbm>> -> memref<8320x1024xf32, #tpu.memory_space<hbm>>
    tpu.wait_indirect_dma semaphore(%arg10 : memref<!tpu.dma_semaphore, #tpu.memory_space<semaphore_mem>>) src(%dma_wait3A_115 : memref<8320x1024xf32, #tpu.memory_space<hbm>>) dst(%arg7 : memref<32x1024xf32, #tpu.memory_space<vmem>>)
    %add3A_116 = arith.constant 128 : i32
    %add3A_117 = arith.addi %mul3A_2, %add3A_116 : i32
    %dma_start3A_118 = arith.constant 0 : i32
    %dma_start3A_119 = tpu.memref_slice %arg4[%add3A_117, %dma_start3A_118] : memref<8192x1024xf32, #tpu.memory_space<hbm>> -> memref<32x1024xf32, #tpu.memory_space<hbm>>
    %dma_start3A_120 = arith.constant 0 : i32
    %dma_start3A_121 = tpu.memref_slice %arg4[%add3A_117, %dma_start3A_120] : memref<8192x1024xf32, #tpu.memory_space<hbm>> -> memref<32x1024xf32, #tpu.memory_space<hbm>>
    tpu.enqueue_dma source(%arg7 : memref<32x1024xf32, #tpu.memory_space<vmem>>) target(%dma_start3A_121 : memref<32x1024xf32, #tpu.memory_space<hbm>>) target_semaphore(%arg13 : memref<!tpu.dma_semaphore, #tpu.memory_space<semaphore_mem>>)
    %dma_wait3A_122 = arith.constant 0 : i32
    %dma_wait3A_123 = tpu.memref_slice %arg4[%add3A_93, %dma_wait3A_122] : memref<8192x1024xf32, #tpu.memory_space<hbm>> -> memref<32x1024xf32, #tpu.memory_space<hbm>>
    %dma_wait3A_124 = arith.constant 0 : i32
    %dma_wait3A_125 = tpu.memref_slice %arg4[%add3A_93, %dma_wait3A_124] : memref<8192x1024xf32, #tpu.memory_space<hbm>> -> memref<32x1024xf32, #tpu.memory_space<hbm>>
    tpu.wait_dma2 semaphore(%arg12 : memref<!tpu.dma_semaphore, #tpu.memory_space<semaphore_mem>>) src(%arg6 : memref<32x1024xf32, #tpu.memory_space<vmem>>) dst(%dma_wait3A_125 : memref<32x1024xf32, #tpu.memory_space<hbm>>)
    %dma_start3A_126 = arith.constant 6 : i32
    %dma_start3A_127 = arith.constant 0 : i32
    %dma_start3A_128 = tpu.memref_slice %arg5[%dma_start3A_126, %dma_start3A_127] : memref<8x32xi32, #tpu.memory_space<vmem>> -> memref<1x32xi32, #tpu.memory_space<vmem>>
    %dma_start3A_129 = tpu.memref_squeeze %dma_start3A_128 : memref<1x32xi32, #tpu.memory_space<vmem>> -> memref<32xi32, #tpu.memory_space<vmem>>
    %dma_start3A_130 = arith.constant 0 : i32
    %dma_start3A_131 = arith.constant 0 : i32
    %dma_start3A_132 = tpu.memref_slice %arg2[%dma_start3A_130, %dma_start3A_131] : memref<8320x1024xf32, #tpu.memory_space<hbm>> -> memref<8320x1024xf32, #tpu.memory_space<hbm>>
    tpu.enqueue_indirect_dma source(%dma_start3A_132 : memref<8320x1024xf32, #tpu.memory_space<hbm>>) target(%arg6 : memref<32x1024xf32, #tpu.memory_space<vmem>>) offsets(%dma_start3A_129 : memref<32xi32, #tpu.memory_space<vmem>>) semaphore(%arg9 : memref<!tpu.dma_semaphore, #tpu.memory_space<semaphore_mem>>)
    %dma_wait3A_133 = arith.constant 5 : i32
    %dma_wait3A_134 = arith.constant 0 : i32
    %dma_wait3A_135 = tpu.memref_slice %arg5[%dma_wait3A_133, %dma_wait3A_134] : memref<8x32xi32, #tpu.memory_space<vmem>> -> memref<1x32xi32, #tpu.memory_space<vmem>>
    %dma_wait3A_136 = tpu.memref_squeeze %dma_wait3A_135 : memref<1x32xi32, #tpu.memory_space<vmem>> -> memref<32xi32, #tpu.memory_space<vmem>>
    %dma_wait3A_137 = arith.constant 0 : i32
    %dma_wait3A_138 = arith.constant 0 : i32
    %dma_wait3A_139 = tpu.memref_slice %arg2[%dma_wait3A_137, %dma_wait3A_138] : memref<8320x1024xf32, #tpu.memory_space<hbm>> -> memref<8320x1024xf32, #tpu.memory_space<hbm>>
    tpu.wait_indirect_dma semaphore(%arg11 : memref<!tpu.dma_semaphore, #tpu.memory_space<semaphore_mem>>) src(%dma_wait3A_139 : memref<8320x1024xf32, #tpu.memory_space<hbm>>) dst(%arg8 : memref<32x1024xf32, #tpu.memory_space<vmem>>)
    %add3A_140 = arith.constant 160 : i32
    %add3A_141 = arith.addi %mul3A_2, %add3A_140 : i32
    %dma_start3A_142 = arith.constant 0 : i32
    %dma_start3A_143 = tpu.memref_slice %arg4[%add3A_141, %dma_start3A_142] : memref<8192x1024xf32, #tpu.memory_space<hbm>> -> memref<32x1024xf32, #tpu.memory_space<hbm>>
    %dma_start3A_144 = arith.constant 0 : i32
    %dma_start3A_145 = tpu.memref_slice %arg4[%add3A_141, %dma_start3A_144] : memref<8192x1024xf32, #tpu.memory_space<hbm>> -> memref<32x1024xf32, #tpu.memory_space<hbm>>
    tpu.enqueue_dma source(%arg8 : memref<32x1024xf32, #tpu.memory_space<vmem>>) target(%dma_start3A_145 : memref<32x1024xf32, #tpu.memory_space<hbm>>) target_semaphore(%arg14 : memref<!tpu.dma_semaphore, #tpu.memory_space<semaphore_mem>>)
    %dma_wait3A_146 = arith.constant 0 : i32
    %dma_wait3A_147 = tpu.memref_slice %arg4[%add3A_117, %dma_wait3A_146] : memref<8192x1024xf32, #tpu.memory_space<hbm>> -> memref<32x1024xf32, #tpu.memory_space<hbm>>
    %dma_wait3A_148 = arith.constant 0 : i32
    %dma_wait3A_149 = tpu.memref_slice %arg4[%add3A_117, %dma_wait3A_148] : memref<8192x1024xf32, #tpu.memory_space<hbm>> -> memref<32x1024xf32, #tpu.memory_space<hbm>>
    tpu.wait_dma2 semaphore(%arg13 : memref<!tpu.dma_semaphore, #tpu.memory_space<semaphore_mem>>) src(%arg7 : memref<32x1024xf32, #tpu.memory_space<vmem>>) dst(%dma_wait3A_149 : memref<32x1024xf32, #tpu.memory_space<hbm>>)
    %dma_start3A_150 = arith.constant 7 : i32
    %dma_start3A_151 = arith.constant 0 : i32
    %dma_start3A_152 = tpu.memref_slice %arg5[%dma_start3A_150, %dma_start3A_151] : memref<8x32xi32, #tpu.memory_space<vmem>> -> memref<1x32xi32, #tpu.memory_space<vmem>>
    %dma_start3A_153 = tpu.memref_squeeze %dma_start3A_152 : memref<1x32xi32, #tpu.memory_space<vmem>> -> memref<32xi32, #tpu.memory_space<vmem>>
    %dma_start3A_154 = arith.constant 0 : i32
    %dma_start3A_155 = arith.constant 0 : i32
    %dma_start3A_156 = tpu.memref_slice %arg2[%dma_start3A_154, %dma_start3A_155] : memref<8320x1024xf32, #tpu.memory_space<hbm>> -> memref<8320x1024xf32, #tpu.memory_space<hbm>>
    tpu.enqueue_indirect_dma source(%dma_start3A_156 : memref<8320x1024xf32, #tpu.memory_space<hbm>>) target(%arg7 : memref<32x1024xf32, #tpu.memory_space<vmem>>) offsets(%dma_start3A_153 : memref<32xi32, #tpu.memory_space<vmem>>) semaphore(%arg10 : memref<!tpu.dma_semaphore, #tpu.memory_space<semaphore_mem>>)
    %dma_wait3A_157 = arith.constant 6 : i32
    %dma_wait3A_158 = arith.constant 0 : i32
    %dma_wait3A_159 = tpu.memref_slice %arg5[%dma_wait3A_157, %dma_wait3A_158] : memref<8x32xi32, #tpu.memory_space<vmem>> -> memref<1x32xi32, #tpu.memory_space<vmem>>
    %dma_wait3A_160 = tpu.memref_squeeze %dma_wait3A_159 : memref<1x32xi32, #tpu.memory_space<vmem>> -> memref<32xi32, #tpu.memory_space<vmem>>
    %dma_wait3A_161 = arith.constant 0 : i32
    %dma_wait3A_162 = arith.constant 0 : i32
    %dma_wait3A_163 = tpu.memref_slice %arg2[%dma_wait3A_161, %dma_wait3A_162] : memref<8320x1024xf32, #tpu.memory_space<hbm>> -> memref<8320x1024xf32, #tpu.memory_space<hbm>>
    tpu.wait_indirect_dma semaphore(%arg9 : memref<!tpu.dma_semaphore, #tpu.memory_space<semaphore_mem>>) src(%dma_wait3A_163 : memref<8320x1024xf32, #tpu.memory_space<hbm>>) dst(%arg6 : memref<32x1024xf32, #tpu.memory_space<vmem>>)
    %add3A_164 = arith.constant 192 : i32
    %add3A_165 = arith.addi %mul3A_2, %add3A_164 : i32
    %dma_start3A_166 = arith.constant 0 : i32
    %dma_start3A_167 = tpu.memref_slice %arg4[%add3A_165, %dma_start3A_166] : memref<8192x1024xf32, #tpu.memory_space<hbm>> -> memref<32x1024xf32, #tpu.memory_space<hbm>>
    %dma_start3A_168 = arith.constant 0 : i32
    %dma_start3A_169 = tpu.memref_slice %arg4[%add3A_165, %dma_start3A_168] : memref<8192x1024xf32, #tpu.memory_space<hbm>> -> memref<32x1024xf32, #tpu.memory_space<hbm>>
    tpu.enqueue_dma source(%arg6 : memref<32x1024xf32, #tpu.memory_space<vmem>>) target(%dma_start3A_169 : memref<32x1024xf32, #tpu.memory_space<hbm>>) target_semaphore(%arg12 : memref<!tpu.dma_semaphore, #tpu.memory_space<semaphore_mem>>)
    %dma_wait3A_170 = arith.constant 7 : i32
    %dma_wait3A_171 = arith.constant 0 : i32
    %dma_wait3A_172 = tpu.memref_slice %arg5[%dma_wait3A_170, %dma_wait3A_171] : memref<8x32xi32, #tpu.memory_space<vmem>> -> memref<1x32xi32, #tpu.memory_space<vmem>>
    %dma_wait3A_173 = tpu.memref_squeeze %dma_wait3A_172 : memref<1x32xi32, #tpu.memory_space<vmem>> -> memref<32xi32, #tpu.memory_space<vmem>>
    %dma_wait3A_174 = arith.constant 0 : i32
    %dma_wait3A_175 = arith.constant 0 : i32
    %dma_wait3A_176 = tpu.memref_slice %arg2[%dma_wait3A_174, %dma_wait3A_175] : memref<8320x1024xf32, #tpu.memory_space<hbm>> -> memref<8320x1024xf32, #tpu.memory_space<hbm>>
    tpu.wait_indirect_dma semaphore(%arg10 : memref<!tpu.dma_semaphore, #tpu.memory_space<semaphore_mem>>) src(%dma_wait3A_176 : memref<8320x1024xf32, #tpu.memory_space<hbm>>) dst(%arg7 : memref<32x1024xf32, #tpu.memory_space<vmem>>)
    %add3A_177 = arith.constant 224 : i32
    %add3A_178 = arith.addi %mul3A_2, %add3A_177 : i32
    %dma_start3A_179 = arith.constant 0 : i32
    %dma_start3A_180 = tpu.memref_slice %arg4[%add3A_178, %dma_start3A_179] : memref<8192x1024xf32, #tpu.memory_space<hbm>> -> memref<32x1024xf32, #tpu.memory_space<hbm>>
    %dma_start3A_181 = arith.constant 0 : i32
    %dma_start3A_182 = tpu.memref_slice %arg4[%add3A_178, %dma_start3A_181] : memref<8192x1024xf32, #tpu.memory_space<hbm>> -> memref<32x1024xf32, #tpu.memory_space<hbm>>
    tpu.enqueue_dma source(%arg7 : memref<32x1024xf32, #tpu.memory_space<vmem>>) target(%dma_start3A_182 : memref<32x1024xf32, #tpu.memory_space<hbm>>) target_semaphore(%arg13 : memref<!tpu.dma_semaphore, #tpu.memory_space<semaphore_mem>>)
    %dma_wait3A_183 = arith.constant 0 : i32
    %dma_wait3A_184 = tpu.memref_slice %arg4[%add3A_141, %dma_wait3A_183] : memref<8192x1024xf32, #tpu.memory_space<hbm>> -> memref<32x1024xf32, #tpu.memory_space<hbm>>
    %dma_wait3A_185 = arith.constant 0 : i32
    %dma_wait3A_186 = tpu.memref_slice %arg4[%add3A_141, %dma_wait3A_185] : memref<8192x1024xf32, #tpu.memory_space<hbm>> -> memref<32x1024xf32, #tpu.memory_space<hbm>>
    tpu.wait_dma2 semaphore(%arg14 : memref<!tpu.dma_semaphore, #tpu.memory_space<semaphore_mem>>) src(%arg8 : memref<32x1024xf32, #tpu.memory_space<vmem>>) dst(%dma_wait3A_186 : memref<32x1024xf32, #tpu.memory_space<hbm>>)
    %dma_wait3A_187 = arith.constant 0 : i32
    %dma_wait3A_188 = tpu.memref_slice %arg4[%add3A_165, %dma_wait3A_187] : memref<8192x1024xf32, #tpu.memory_space<hbm>> -> memref<32x1024xf32, #tpu.memory_space<hbm>>
    %dma_wait3A_189 = arith.constant 0 : i32
    %dma_wait3A_190 = tpu.memref_slice %arg4[%add3A_165, %dma_wait3A_189] : memref<8192x1024xf32, #tpu.memory_space<hbm>> -> memref<32x1024xf32, #tpu.memory_space<hbm>>
    tpu.wait_dma2 semaphore(%arg12 : memref<!tpu.dma_semaphore, #tpu.memory_space<semaphore_mem>>) src(%arg6 : memref<32x1024xf32, #tpu.memory_space<vmem>>) dst(%dma_wait3A_190 : memref<32x1024xf32, #tpu.memory_space<hbm>>)
    %dma_wait3A_191 = arith.constant 0 : i32
    %dma_wait3A_192 = tpu.memref_slice %arg4[%add3A_178, %dma_wait3A_191] : memref<8192x1024xf32, #tpu.memory_space<hbm>> -> memref<32x1024xf32, #tpu.memory_space<hbm>>
    %dma_wait3A_193 = arith.constant 0 : i32
    %dma_wait3A_194 = tpu.memref_slice %arg4[%add3A_178, %dma_wait3A_193] : memref<8192x1024xf32, #tpu.memory_space<hbm>> -> memref<32x1024xf32, #tpu.memory_space<hbm>>
    tpu.wait_dma2 semaphore(%arg13 : memref<!tpu.dma_semaphore, #tpu.memory_space<semaphore_mem>>) src(%arg7 : memref<32x1024xf32, #tpu.memory_space<vmem>>) dst(%dma_wait3A_194 : memref<32x1024xf32, #tpu.memory_space<hbm>>)
    return
  }
}

module attributes {stable_mosaic.version = 14 : i64} {
  func.func @_router_body(%arg0: i32, %arg1: memref<512x1024xf32, #tpu.memory_space<vmem>>, %arg2: memref<1024x64xf32, #tpu.memory_space<vmem>>, %arg3: memref<1x1x512xi32, #tpu.memory_space<vmem>>, %arg4: memref<1x1x512xi32, #tpu.memory_space<vmem>>, %arg5: memref<512x128xf32, #tpu.memory_space<vmem>>, %arg6: memref<512x512xi32, #tpu.memory_space<vmem>>, %arg7: memref<1x1xf32, #tpu.memory_space<smem>>, %arg8: memref<1x64xf32, #tpu.memory_space<vmem>>, %arg9: memref<1x64xf32, #tpu.memory_space<vmem>>, %arg10: memref<512x512xf32, #tpu.memory_space<vmem>>) attributes {dimension_semantics = [#tpu.dimension_semantics<arbitrary>], iteration_bounds = array<i64: 16>, scalar_prefetch = 0 : i64, scratch_operands = 3 : i64, tpu.core_type = #tpu.core_type<tc>, window_params = [{transform_indices = @transform_0, window_bounds = array<i64: 512, 1024>}, {pipeline_mode = #tpu.pipeline_mode<synchronous>, transform_indices = @transform_1, window_bounds = array<i64: 1024, 64>}, {transform_indices = @transform_2, window_bounds = array<i64: 1, 1, 512>}, {transform_indices = @transform_3, window_bounds = array<i64: 1, 1, 512>}, {transform_indices = @transform_4, window_bounds = array<i64: 512, 128>}, {transform_indices = @transform_5, window_bounds = array<i64: 512, 512>}, {transform_indices = @transform_6, window_bounds = array<i64: 1, 1>}]} {
    %eq3A = arith.constant 0 : i32
    %eq3A_0 = arith.cmpi eq, %arg0, %eq3A : i32
    %convert_element_type3A = arith.extui %eq3A_0 : i1 to i32
    %cond3A = arith.constant 0 : i32
    %cond3A_1 = arith.cmpi ne, %convert_element_type3A, %cond3A : i32
    scf.if %cond3A_1 {
      %broadcast_in_dim3A_114 = arith.constant 0.000000e+00 : f32
      %broadcast_in_dim3A_115 = vector.broadcast %broadcast_in_dim3A_114 : f32 to vector<1x64xf32>
      %swap3A_116 = arith.constant 0 : index
      %swap3A_117 = arith.constant 0 : index
      %swap3A_118 = vector.load %arg8[%swap3A_116, %swap3A_117] : memref<1x64xf32, #tpu.memory_space<vmem>>, vector<1x64xf32>
      tpu.vector_store %arg8[%swap3A_116, %swap3A_117], %broadcast_in_dim3A_115 {strides = array<i32>} : memref<1x64xf32, #tpu.memory_space<vmem>>, vector<1x64xf32>,
      %broadcast_in_dim3A_119 = arith.constant 0.000000e+00 : f32
      %broadcast_in_dim3A_120 = vector.broadcast %broadcast_in_dim3A_119 : f32 to vector<1x64xf32>
      %swap3A_121 = arith.constant 0 : index
      %swap3A_122 = arith.constant 0 : index
      %swap3A_123 = vector.load %arg9[%swap3A_121, %swap3A_122] : memref<1x64xf32, #tpu.memory_space<vmem>>, vector<1x64xf32>
      tpu.vector_store %arg9[%swap3A_121, %swap3A_122], %broadcast_in_dim3A_120 {strides = array<i32>} : memref<1x64xf32, #tpu.memory_space<vmem>>, vector<1x64xf32>,
      %iota3A_124 = tpu.iota {dimensions = array<i32: 0>} : vector<512x512xi32>
      %iota3A_125 = tpu.iota {dimensions = array<i32: 1>} : vector<512x512xi32>
      %ge3A = arith.cmpi sge, %iota3A_124, %iota3A_125 : vector<512x512xi32>
      %convert_element_type3A_126 = arith.extui %ge3A : vector<512x512xi1> to vector<512x512xi32>
      %convert_element_type3A_127 = arith.sitofp %convert_element_type3A_126 : vector<512x512xi32> to vector<512x512xf32>
      %swap3A_128 = arith.constant 0 : index
      %swap3A_129 = arith.constant 0 : index
      %swap3A_130 = vector.load %arg10[%swap3A_128, %swap3A_129] : memref<512x512xf32, #tpu.memory_space<vmem>>, vector<512x512xf32>
      tpu.vector_store %arg10[%swap3A_128, %swap3A_129], %convert_element_type3A_127 {strides = array<i32>} : memref<512x512xf32, #tpu.memory_space<vmem>>, vector<512x512xf32>,
    } else {
    }
    %get3A = arith.constant 0 : index
    %get3A_2 = arith.constant 0 : index
    %get3A_3 = vector.load %arg1[%get3A, %get3A_2] : memref<512x1024xf32, #tpu.memory_space<vmem>>, vector<512x1024xf32>
    %get3A_4 = arith.constant 0 : index
    %get3A_5 = arith.constant 0 : index
    %get3A_6 = vector.load %arg2[%get3A_4, %get3A_5] : memref<1024x64xf32, #tpu.memory_space<vmem>>, vector<1024x64xf32>
    %dot_general3A = arith.constant dense<0.000000e+00> : vector<512x64xf32>
    %dot_general3A_7 = tpu.matmul %get3A_3, %get3A_6, %dot_general3A {dimension_numbers = #tpu.dot_dimension_numbers<[1], [0], [0], [1], [0, 0, 1, 1], [], []>, transpose_lhs_hint = false} : vector<512x1024xf32>, vector<1024x64xf32>, vector<512x64xf32> -> vector<512x64xf32>
    %reduce_max3A = arith.constant dense<0xFF800000> : vector<512xf32>
    %reduce_max3A_8 = vector.multi_reduction <maximumf>, %dot_general3A_7, %reduce_max3A [1] : vector<512x64xf32> to vector<512xf32>
    %broadcast_in_dim3A = vector.shape_cast %reduce_max3A_8 : vector<512xf32> to vector<512x1xf32>
    %sub3A = vector.broadcast %broadcast_in_dim3A : vector<512x1xf32> to vector<512x64xf32>
    %sub3A_9 = arith.subf %dot_general3A_7, %sub3A : vector<512x64xf32>
    %exp3A = math.exp %sub3A_9 : vector<512x64xf32>
    %reduce_sum3A = arith.constant dense<0.000000e+00> : vector<512xf32>
    %reduce_sum3A_10 = vector.multi_reduction <add>, %exp3A, %reduce_sum3A [1] : vector<512x64xf32> to vector<512xf32>
    %broadcast_in_dim3A_11 = vector.shape_cast %reduce_sum3A_10 : vector<512xf32> to vector<512x1xf32>
    %div3A = vector.broadcast %broadcast_in_dim3A_11 : vector<512x1xf32> to vector<512x64xf32>
    %div3A_12 = arith.divf %exp3A, %div3A : vector<512x64xf32>
    %iota3A = tpu.iota {dimensions = array<i32: 1>} : vector<512x64xi32>
    %eq3A_13 = vector.broadcast %broadcast_in_dim3A : vector<512x1xf32> to vector<512x64xf32>
    %eq3A_14 = arith.cmpf oeq, %dot_general3A_7, %eq3A_13 : vector<512x64xf32>
    %jit3A = arith.constant 64 : i32
    %broadcast_in_dim3A_15 = vector.broadcast %jit3A : i32 to vector<512x64xi32>
    %select_n3A = arith.select %eq3A_14, %iota3A, %broadcast_in_dim3A_15 : vector<512x64xi1>, vector<512x64xi32>
    %reduce_min3A = arith.constant dense<2147483647> : vector<512xi32>
    %reduce_min3A_16 = vector.multi_reduction <minsi>, %select_n3A, %reduce_min3A [1] : vector<512x64xi32> to vector<512xi32>
    %broadcast_in_dim3A_17 = vector.shape_cast %reduce_min3A_16 : vector<512xi32> to vector<512x1xi32>
    %eq3A_18 = vector.broadcast %broadcast_in_dim3A_17 : vector<512x1xi32> to vector<512x64xi32>
    %eq3A_19 = arith.cmpi eq, %iota3A, %eq3A_18 : vector<512x64xi32>
    %convert_element_type3A_20 = arith.extui %eq3A_19 : vector<512x64xi1> to vector<512x64xi32>
    %convert_element_type3A_21 = arith.sitofp %convert_element_type3A_20 : vector<512x64xi32> to vector<512x64xf32>
    %get3A_22 = arith.constant 0 : index
    %get3A_23 = arith.constant 0 : index
    %get3A_24 = vector.load %arg10[%get3A_22, %get3A_23] : memref<512x512xf32, #tpu.memory_space<vmem>>, vector<512x512xf32>
    %dot_general3A_25 = arith.constant dense<0.000000e+00> : vector<512x64xf32>
    %dot_general3A_26 = tpu.matmul %get3A_24, %convert_element_type3A_21, %dot_general3A_25 {dimension_numbers = #tpu.dot_dimension_numbers<[1], [0], [0], [1], [0, 0, 1, 1], [], []>, transpose_lhs_hint = false} : vector<512x512xf32>, vector<512x64xf32>, vector<512x64xf32> -> vector<512x64xf32>
    %sub3A_27 = arith.constant 1.000000e+00 : f32
    %sub3A_28 = vector.broadcast %sub3A_27 : f32 to vector<512x64xf32>
    %sub3A_29 = arith.subf %dot_general3A_26, %sub3A_28 : vector<512x64xf32>
    %get3A_30 = arith.constant 0 : index
    %get3A_31 = arith.constant 0 : index
    %get3A_32 = vector.load %arg8[%get3A_30, %get3A_31] : memref<1x64xf32, #tpu.memory_space<vmem>>, vector<1x64xf32>
    %add3A = vector.broadcast %get3A_32 : vector<1x64xf32> to vector<512x64xf32>
    %add3A_33 = arith.addf %sub3A_29, %add3A : vector<512x64xf32>
    %lt3A = arith.constant 1.280000e+02 : f32
    %lt3A_34 = vector.broadcast %lt3A : f32 to vector<512x64xf32>
    %lt3A_35 = arith.cmpf olt, %add3A_33, %lt3A_34 : vector<512x64xf32>
    %jit3A_36 = arith.constant 0.000000e+00 : f32
    %broadcast_in_dim3A_37 = vector.broadcast %jit3A_36 : f32 to vector<512x64xf32>
    %select_n3A_38 = arith.select %lt3A_35, %convert_element_type3A_21, %broadcast_in_dim3A_37 : vector<512x64xi1>, vector<512x64xf32>
    %mul3A = arith.mulf %add3A_33, %select_n3A_38 : vector<512x64xf32>
    %reduce_sum3A_39 = arith.constant dense<0.000000e+00> : vector<512xf32>
    %reduce_sum3A_40 = vector.multi_reduction <add>, %mul3A, %reduce_sum3A_39 [1] : vector<512x64xf32> to vector<512xf32>
    %mul3A_41 = arith.mulf %div3A_12, %select_n3A_38 : vector<512x64xf32>
    %reduce_sum3A_42 = arith.constant dense<0.000000e+00> : vector<512xf32>
    %reduce_sum3A_43 = vector.multi_reduction <add>, %mul3A_41, %reduce_sum3A_42 [1] : vector<512x64xf32> to vector<512xf32>
    %reduce_sum3A_44 = arith.constant dense<0.000000e+00> : vector<512xf32>
    %reduce_sum3A_45 = vector.multi_reduction <add>, %select_n3A_38, %reduce_sum3A_44 [1] : vector<512x64xf32> to vector<512xf32>
    %gt3A = arith.constant 0.000000e+00 : f32
    %gt3A_46 = vector.broadcast %gt3A : f32 to vector<512xf32>
    %gt3A_47 = arith.cmpf ogt, %reduce_sum3A_45, %gt3A_46 : vector<512xf32>
    %squeeze3A = vector.shape_cast %broadcast_in_dim3A_17 : vector<512x1xi32> to vector<512xi32>
    %mul3A_48 = arith.constant 128 : i32
    %mul3A_49 = vector.broadcast %mul3A_48 : i32 to vector<512xi32>
    %mul3A_50 = arith.muli %squeeze3A, %mul3A_49 : vector<512xi32>
    %convert_element_type3A_51 = arith.fptosi %reduce_sum3A_40 : vector<512xf32> to vector<512xi32>
    %add3A_52 = arith.addi %mul3A_50, %convert_element_type3A_51 : vector<512xi32>
    %jit3A_53 = arith.constant 8319 : i32
    %broadcast_in_dim3A_54 = vector.broadcast %jit3A_53 : i32 to vector<512xi32>
    %select_n3A_55 = arith.select %gt3A_47, %add3A_52, %broadcast_in_dim3A_54 : vector<512xi1>, vector<512xi32>
    %reshape3A = vector.shape_cast %select_n3A_55 : vector<512xi32> to vector<1x1x512xi32>
    %swap3A = arith.constant 0 : index
    %swap3A_56 = arith.constant 0 : index
    %swap3A_57 = arith.constant 0 : index
    %swap3A_58 = vector.load %arg3[%swap3A, %swap3A_56, %swap3A_57] : memref<1x1x512xi32, #tpu.memory_space<vmem>>, vector<1x1x512xi32>
    tpu.vector_store %arg3[%swap3A, %swap3A_56, %swap3A_57], %reshape3A {strides = array<i32>} : memref<1x1x512xi32, #tpu.memory_space<vmem>>, vector<1x1x512xi32>,
    %jit3A_59 = arith.constant 8192 : i32
    %broadcast_in_dim3A_60 = vector.broadcast %jit3A_59 : i32 to vector<512xi32>
    %select_n3A_61 = arith.select %gt3A_47, %add3A_52, %broadcast_in_dim3A_60 : vector<512xi1>, vector<512xi32>
    %reshape3A_62 = vector.shape_cast %select_n3A_61 : vector<512xi32> to vector<1x1x512xi32>
    %swap3A_63 = arith.constant 0 : index
    %swap3A_64 = arith.constant 0 : index
    %swap3A_65 = arith.constant 0 : index
    %swap3A_66 = vector.load %arg4[%swap3A_63, %swap3A_64, %swap3A_65] : memref<1x1x512xi32, #tpu.memory_space<vmem>>, vector<1x1x512xi32>
    tpu.vector_store %arg4[%swap3A_63, %swap3A_64, %swap3A_65], %reshape3A_62 {strides = array<i32>} : memref<1x1x512xi32, #tpu.memory_space<vmem>>, vector<1x1x512xi32>,
    %broadcast_in_dim3A_67 = vector.shape_cast %reduce_sum3A_43 : vector<512xf32> to vector<512x1xf32>
    %broadcast_in_dim3A_68 = vector.shape_cast %broadcast_in_dim3A_67 : vector<512x1xf32> to vector<512x1xf32>
    %broadcast_in_dim3A_69 = vector.broadcast %broadcast_in_dim3A_68 : vector<512x1xf32> to vector<512x128xf32>
    %swap3A_70 = arith.constant 0 : index
    %swap3A_71 = arith.constant 0 : index
    %swap3A_72 = vector.load %arg5[%swap3A_70, %swap3A_71] : memref<512x128xf32, #tpu.memory_space<vmem>>, vector<512x128xf32>
    tpu.vector_store %arg5[%swap3A_70, %swap3A_71], %broadcast_in_dim3A_69 {strides = array<i32>} : memref<512x128xf32, #tpu.memory_space<vmem>>, vector<512x128xf32>,
    %bitcast_convert_type3A = tpu.bitcast %get3A_3 : vector<512x1024xf32> -> vector<512x1024xi32>
    %add3A_73 = arith.constant 32767 : i32
    %add3A_74 = vector.broadcast %add3A_73 : i32 to vector<512x1024xi32>
    %add3A_75 = arith.addi %bitcast_convert_type3A, %add3A_74 : vector<512x1024xi32>
    %shift_right_logical3A = arith.constant 16 : i32
    %shift_right_logical3A_76 = vector.broadcast %shift_right_logical3A : i32 to vector<512x1024xi32>
    %shift_right_logical3A_77 = arith.shrui %bitcast_convert_type3A, %shift_right_logical3A_76 : vector<512x1024xi32>
    %and3A = arith.constant 1 : i32
    %and3A_78 = vector.broadcast %and3A : i32 to vector<512x1024xi32>
    %and3A_79 = arith.andi %shift_right_logical3A_77, %and3A_78 : vector<512x1024xi32>
    %add3A_80 = arith.addi %add3A_75, %and3A_79 : vector<512x1024xi32>
    %slice3A = vector.extract_strided_slice %add3A_80 {offsets = [0, 0], sizes = [512, 512], strides = [1, 1]} : vector<512x1024xi32> to vector<512x512xi32>
    %and3A_81 = arith.constant -65536 : i32
    %and3A_82 = vector.broadcast %and3A_81 : i32 to vector<512x512xi32>
    %and3A_83 = arith.andi %slice3A, %and3A_82 : vector<512x512xi32>
    %slice3A_84 = vector.extract_strided_slice %add3A_80 {offsets = [0, 512], sizes = [512, 512], strides = [1, 1]} : vector<512x1024xi32> to vector<512x512xi32>
    %shift_right_logical3A_85 = arith.constant 16 : i32
    %shift_right_logical3A_86 = vector.broadcast %shift_right_logical3A_85 : i32 to vector<512x512xi32>
    %shift_right_logical3A_87 = arith.shrui %slice3A_84, %shift_right_logical3A_86 : vector<512x512xi32>
    %or3A = arith.ori %and3A_83, %shift_right_logical3A_87 : vector<512x512xi32>
    %swap3A_88 = arith.constant 0 : index
    %swap3A_89 = arith.constant 0 : index
    %swap3A_90 = vector.load %arg6[%swap3A_88, %swap3A_89] : memref<512x512xi32, #tpu.memory_space<vmem>>, vector<512x512xi32>
    tpu.vector_store %arg6[%swap3A_88, %swap3A_89], %or3A {strides = array<i32>} : memref<512x512xi32, #tpu.memory_space<vmem>>, vector<512x512xi32>,
    %get3A_91 = arith.constant 0 : index
    %get3A_92 = arith.constant 0 : index
    %get3A_93 = vector.load %arg9[%get3A_91, %get3A_92] : memref<1x64xf32, #tpu.memory_space<vmem>>, vector<1x64xf32>
    %reduce_sum3A_94 = arith.constant dense<0.000000e+00> : vector<64xf32>
    %reduce_sum3A_95 = vector.multi_reduction <add>, %div3A_12, %reduce_sum3A_94 [0] : vector<512x64xf32> to vector<64xf32>
    %broadcast_in_dim3A_96 = vector.shape_cast %reduce_sum3A_95 : vector<64xf32> to vector<1x64xf32>
    %add3A_97 = arith.addf %get3A_93, %broadcast_in_dim3A_96 : vector<1x64xf32>
    %swap3A_98 = arith.constant 0 : index
    %swap3A_99 = arith.constant 0 : index
    %swap3A_100 = vector.load %arg9[%swap3A_98, %swap3A_99] : memref<1x64xf32, #tpu.memory_space<vmem>>, vector<1x64xf32>
    tpu.vector_store %arg9[%swap3A_98, %swap3A_99], %add3A_97 {strides = array<i32>} : memref<1x64xf32, #tpu.memory_space<vmem>>, vector<1x64xf32>,
    %get3A_101 = arith.constant 0 : index
    %get3A_102 = arith.constant 0 : index
    %get3A_103 = vector.load %arg8[%get3A_101, %get3A_102] : memref<1x64xf32, #tpu.memory_space<vmem>>, vector<1x64xf32>
    %slice3A_104 = vector.extract_strided_slice %dot_general3A_26 {offsets = [511, 0], sizes = [1, 64], strides = [1, 1]} : vector<512x64xf32> to vector<1x64xf32>
    %add3A_105 = arith.addf %get3A_103, %slice3A_104 : vector<1x64xf32>
    %swap3A_106 = arith.constant 0 : index
    %swap3A_107 = arith.constant 0 : index
    %swap3A_108 = vector.load %arg8[%swap3A_106, %swap3A_107] : memref<1x64xf32, #tpu.memory_space<vmem>>, vector<1x64xf32>
    tpu.vector_store %arg8[%swap3A_106, %swap3A_107], %add3A_105 {strides = array<i32>} : memref<1x64xf32, #tpu.memory_space<vmem>>, vector<1x64xf32>,
    %eq3A_109 = arith.constant 15 : i32
    %eq3A_110 = arith.cmpi eq, %arg0, %eq3A_109 : i32
    %convert_element_type3A_111 = arith.extui %eq3A_110 : i1 to i32
    %cond3A_112 = arith.constant 0 : i32
    %cond3A_113 = arith.cmpi ne, %convert_element_type3A_111, %cond3A_112 : i32
    scf.if %cond3A_113 {
      %get3A_114 = arith.constant 0 : index
      %get3A_115 = arith.constant 0 : index
      %get3A_116 = vector.load %arg9[%get3A_114, %get3A_115] : memref<1x64xf32, #tpu.memory_space<vmem>>, vector<1x64xf32>
      %get3A_117 = arith.constant 0 : index
      %get3A_118 = arith.constant 0 : index
      %get3A_119 = vector.load %arg8[%get3A_117, %get3A_118] : memref<1x64xf32, #tpu.memory_space<vmem>>, vector<1x64xf32>
      %mul3A_120 = arith.mulf %get3A_116, %get3A_119 : vector<1x64xf32>
      %reduce_sum3A_121 = vector.shape_cast %mul3A_120 : vector<1x64xf32> to vector<1x1x64xf32>
      %reduce_sum3A_122 = arith.constant dense<0.000000e+00> : vector<1xf32>
      %reduce_sum3A_123 = vector.multi_reduction <add>, %reduce_sum3A_121, %reduce_sum3A_122 [1, 2] : vector<1x1x64xf32> to vector<1xf32>
      %reduce_sum3A_124 = vector.shape_cast %reduce_sum3A_123 : vector<1xf32> to vector<1x1x1xf32>
      %reduce_sum3A_125 = vector.extract %reduce_sum3A_124[0, 0, 0] : f32 from vector<1x1x1xf32>
      %mul3A_126 = arith.constant 9.53674316E-7 : f32
      %mul3A_127 = arith.mulf %reduce_sum3A_125, %mul3A_126 : f32
      %swap3A_128 = arith.constant 0 : index
      %swap3A_129 = arith.constant 0 : index
      %swap3A_130 = memref.load %arg7[%swap3A_128, %swap3A_129] : memref<1x1xf32, #tpu.memory_space<smem>>
      memref.store %mul3A_127, %arg7[%swap3A_128, %swap3A_129] : memref<1x1xf32, #tpu.memory_space<smem>>
    } else {
    }
    return
  }
  func.func @transform_0(%arg0: i32) -> (i32, i32) {
    %c0_i32 = arith.constant 0 : i32
    %c0_i32_0 = arith.constant 0 : i32
    return %arg0, %c0_i32 : i32, i32
  }
  func.func @transform_1(%arg0: i32) -> (i32, i32) {
    %c0_i32 = arith.constant 0 : i32
    %c0_i32_0 = arith.constant 0 : i32
    %c0_i32_1 = arith.constant 0 : i32
    return %c0_i32, %c0_i32_0 : i32, i32
  }
  func.func @transform_2(%arg0: i32) -> (i32, i32, i32) {
    %c0_i32 = arith.constant 0 : i32
    %c0_i32_0 = arith.constant 0 : i32
    %c0_i32_1 = arith.constant 0 : i32
    return %arg0, %c0_i32, %c0_i32_0 : i32, i32, i32
  }
  func.func @transform_3(%arg0: i32) -> (i32, i32, i32) {
    %c0_i32 = arith.constant 0 : i32
    %c0_i32_0 = arith.constant 0 : i32
    %c0_i32_1 = arith.constant 0 : i32
    return %arg0, %c0_i32, %c0_i32_0 : i32, i32, i32
  }
  func.func @transform_4(%arg0: i32) -> (i32, i32) {
    %c0_i32 = arith.constant 0 : i32
    %c0_i32_0 = arith.constant 0 : i32
    return %arg0, %c0_i32 : i32, i32
  }
  func.func @transform_5(%arg0: i32) -> (i32, i32) {
    %c0_i32 = arith.constant 0 : i32
    %c0_i32_0 = arith.constant 0 : i32
    return %arg0, %c0_i32 : i32, i32
  }
  func.func @transform_6(%arg0: i32) -> (i32, i32) {
    %c0_i32 = arith.constant 0 : i32
    %c0_i32_0 = arith.constant 0 : i32
    %c0_i32_1 = arith.constant 0 : i32
    return %c0_i32, %c0_i32_0 : i32, i32
  }
}

module attributes {stable_mosaic.version = 14 : i64} {
  func.func @_ffn_body(%arg0: i32, %arg1: memref<128x512xi32, #tpu.memory_space<vmem>>, %arg2: memref<128x128xf32, #tpu.memory_space<vmem>>, %arg3: memref<1x1024x1024xf32, #tpu.memory_space<vmem>>, %arg4: memref<1x1x1024xf32, #tpu.memory_space<vmem>>, %arg5: memref<1x1024x1024xf32, #tpu.memory_space<vmem>>, %arg6: memref<1x1x1024xf32, #tpu.memory_space<vmem>>, %arg7: memref<128x1024xf32, #tpu.memory_space<vmem>>) attributes {dimension_semantics = [#tpu.dimension_semantics<arbitrary>], iteration_bounds = array<i64: 65>, scalar_prefetch = 0 : i64, scratch_operands = 0 : i64, tpu.core_type = #tpu.core_type<tc>, window_params = [{transform_indices = @transform_0, window_bounds = array<i64: 128, 512>}, {transform_indices = @transform_1, window_bounds = array<i64: 128, 128>}, {transform_indices = @transform_2, window_bounds = array<i64: 1, 1024, 1024>}, {transform_indices = @transform_3, window_bounds = array<i64: 1, 1, 1024>}, {transform_indices = @transform_4, window_bounds = array<i64: 1, 1024, 1024>}, {transform_indices = @transform_5, window_bounds = array<i64: 1, 1, 1024>}, {transform_indices = @transform_6, window_bounds = array<i64: 128, 1024>}]} {
    %get3A = arith.constant 0 : index
    %get3A_0 = arith.constant 0 : index
    %get3A_1 = vector.load %arg1[%get3A, %get3A_0] : memref<128x512xi32, #tpu.memory_space<vmem>>, vector<128x512xi32>
    %and3A = arith.constant -65536 : i32
    %and3A_2 = vector.broadcast %and3A : i32 to vector<128x512xi32>
    %and3A_3 = arith.andi %get3A_1, %and3A_2 : vector<128x512xi32>
    %bitcast_convert_type3A = tpu.bitcast %and3A_3 : vector<128x512xi32> -> vector<128x512xf32>
    %shift_left3A = arith.constant 16 : i32
    %shift_left3A_4 = vector.broadcast %shift_left3A : i32 to vector<128x512xi32>
    %shift_left3A_5 = arith.shli %get3A_1, %shift_left3A_4 : vector<128x512xi32>
    %bitcast_convert_type3A_6 = tpu.bitcast %shift_left3A_5 : vector<128x512xi32> -> vector<128x512xf32>
    %concatenate3A = tpu.concatenate %bitcast_convert_type3A, %bitcast_convert_type3A_6 in 1 : vector<128x512xf32>, vector<128x512xf32> -> vector<128x1024xf32>
    %get3A_7 = arith.constant 0 : index
    %get3A_8 = arith.constant 0 : index
    %get3A_9 = arith.constant 0 : index
    %get3A_10 = vector.load %arg3[%get3A_7, %get3A_8, %get3A_9] : memref<1x1024x1024xf32, #tpu.memory_space<vmem>>, vector<1x1024x1024xf32>
    %get3A_11 = vector.shape_cast %get3A_10 : vector<1x1024x1024xf32> to vector<1024x1024xf32>
    %dot_general3A = arith.constant dense<0.000000e+00> : vector<128x1024xf32>
    %dot_general3A_12 = tpu.matmul %concatenate3A, %get3A_11, %dot_general3A {dimension_numbers = #tpu.dot_dimension_numbers<[1], [0], [0], [1], [0, 0, 1, 1], [], []>, transpose_lhs_hint = false} : vector<128x1024xf32>, vector<1024x1024xf32>, vector<128x1024xf32> -> vector<128x1024xf32>
    %get3A_13 = arith.constant 0 : index
    %get3A_14 = arith.constant 0 : index
    %get3A_15 = arith.constant 0 : index
    %get3A_16 = vector.load %arg4[%get3A_13, %get3A_14, %get3A_15] : memref<1x1x1024xf32, #tpu.memory_space<vmem>>, vector<1x1x1024xf32>
    %get3A_17 = vector.shape_cast %get3A_16 : vector<1x1x1024xf32> to vector<1x1024xf32>
    %add3A = vector.broadcast %get3A_17 : vector<1x1024xf32> to vector<128x1024xf32>
    %add3A_18 = arith.addf %dot_general3A_12, %add3A : vector<128x1024xf32>
    %max3A = arith.constant 0.000000e+00 : f32
    %max3A_19 = vector.broadcast %max3A : f32 to vector<128x1024xf32>
    %max3A_20 = arith.maximumf %add3A_18, %max3A_19 : vector<128x1024xf32>
    %get3A_21 = arith.constant 0 : index
    %get3A_22 = arith.constant 0 : index
    %get3A_23 = arith.constant 0 : index
    %get3A_24 = vector.load %arg5[%get3A_21, %get3A_22, %get3A_23] : memref<1x1024x1024xf32, #tpu.memory_space<vmem>>, vector<1x1024x1024xf32>
    %get3A_25 = vector.shape_cast %get3A_24 : vector<1x1024x1024xf32> to vector<1024x1024xf32>
    %dot_general3A_26 = arith.constant dense<0.000000e+00> : vector<128x1024xf32>
    %dot_general3A_27 = tpu.matmul %max3A_20, %get3A_25, %dot_general3A_26 {dimension_numbers = #tpu.dot_dimension_numbers<[1], [0], [0], [1], [0, 0, 1, 1], [], []>, transpose_lhs_hint = false} : vector<128x1024xf32>, vector<1024x1024xf32>, vector<128x1024xf32> -> vector<128x1024xf32>
    %get3A_28 = arith.constant 0 : index
    %get3A_29 = arith.constant 0 : index
    %get3A_30 = arith.constant 0 : index
    %get3A_31 = vector.load %arg6[%get3A_28, %get3A_29, %get3A_30] : memref<1x1x1024xf32, #tpu.memory_space<vmem>>, vector<1x1x1024xf32>
    %get3A_32 = vector.shape_cast %get3A_31 : vector<1x1x1024xf32> to vector<1x1024xf32>
    %add3A_33 = vector.broadcast %get3A_32 : vector<1x1024xf32> to vector<128x1024xf32>
    %add3A_34 = arith.addf %dot_general3A_27, %add3A_33 : vector<128x1024xf32>
    %get3A_35 = arith.constant 0 : index
    %get3A_36 = arith.constant 0 : index
    %get3A_37 = vector.load %arg2[%get3A_35, %get3A_36] : memref<128x128xf32, #tpu.memory_space<vmem>>, vector<128x1xf32>
    %mul3A = vector.broadcast %get3A_37 : vector<128x1xf32> to vector<128x1024xf32>
    %mul3A_38 = arith.mulf %add3A_34, %mul3A : vector<128x1024xf32>
    %swap3A = arith.constant 0 : index
    %swap3A_39 = arith.constant 0 : index
    %swap3A_40 = vector.load %arg7[%swap3A, %swap3A_39] : memref<128x1024xf32, #tpu.memory_space<vmem>>, vector<128x1024xf32>
    tpu.vector_store %arg7[%swap3A, %swap3A_39], %mul3A_38 {strides = array<i32>} : memref<128x1024xf32, #tpu.memory_space<vmem>>, vector<128x1024xf32>,
    return
  }
  func.func @transform_0(%arg0: i32) -> (i32, i32) {
    %c0_i32 = arith.constant 0 : i32
    %c0_i32_0 = arith.constant 0 : i32
    return %arg0, %c0_i32 : i32, i32
  }
  func.func @transform_1(%arg0: i32) -> (i32, i32) {
    %c0_i32 = arith.constant 0 : i32
    %c0_i32_0 = arith.constant 0 : i32
    return %arg0, %c0_i32 : i32, i32
  }
  func.func @transform_2(%arg0: i32) -> (i32, i32, i32) {
    %min3A = arith.constant 63 : i32
    %min3A_0 = arith.minsi %arg0, %min3A : i32
    %c0_i32 = arith.constant 0 : i32
    %c0_i32_1 = arith.constant 0 : i32
    %c0_i32_2 = arith.constant 0 : i32
    return %min3A_0, %c0_i32, %c0_i32_1 : i32, i32, i32
  }
  func.func @transform_3(%arg0: i32) -> (i32, i32, i32) {
    %min3A = arith.constant 63 : i32
    %min3A_0 = arith.minsi %arg0, %min3A : i32
    %c0_i32 = arith.constant 0 : i32
    %c0_i32_1 = arith.constant 0 : i32
    %c0_i32_2 = arith.constant 0 : i32
    return %min3A_0, %c0_i32, %c0_i32_1 : i32, i32, i32
  }
  func.func @transform_4(%arg0: i32) -> (i32, i32, i32) {
    %min3A = arith.constant 63 : i32
    %min3A_0 = arith.minsi %arg0, %min3A : i32
    %c0_i32 = arith.constant 0 : i32
    %c0_i32_1 = arith.constant 0 : i32
    %c0_i32_2 = arith.constant 0 : i32
    return %min3A_0, %c0_i32, %c0_i32_1 : i32, i32, i32
  }
  func.func @transform_5(%arg0: i32) -> (i32, i32, i32) {
    %min3A = arith.constant 63 : i32
    %min3A_0 = arith.minsi %arg0, %min3A : i32
    %c0_i32 = arith.constant 0 : i32
    %c0_i32_1 = arith.constant 0 : i32
    %c0_i32_2 = arith.constant 0 : i32
    return %min3A_0, %c0_i32, %c0_i32_1 : i32, i32, i32
  }
  func.func @transform_6(%arg0: i32) -> (i32, i32) {
    %c0_i32 = arith.constant 0 : i32
    %c0_i32_0 = arith.constant 0 : i32
    return %arg0, %c0_i32 : i32, i32
  }
}

</mosaic_0001>

<sc_bundles>
// kernel: kernel.6.cloned.1.call-start
scs
__scs_entry_jumppad:
0x0: {  	(pc) =	sbr.rel $0x88, $3  }
0x1: {  	(tag) =	ssettag $0x0;
	lr =	simm.s32 $0x1  }
0x2: {  	[smem:$0x3F9B] =	sst lr;
	_ =	strace $0xD0000000  }
0x3: {  	_ = 	snop  }
0x4: {  	_ = 	snop  }
0x5: {  	_ = 	snop  }
0x6: {  	_ = 	snop  }
0x7: {  	_ = 	snop  }
__scs_overlays_trampoline_lowered:
0x8: {  	[smem:$0x3FAA] =	sst s0  }
0x9: {  	[smem:$0x3FAB] =	sst s1  }
0xa: {  	[smem:$0x3FAC] =	sst s2  }
0xb: {  	[smem:$0x3FAD] =	sst s3  }
0xc: {  	[smem:$0x3FAE] =	sst s4  }
0xd: {  	[smem:$0x3FAF] =	sst s5  }
0xe: {  	[smem:$0x3FB0] =	sst s6  }
0xf: {  	[smem:$0x3FB1] =	sst s7  }
0x10: {  	[smem:$0x3FB2] =	sst s8  }
0x11: {  	[smem:$0x3FB3] =	sst s9;
	s0 =	simm.s32 @!p0 $0x0  }
0x12: {  	s1 =	sld [smem:$0x3F99];
	s0 =	simm.s32 @p0 $0x1  }
0x13: {  	[smem:$0x3FB4] =	sst s0;
	s0 =	simm.s32 @!p1 $0x0  }
0x14: {  	s2 =	sld [smem:$0x3F98];
	s0 =	simm.s32 @p1 $0x1  }
0x15: {  	[smem:$0x3FB5] =	sst s0;
	s0 =	simm.s32 @!p2 $0x0  }
0x16: {  	s3 =	sld [smem:$0x3FDB];
	s0 =	simm.s32 @p2 $0x1  }
0x17: {  	s4 =	simm.s32 $0x1BF5;
	[smem:$0x3FB7] =	sst s0  }
0x18: {  	s0 =	sld [smem:$0x3F9A];
	_ =	swait.ge [sflag:s4], $0x0  }
0x19: {  	s7 =	sld [smem:$0x3F9B]  }
0x1a: {  	s8 =	sadd.s32 $0xFFFFE003, lr  }
0x1b: {  	s9 =	sadd.s32 $0xFFFFFEF7, lr;
	s5 =	simm.s32 $0xFFFFFFFF;
	p2 =	slt.u32 s8, $0xFFFFF086  }
0x1c: {  	p1 =	slt.u32 s9, $0xF7A;
	s5 =	simm.s32 @!p2 $0x0  }
0x1d: {  	s5 =	simm.s32 @p1 $0x1;
	p0 =	seq.s32 s7, s2  }
0x1e: {  	s7 =	smul.u32 @!p0 $0xF7A, s2;
	p2 =	seq.s32 @!p0 s5, $0x0  }
0x1f: {  	s9 =	smul.u32 $0xF7A, s1;
	s8 =	simm.s32 @!p0 $0x1BF5;
	p2 =	por !p2, p0  }
0x20: {  	[sflag:s8] =	ssyncset.s32 @!p0 $0xFFFFF086;
	s6 =	sadd.s32 @!p0 s3, s7;
	s7 =	simm.s32 @!p0 $0x108  }
0x21: {  	s3 =	sadd.s32 s3, s9;
	s6 =	sadd.s32 @!p0 $0x88, s6;
	s7 =	simm.s32 @p2 $0x1082  }
0x22: {  	[simem:s7], [sflag:s8] =	dma.local @!p0 [hbm:s6], $0xF7A  }
0x23: {  	s9 =	sor.u32 $0xD0000000, s2;
	s6 =	simm.s32 $0x108;
	_ =	swait.ge @!p0 [sflag:s8], $0x0  }
0x24: {  	s3 =	sadd.s32 $0x88, s3;
	s6 =	simm.s32 @!p1 $0x1082;
	[sflag:s4] =	ssyncset.s32 $0xFFFFF086  }
0x25: {  	[simem:s6], [sflag:s4] =	dma.local [hbm:s3], $0xF7A  }
0x26: {  	[smem:$0x3F9B] =	sst s1;
	(tag) =	ssettag s2;
	_ =	strace s9  }
0x27: {  	s1 =	sld [smem:$0x3FAB]  }
0x28: {  	s2 =	sld [smem:$0x3FAC]  }
0x29: {  	s4 =	sld [smem:$0x3FAE]  }
0x2a: {  	p0 =	seq.s32 s5, $0x0;
	s5 =	sld [smem:$0x3FAF]  }
0x2b: {  	s6 =	sld [smem:$0x3FB0]  }
0x2c: {  	s7 =	sld [smem:$0x3FB1]  }
0x2d: {  	s3 =	simm.s32 $0x108;
	s8 =	sld [smem:$0x3FB2]  }
0x2e: {  	s3 =	simm.s32 @!p0 $0x1082;
	s9 =	sld [smem:$0x3FB3]  }
0x2f: {  	lr =	sadd.s32 s0, s3;
	s0 =	sld [smem:$0x3FAA]  }
0x30: {  	s3 =	sld [smem:$0x3FAD]  }
0x31: {  	[smem:$0x3FB6] =	sst s10  }
0x32: {  	s10 =	sld [smem:$0x3FB4];
	_ =	sdelay $0x3  }
0x33: {  	p0 =	seq.s32 s10, $0x1;
	s10 =	sld [smem:$0x3FB6];
	_ =	sdelay $0x3  }
0x34: {  	[smem:$0x3FB6] =	sst s10  }
0x35: {  	s10 =	sld [smem:$0x3FB5];
	_ =	sdelay $0x3  }
0x36: {  	p1 =	seq.s32 s10, $0x1;
	s10 =	sld [smem:$0x3FB6];
	_ =	sdelay $0x3  }
0x37: {  	[smem:$0x3FB6] =	sst s10  }
0x38: {  	s10 =	sld [smem:$0x3FB7]  }
0x39: {  	_ = 	snop;
	(pc) =	sbr.ind lr, $3  }
0x3a: {  	_ = 	snop  }
0x3b: {  	_ = 	snop  }
0x3c: {  	p2 =	seq.s32 s10, $0x1;
	s10 =	sld [smem:$0x3FB6]  }
0x3d: {  	_ =	shalt  }
0x3e: {  	_ =	shalt  }
0x3f: {  	_ =	shalt  }
0x40: {  	_ =	shalt  }
0x41: {  	_ =	shalt  }
0x42: {  	_ =	shalt  }
0x43: {  	_ =	shalt  }
0x44: {  	_ =	shalt  }
0x45: {  	_ =	shalt  }
0x46: {  	_ =	shalt  }
0x47: {  	_ =	shalt  }
0x48: {  	_ =	shalt  }
0x49: {  	_ =	shalt  }
0x4a: {  	_ =	shalt  }
0x4b: {  	_ =	shalt  }
0x4c: {  	_ =	shalt  }
0x4d: {  	_ =	shalt  }
0x4e: {  	_ =	shalt  }
0x4f: {  	_ =	shalt  }
0x50: {  	_ =	shalt  }
0x51: {  	_ =	shalt  }
0x52: {  	_ =	shalt  }
0x53: {  	_ =	shalt  }
0x54: {  	_ =	shalt  }
0x55: {  	_ =	shalt  }
0x56: {  	_ =	shalt  }
0x57: {  	_ =	shalt  }
0x58: {  	_ =	shalt  }
0x59: {  	_ =	shalt  }
0x5a: {  	_ =	shalt  }
0x5b: {  	_ =	shalt  }
0x5c: {  	_ =	shalt  }
0x5d: {  	_ =	shalt  }
0x5e: {  	_ =	shalt  }
0x5f: {  	_ =	shalt  }
0x60: {  	_ =	shalt  }
0x61: {  	_ =	shalt  }
0x62: {  	_ =	shalt  }
0x63: {  	_ =	shalt  }
0x64: {  	_ =	shalt  }
0x65: {  	_ =	shalt  }
0x66: {  	_ =	shalt  }
0x67: {  	_ =	shalt  }
0x68: {  	_ =	shalt  }
0x69: {  	_ =	shalt  }
0x6a: {  	_ =	shalt  }
0x6b: {  	_ =	shalt  }
0x6c: {  	_ =	shalt  }
0x6d: {  	_ =	shalt  }
0x6e: {  	_ =	shalt  }
0x6f: {  	_ =	shalt  }
0x70: {  	_ =	shalt  }
0x71: {  	_ =	shalt  }
0x72: {  	_ =	shalt  }
0x73: {  	_ =	shalt  }
0x74: {  	_ =	shalt  }
0x75: {  	_ =	shalt  }
0x76: {  	_ =	shalt  }
0x77: {  	_ =	shalt  }
0x78: {  	_ =	shalt  }
0x79: {  	_ =	shalt  }
0x7a: {  	_ =	shalt  }
0x7b: {  	_ =	shalt  }
0x7c: {  	_ =	shalt  }
0x7d: {  	_ =	shalt  }
0x7e: {  	_ =	shalt  }
0x7f: {  	_ =	shalt  }
0x80: {  	_ =	shalt  }
0x81: {  	_ =	shalt  }
0x82: {  	_ =	shalt  }
0x83: {  	_ =	shalt  }
0x84: {  	_ =	shalt  }
0x85: {  	_ =	shalt  }
0x86: {  	_ =	shalt  }
0x87: {  	_ =	shalt  }
.Lfunc_end0:
.L_simem_size_0:
called_computation_lowered:
.L_overlay_start_0:
0x88: {  	s2 =	sld [smem:$0x3FD9]  }
0x89: {  	s3 =	sld [smem:$0x3FFE];
	_ =	sdelay $0x1  }
0x8a: {  	s1 =	srdreg.scid  }
0x8b: {  	s0 =	sand.u32 $0x1, s1  }
0x8c: {  	s14 =	sshll.u32 s0, $0xA;
	s2 =	sadd.s32 s3, s2  }
0x8d: {  	s2 =	sadd.s32 s2, s14  }
0x8e: {  	[smem:$0x3FC2] =	sst s2  }
0x8f: {  	_ = 	snop  }
0x90: {  	s2 =	sld [smem:$0x3FD0];
	_ =	sdelay $0x2  }
0x91: {  	s15 =	simm.s32 $0xA;
	s4 =	simm.s32 $0x10  }
0x92: {  	[smem:s4], [sflag:s15] =	dma.local [hbm:s2], $0x1  }
0x93: {  	_ =	swait.eq [sflag:s15], $0x1  }
0x94: {  	[sflag:s15] =	ssyncset.done $0x0  }
0x95: {  	[sflag:s15] =	ssyncadd.s32 $0xFFFFFFFF  }
0x96: {  	s16 =	sld [smem:$0x10];
	(tm) =	ssettm $0x1  }
0x97: {  	s17 =	sld [smem:$0x3FFB];
	_ =	sdelay $0x3  }
0x98: {  	_ =	strace s17  }
0x99: {  	s3 =	sld [smem:$0x3FFC];
	_ =	sdelay $0x3  }
0x9a: {  	_ =	strace s3  }
0x9b: {  	s3 =	sld [smem:$0x3FFD];
	_ =	sdelay $0x3  }
0x9c: {  	_ =	strace s3  }
0x9d: {  	_ =	strace $0x8FFFFFFF  }
0x9e: {  	s18 =	sld [smem:$0x3FDB];
	_ =	sdelay $0x1  }
0x9f: {  	s19 =	simm.s32 $_scs_section_size  }
0xa0: {  	s5 =	simm.s32 $_size__tile_overlayer_lowered;
	s6 =	simm.s32 $_tile_overlayer_lowered  }
0xa1: {  	s22 =	simm.s32 $0x1BFF;
	s21 =	sshll.u32 s6, $0x1;
	s3 =	sadd.s32 s19, s18  }
0xa2: {  	s7 =	simm.s32 $0x0;
	s20 =	sshll.u32 s5, $0x1;
	s5 =	sadd.s32 s21, s3  }
0xa3: {  	[timem:s7], [sflag:s22] =	dma.local [hbm:s5], s20  }
0xa4: {  	_ =	swait.ge [sflag:s22], s20  }
0xa5: {  	s4 =	ssub.s32 $0x0, s20;
	[sflag:s22] =	ssyncset.done $0x0  }
0xa6: {  	[sflag:s22] =	ssyncadd.s32 s4;
	_ =	sdelay $0x1  }
0xa7: {  	s23 =	simm.s32 $0x1B8B  }
0xa8: {  	_ =	swait.ge [sflag:s23], $0x1  }
0xa9: {  	[sflag:s23] =	ssyncset.done $0x0  }
0xaa: {  	s25 =	simm.s32 $0x1B8E;
	s24 =	sld [smem:$0x3FFE];
	[sflag:s23] =	ssyncadd.s32 $0xFFFFFFFF  }
0xab: {  	s26 =	simm.s32 $execute0_lowered;
	[smem:$0x3FD2] =	sst s25  }
0xac: {  	s5 =	sshll.u32 s26, $0x1;
	_ =	strace $0x80000046;
	[dreg:$0x1] =	wrdreg $0xFFFFFFFF  }
0xad: {  	s28 =	simm.s32 $_size_execute0_lowered;
	s3 =	sadd.s32 s3, s5;
	[dreg:$0x0] =	wrdreg $0x0  }
0xae: {  	s5 =	sshll.u32 s28, $0x1;
	[dreg:$0x2] =	wrdreg s3  }
0xaf: {  	[dreg:$0x3] =	wrdreg s5  }
0xb0: {  	[dreg:$0x4] =	wrdreg $0xC0  }
0xb1: {  	_ =	task [dreg:s7], $0x5FFFF  }
0xb2: {  	[dreg:$0x1] =	wrdreg $0xFFFFFFFF  }
0xb3: {  	[dreg:$0x0] =	wrdreg $0x60  }
0xb4: {  	[dreg:$0x2] =	wrdreg s24  }
0xb5: {  	[dreg:$0x3] =	wrdreg s16  }
0xb6: {  	[dreg:$0x4] =	wrdreg $0x9  }
0xb7: {  	_ =	task.clear_ibuf [dreg:s7], $0x5FFFF;
	_ =	strace $0x90000046  }
0xb8: {  	s29 =	simm.s32 $0x9;
	_ =	strace $0x80000048  }
0xb9: {  	_ =	swait.ge [sflag:s29], $0x1  }
0xba: {  	[sflag:s29] =	ssyncadd.s32 $0xFFFFFFFF  }
0xbb: {  	_ =	strace $0x90000048  }
0xbc: {  	_ =	sfence  }
0xbd: {  	s30 =	sld [smem:$0x0];
	_ =	sdelay $0x2  }
0xbe: {  	s31 =	sshll.u32 s1, $0xD;
	s1 =	sshrl.u32 s1, $0x2  }
0xbf: {  	s3 =	sand.u32 $0x4000, s31;
	s1 =	sadd.s32 s1, s30  }
0xc0: {  	s0 =	sor.u32 s3, s0;
	s1 =	sshll.u32 s1, $0x11  }
0xc1: {  	s0 =	sor.u32 s1, s0  }
0xc2: {  	s0 =	sadd.s32 $0x8F2B, s0  }
0xc3: {  	[sflag:s0] =	ssyncadd.remote.s32 $0x1  }
0xc4: {  	_ =	sfence.sel $0xFFFF  }
0xc5: {  	[dreg:$0x0] =	wrdreg $0xFFFFFFFF;
	(pc) =	sbr.abs _section_cstart, $3  }
0xc6: {  	[dreg:$0x1] =	wrdreg $0xFFFFFFFF  }
0xc7: {  	_ =	task.clear_ibuf [dreg:s7], $0x2FFFF;
	_ =	strace $0x9FFFFFFF  }
0xc8: {  	(tm) =	ssettm $0x7FFFFFFF  }
0xc9: {  	_ =	shalt  }
tec
execute0_lowered:
.L_overlay_start_1:
0x0: {  	(tag) =	ssettag $0x1  }
0x1: {  	s0 =	rddreg [dreg:$0x0]  }
0x2: {  	s2 =	rddreg [dreg:$0x1]  }
0x3: {  	s1 =	srdreg.scid;
	s3 =	simm.s32 $0x0;
	s11 =	stileid.u32  }
0x4: {  	s29 =	simm.s32 $0x1;
	s30 =	simm.s32 $0x4A00;
	s28 =	simm.s32 $0x6A00  }
0x5: {  	s31 =	simm.s32 $0x7A00;
	s1 =	sand.u32 $0x1, s1;
	[smem:$0x7FF] =	sst s3  }
0x6: {  	s4 =	sshll.u32 s11, $0xA;
	s7 =	sadd.s32 $0x1000, s0;
	s8 =	sadd.s32 $0x81000, s0  }
0x7: {  	s26 =	sadd.s32 $0xA1800, s0;
	s12 =	sshll.u32 s11, $0x1;
	s5 =	sshll.u32 s1, $0x9  }
0x8: {  	_ =	strace $0x80000047;
	s6 =	ssub.s32 $0x2, s1;
	s1 =	sor.u32 s1, s12  }
0x9: {  	[dreg:$0xe] =	wrdreg s26;
	s12 =	sadd.s32 $0x100, s2;
	s4 =	sor.u32 s5, s4  }
0xa: {  	s10 =	sshrl.u32 s6, $0x1;
	s17 =	sshll.u32 s1, $0x5;
	s18 =	sshll.u32 s1, $0xE  }
0xb: {  	s1 =	sshll.u32 s1, $0xC;
	s4 =	sshrl.u32 s4, $0x3;
	s19 =	sor.u32 $0x8, s17  }
0xc: {  	s1 =	sadd.s32 s8, s1;
	s22 =	sor.u32 $0x10, s17;
	s9 =	sadd.s32 s4, s0  }
0xd: {  	s0 =	ssub.s32 s6, s10;
	s10 =	sor.u32 $0x400, s11;
	[dreg:$0x6] =	wrdreg s1  }
0xe: {  	s20 =	sshll.u32 s19, $0x9;
	s21 =	sshll.u32 s19, $0x7;
	s23 =	sshll.u32 s22, $0x9  }
0xf: {  	s24 =	sshll.u32 s22, $0x7;
	s22 =	simm.s32 $0x0;
	s11 =	simm.s32 $0x3200  }
0x10: {  	s19 =	simm.s32 $0x6200;
	s13 =	sshll.u32 s10, $0xC;
	s6 =	sshll.u32 s10, $0xA  }
0x11: {  	s15 =	sadd.s32 $0xA1000, s9;
	s9 =	sadd.s32 s7, s18;
	s1 =	sadd.s32 s7, s20  }
0x12: {  	s0 =	smax.u32 s0, $0x1;
	s18 =	simm.s32 $0x5200;
	[dreg:$0x3] =	wrdreg s15  }
0x13: {  	s20 =	simm.s32 $0x4;
	s10 =	simm.s32 $0x12200;
	[dreg:$0x5] =	wrdreg s9  }
0x14: {  	s14 =	sor.u32 s5, s13;
	s5 =	sor.u32 s5, s6;
	[dreg:$0x7] =	wrdreg s1  }
0x15: {  	s1 =	sadd.s32 s8, s21;
	[dreg:$0xd] =	wrdreg s0;
	s15 =	simm.s32 $0x1200  }
0x16: {  	s13 =	simm.s32 $0x3A00;
	s21 =	simm.s32 $0x5A00;
	s16 =	sshrl.u32 s14, $0x3  }
0x17: {  	s5 =	sshrl.u32 s5, $0x3;
	[dreg:$0x8] =	wrdreg s1;
	s1 =	sadd.s32 s7, s23  }
0x18: {  	s23 =	simm.s32 $0x200;
	s14 =	simm.s32 $0x4200;
	s6 =	sadd.s32 s2, s16  }
0x19: {  	s5 =	sadd.s32 s26, s5;
	[dreg:$0x9] =	wrdreg s1;
	s1 =	sadd.s32 s8, s24  }
0x1a: {  	s24 =	simm.s32 $0x10200;
	[dreg:$0x4] =	wrdreg s5;
	s5 =	sor.u32 $0x18, s17  }
0x1b: {  	s16 =	simm.s32 $0x3;
	[dreg:$0xf] =	wrdreg s6;
	s25 =	sshll.u32 s5, $0x9  }
0x1c: {  	v0 =	vimm.s32 $0x0;
	v4 =	vlaneseq.u32;
	[dreg:$0xa] =	wrdreg s1;
	s5 =	sshll.u32 s5, $0x7;
	s1 =	sadd.s32 s7, s25  }
0x1d: {  	v1 =	vimm.f32 $0.0e+00;
	vm0 =	vmmov $0xffff;
	v3 =	vshrl.u32 v4, $0x3;
	s17 =	simm.s32 $0x7200;
	s26 =	sadd.s32 s8, s5;
	[dreg:$0xb] =	wrdreg s1  }
0x1e: {  	v2 =	vand.u32 $0x7, v4;
	v4 =	vor.u32 $0x8, v4;
	v3 =	vmul.u32 $0x8, v3;
	s25 =	simm.s32 $0xA00;
	[dreg:$0xc] =	wrdreg s26;
	s26 =	simm.s32 $0x8200  }
.LBB2_1:
0x1f: {  	s5 =	rddreg [dreg:$0x3];
	s8 =	simm.s32 $0xA  }
0x20: {  	[tilespmem:s3], [sflag:$0xA] =	stream.linear.gather [hbm4b:s5+s3], $0x200, $0x38;
	[tilespmem:$0x14200] =	vst v63  }
0x21: {  	_ =	swait.ge [sflag:s8], $0x200  }
0x22: {  	s9 =	sand.u32 $0x70, s3;
	s7 =	sand.u32 $0xC00, s3;
	[sflag:s8] =	ssyncset.done $0x0  }
0x23: {  	s7 =	sor.u32 s9, s7;
	[sflag:s8] =	ssyncadd.s32 $0xFFFFFE00  }
0x24: {  	s5 =	simm.s32 $0x10;
	[tilespmem:s7+$0x200] =	vst v0;
	s7 =	simm.s32 $0x0  }
.LBB2_2:
0x25: {  	p0 =	sne.s32 s5, $0x1F0  }
.Ltmp0:
0x26: {  	_ = 	snop;
	(pc) =	sbr.rel @p0 .LBB2_2-.Ltmp0, $4  }
0x27: {  	s7 =	sadd.s32 $0x80, s7  }
0x28: {  	s8 =	sand.u32 $0x70, s5;
	s9 =	sand.u32 $0xC00, s7  }
0x29: {  	s8 =	sor.u32 s8, s9  }
0x2a: {  	s5 =	sadd.s32 $0x10, s5;
	[tilespmem:s8+$0x200] =	vst v0  }
0x2b: {  	[tilespmem:$0x10200] =	vst v1  }
0x2c: {  	[tilespmem:$0x10210] =	vst v1  }
0x2d: {  	[tilespmem:$0x10220] =	vst v1  }
0x2e: {  	[tilespmem:$0x10230] =	vst v1  }
0x2f: {  	[tilespmem:$0x10240] =	vst v1  }
0x30: {  	[tilespmem:$0x10250] =	vst v1;
	s5 =	simm.s32 $0x0  }
0x31: {  	[tilespmem:$0x10260] =	vst v1;
	s7 =	sand.u32 $0x70, s5;
	s8 =	sand.u32 $0xC00, s5  }
0x32: {  	[tilespmem:$0x10270] =	vst v1;
	s8 =	sor.u32 s7, s8  }
0x33: {  	s7 =	simm.s32 $0x10;
	[tilespmem:s8+$0x280] =	vst v0  }
.LBB2_4:
0x34: {  	p0 =	sne.s32 s7, $0x1F0  }
.Ltmp1:
0x35: {  	_ = 	snop;
	(pc) =	sbr.rel @p0 .LBB2_4-.Ltmp1, $4  }
0x36: {  	s5 =	sadd.s32 $0x80, s5  }
0x37: {  	s8 =	sand.u32 $0x70, s7;
	s9 =	sand.u32 $0xC00, s5  }
0x38: {  	s8 =	sor.u32 s8, s9  }
0x39: {  	s7 =	sadd.s32 $0x10, s7;
	[tilespmem:s8+$0x280] =	vst v0  }
0x3a: {  	[tilespmem:$0x10280] =	vst v1  }
0x3b: {  	[tilespmem:$0x10290] =	vst v1  }
0x3c: {  	[tilespmem:$0x102A0] =	vst v1  }
0x3d: {  	[tilespmem:$0x102B0] =	vst v1  }
0x3e: {  	[tilespmem:$0x102C0] =	vst v1  }
0x3f: {  	[tilespmem:$0x102D0] =	vst v1;
	s5 =	simm.s32 $0x0  }
0x40: {  	[tilespmem:$0x102E0] =	vst v1;
	s7 =	sand.u32 $0x70, s5;
	s8 =	sand.u32 $0xC00, s5  }
0x41: {  	[tilespmem:$0x102F0] =	vst v1;
	s8 =	sor.u32 s7, s8  }
0x42: {  	s7 =	simm.s32 $0x10;
	[tilespmem:s8+$0x300] =	vst v0  }
.LBB2_6:
0x43: {  	p0 =	sne.s32 s7, $0x1F0  }
.Ltmp2:
0x44: {  	_ = 	snop;
	(pc) =	sbr.rel @p0 .LBB2_6-.Ltmp2, $4  }
0x45: {  	s5 =	sadd.s32 $0x80, s5  }
0x46: {  	s8 =	sand.u32 $0x70, s7;
	s9 =	sand.u32 $0xC00, s5  }
0x47: {  	s8 =	sor.u32 s8, s9  }
0x48: {  	s7 =	sadd.s32 $0x10, s7;
	[tilespmem:s8+$0x300] =	vst v0  }
0x49: {  	[tilespmem:$0x10300] =	vst v1  }
0x4a: {  	[tilespmem:$0x10310] =	vst v1  }
0x4b: {  	[tilespmem:$0x10320] =	vst v1  }
0x4c: {  	[tilespmem:$0x10330] =	vst v1  }
0x4d: {  	[tilespmem:$0x10340] =	vst v1  }
0x4e: {  	[tilespmem:$0x10350] =	vst v1;
	s5 =	simm.s32 $0x0  }
0x4f: {  	[tilespmem:$0x10360] =	vst v1;
	s7 =	sand.u32 $0x70, s5;
	s8 =	sand.u32 $0xC00, s5  }
0x50: {  	[tilespmem:$0x10370] =	vst v1;
	s8 =	sor.u32 s7, s8  }
0x51: {  	s7 =	simm.s32 $0x10;
	[tilespmem:s8+$0x380] =	vst v0  }
.LBB2_8:
0x52: {  	p0 =	sne.s32 s7, $0x1F0  }
.Ltmp3:
0x53: {  	_ = 	snop;
	(pc) =	sbr.rel @p0 .LBB2_8-.Ltmp3, $4  }
0x54: {  	s5 =	sadd.s32 $0x80, s5  }
0x55: {  	s8 =	sand.u32 $0x70, s7;
	s9 =	sand.u32 $0xC00, s5  }
0x56: {  	s8 =	sor.u32 s8, s9  }
0x57: {  	s7 =	sadd.s32 $0x10, s7;
	[tilespmem:s8+$0x380] =	vst v0  }
0x58: {  	[tilespmem:$0x10380] =	vst v1  }
0x59: {  	[tilespmem:$0x10390] =	vst v1  }
0x5a: {  	[tilespmem:$0x103A0] =	vst v1  }
0x5b: {  	[tilespmem:$0x103B0] =	vst v1  }
0x5c: {  	[tilespmem:$0x103C0] =	vst v1  }
0x5d: {  	[tilespmem:$0x103D0] =	vst v1  }
0x5e: {  	[tilespmem:$0x103E0] =	vst v1  }
0x5f: {  	[tilespmem:$0x103F0] =	vst v1;
	s0 =	rddreg [dreg:$0xf]  }
0x60: {  	[hbm4b:s0+s3] =	stream.linear.scatter [tilespmem:s23], [sflag:$0x9], $0x200, $0x38;
	[tilespmem:$0x14200] =	vst v63  }
0x61: {  	s7 =	simm.s32 $0x600;
	s5 =	sadd.s32 $0x80, s0  }
0x62: {  	[hbm4b:s5+s3] =	stream.linear.scatter [tilespmem:s7], [sflag:$0x9], $0x200, $0x38;
	[tilespmem:$0x14200] =	vst v63  }
0x63: {  	s9 =	sadd.s32 $0x100, s0  }
0x64: {  	[hbm4b:s9+s3] =	stream.linear.scatter [tilespmem:s25], [sflag:$0x9], $0x200, $0x38;
	[tilespmem:$0x14200] =	vst v63  }
0x65: {  	s4 =	simm.s32 $0xE00;
	s1 =	sadd.s32 $0x180, s0  }
0x66: {  	[hbm4b:s1+s3] =	stream.linear.scatter [tilespmem:s4], [sflag:$0x9], $0x200, $0x38;
	[tilespmem:$0x14200] =	vst v63  }
0x67: {  	s6 =	rddreg [dreg:$0x4];
	s7 =	simm.s32 $0x9  }
0x68: {  	[hbm4b:s6+s3] =	stream.linear.scatter [tilespmem:s24], [sflag:$0x9], $0x200, $0x38;
	[tilespmem:$0x14200] =	vst v63  }
0x69: {  	_ =	swait.ge [sflag:s7], $0x800  }
0x6a: {  	[sflag:s7] =	ssyncset.done $0x0  }
0x6b: {  	[sflag:s7] =	ssyncadd.s32 $0xFFFFF800  }
0x6c: {  	_ =	swait.ge [sflag:s7], $0x200  }
0x6d: {  	[sflag:s7] =	ssyncset.done $0x0  }
0x6e: {  	s8 =	rddreg [dreg:$0x5];
	[sflag:s7] =	ssyncadd.s32 $0xFFFFFE00  }
0x6f: {  	[tilespmem:s23], [sflag:$0x1] =	stream.linear.gather [hbm4b:s8+s3], $0x8000, $0x38;
	[tilespmem:$0x14200] =	vst v63  }
0x70: {  	s9 =	rddreg [dreg:$0x6]  }
0x71: {  	[tilespmem:s24], [sflag:$0x3] =	stream.linear.gather [hbm4b:s9+s3], $0x2000, $0x38;
	[tilespmem:$0x14200] =	vst v63  }
0x72: {  	s0 =	rddreg [dreg:$0x7]  }
0x73: {  	[tilespmem:s26], [sflag:$0x2] =	stream.linear.gather [hbm4b:s0+s3], $0x8000, $0x38;
	[tilespmem:$0x14200] =	vst v63  }
0x74: {  	s4 =	simm.s32 $0x12200;
	s1 =	rddreg [dreg:$0x8]  }
0x75: {  	[tilespmem:s4], [sflag:$0x4] =	stream.linear.gather [hbm4b:s1+s3], $0x2000, $0x38;
	[tilespmem:$0x14200] =	vst v63  }
0x76: {  	_ =	swait.ge [sflag:s29], $0x8000  }
0x77: {  	[sflag:s29] =	ssyncset.done $0x0  }
0x78: {  	[sflag:s29] =	ssyncadd.s32 $0xFFFF8000  }
0x79: {  	_ =	swait.ge [sflag:s16], $0x2000  }
0x7a: {  	[sflag:s16] =	ssyncset.done $0x0  }
0x7b: {  	[sflag:s16] =	ssyncadd.s32 $0xFFFFE000  }
0x7c: {  	v5 =	vld [tilespmem:$0x0];
	_ =	sdelay $0x4  }
0x7d: {  	v6 =	vshll.u32 v5, $0x2  }
0x7e: {  	v5 =	vand.u32 $0x7, v5;
	v6 =	vand.u32 $0xFFFFFFE0, v6  }
0x7f: {  	v5 =	vor.u32 v5, v6  }
0x80: {  	v6 =	vperm.xlane v5, v2;
	_ =	sdelay $0x1  }
0x81: {  	v6 =	vadd.s32 v3, v6;
	_ =	sdelay $0x1  }
0x82: {  	v5 =	vperm.xlane v5, v4;
	_ =	sdelay $0x1  }
0x83: {  	v5 =	vadd.s32 v3, v5  }
0x84: {  	[hbm4b:s2+s3] =	stream.indirect_vreg.scatter [tilespmem:s23], [sflag:$0x5], $0x80, v6, vm0, $0xb8;
	[tilespmem:$0x14200] =	vst v63  }
0x85: {  	_ = 	snop  }
0x86: {  	[hbm4b:s12+s3] =	stream.indirect_vreg.scatter [tilespmem:s25], [sflag:$0x5], $0x80, v6, vm0, $0xb8;
	[tilespmem:$0x14200] =	vst v63  }
0x87: {  	_ = 	snop  }
0x88: {  	[hbm4b:s2+s3] =	stream.indirect_vreg.scatter [tilespmem:s15], [sflag:$0x5], $0x80, v5, vm0, $0xb8;
	[tilespmem:$0x14200] =	vst v63  }
0x89: {  	s8 =	simm.s32 $0x1A00  }
0x8a: {  	[hbm4b:s12+s3] =	stream.indirect_vreg.scatter [tilespmem:s8], [sflag:$0x5], $0x80, v5, vm0, $0xb8;
	[tilespmem:$0x14200] =	vst v63  }
0x8b: {  	v5 =	vld [tilespmem:$0x10];
	_ =	sdelay $0x4  }
0x8c: {  	v6 =	vshll.u32 v5, $0x2  }
0x8d: {  	v5 =	vand.u32 $0x7, v5;
	v6 =	vand.u32 $0xFFFFFFE0, v6  }
0x8e: {  	v5 =	vor.u32 v5, v6  }
0x8f: {  	v6 =	vperm.xlane v5, v2;
	_ =	sdelay $0x1  }
0x90: {  	v6 =	vadd.s32 v3, v6;
	_ =	sdelay $0x1  }
0x91: {  	v5 =	vperm.xlane v5, v4;
	_ =	sdelay $0x1  }
0x92: {  	s9 =	simm.s32 $0x2200;
	v5 =	vadd.s32 v3, v5  }
0x93: {  	[hbm4b:s2+s3] =	stream.indirect_vreg.scatter [tilespmem:s9], [sflag:$0x5], $0x80, v6, vm0, $0xb8;
	[tilespmem:$0x14200] =	vst v63  }
0x94: {  	s1 =	simm.s32 $0x2A00  }
0x95: {  	[hbm4b:s12+s3] =	stream.indirect_vreg.scatter [tilespmem:s1], [sflag:$0x5], $0x80, v6, vm0, $0xb8;
	[tilespmem:$0x14200] =	vst v63  }
0x96: {  	_ = 	snop  }
0x97: {  	[hbm4b:s2+s3] =	stream.indirect_vreg.scatter [tilespmem:s11], [sflag:$0x5], $0x80, v5, vm0, $0xb8;
	[tilespmem:$0x14200] =	vst v63  }
0x98: {  	_ = 	snop  }
0x99: {  	[hbm4b:s12+s3] =	stream.indirect_vreg.scatter [tilespmem:s13], [sflag:$0x5], $0x80, v5, vm0, $0xb8;
	[tilespmem:$0x14200] =	vst v63  }
0x9a: {  	v5 =	vld [tilespmem:$0x20];
	_ =	sdelay $0x4  }
0x9b: {  	v6 =	vshll.u32 v5, $0x2  }
0x9c: {  	v5 =	vand.u32 $0x7, v5;
	v6 =	vand.u32 $0xFFFFFFE0, v6  }
0x9d: {  	v5 =	vor.u32 v5, v6  }
0x9e: {  	v6 =	vperm.xlane v5, v2;
	_ =	sdelay $0x1  }
0x9f: {  	v6 =	vadd.s32 v3, v6;
	_ =	sdelay $0x1  }
0xa0: {  	v5 =	vperm.xlane v5, v4;
	_ =	sdelay $0x1  }
0xa1: {  	v5 =	vadd.s32 v3, v5  }
0xa2: {  	[hbm4b:s2+s3] =	stream.indirect_vreg.scatter [tilespmem:s14], [sflag:$0x5], $0x80, v6, vm0, $0xb8;
	[tilespmem:$0x14200] =	vst v63  }
0xa3: {  	_ = 	snop  }
0xa4: {  	[hbm4b:s12+s3] =	stream.indirect_vreg.scatter [tilespmem:s30], [sflag:$0x5], $0x80, v6, vm0, $0xb8;
	[tilespmem:$0x14200] =	vst v63  }
0xa5: {  	_ = 	snop  }
0xa6: {  	[hbm4b:s2+s3] =	stream.indirect_vreg.scatter [tilespmem:s18], [sflag:$0x5], $0x80, v5, vm0, $0xb8;
	[tilespmem:$0x14200] =	vst v63  }
0xa7: {  	_ = 	snop  }
0xa8: {  	[hbm4b:s12+s3] =	stream.indirect_vreg.scatter [tilespmem:s21], [sflag:$0x5], $0x80, v5, vm0, $0xb8;
	[tilespmem:$0x14200] =	vst v63  }
0xa9: {  	v5 =	vld [tilespmem:$0x30];
	_ =	sdelay $0x4  }
0xaa: {  	v6 =	vshll.u32 v5, $0x2  }
0xab: {  	v5 =	vand.u32 $0x7, v5;
	v6 =	vand.u32 $0xFFFFFFE0, v6  }
0xac: {  	v5 =	vor.u32 v5, v6  }
0xad: {  	v6 =	vperm.xlane v5, v2;
	_ =	sdelay $0x1  }
0xae: {  	v6 =	vadd.s32 v3, v6;
	_ =	sdelay $0x1  }
0xaf: {  	v5 =	vperm.xlane v5, v4;
	_ =	sdelay $0x1  }
0xb0: {  	v5 =	vadd.s32 v3, v5  }
0xb1: {  	[hbm4b:s2+s3] =	stream.indirect_vreg.scatter [tilespmem:s19], [sflag:$0x5], $0x80, v6, vm0, $0xb8;
	[tilespmem:$0x14200] =	vst v63  }
0xb2: {  	_ = 	snop  }
0xb3: {  	[hbm4b:s12+s3] =	stream.indirect_vreg.scatter [tilespmem:s28], [sflag:$0x5], $0x80, v6, vm0, $0xb8;
	[tilespmem:$0x14200] =	vst v63  }
0xb4: {  	_ = 	snop  }
0xb5: {  	[hbm4b:s2+s3] =	stream.indirect_vreg.scatter [tilespmem:s17], [sflag:$0x5], $0x80, v5, vm0, $0xb8;
	[tilespmem:$0x14200] =	vst v63  }
0xb6: {  	_ = 	snop  }
0xb7: {  	[hbm4b:s12+s3] =	stream.indirect_vreg.scatter [tilespmem:s31], [sflag:$0x5], $0x80, v5, vm0, $0xb8;
	[tilespmem:$0x14200] =	vst v63  }
0xb8: {  	s7 =	simm.s32 $0x40;
	s6 =	rddreg [dreg:$0xe];
	s1 =	simm.s32 $0x2  }
0xb9: {  	[hbm4b:s6+s7] =	stream.indirect.scatter [tilespmem:s24], [sflag:$0x7], $0x80, s3, s7, $0xb8;
	[tilespmem:$0x14200] =	vst v63  }
0xba: {  	_ =	swait.ge [sflag:s1], $0x8000  }
0xbb: {  	[sflag:s1] =	ssyncset.done $0x0  }
0xbc: {  	[sflag:s1] =	ssyncadd.s32 $0xFFFF8000  }
0xbd: {  	_ =	swait.ge [sflag:s20], $0x2000  }
0xbe: {  	[sflag:s20] =	ssyncset.done $0x0  }
0xbf: {  	[sflag:s20] =	ssyncadd.s32 $0xFFFFE000  }
0xc0: {  	v5 =	vld [tilespmem:$0x80];
	_ =	sdelay $0x4  }
0xc1: {  	v6 =	vshll.u32 v5, $0x2  }
0xc2: {  	v5 =	vand.u32 $0x7, v5;
	v6 =	vand.u32 $0xFFFFFFE0, v6  }
0xc3: {  	v5 =	vor.u32 v5, v6  }
0xc4: {  	v6 =	vperm.xlane v5, v2;
	_ =	sdelay $0x1  }
0xc5: {  	v6 =	vadd.s32 v3, v6;
	_ =	sdelay $0x1  }
0xc6: {  	v5 =	vperm.xlane v5, v4;
	_ =	sdelay $0x1  }
0xc7: {  	v5 =	vadd.s32 v3, v5  }
0xc8: {  	[hbm4b:s2+s3] =	stream.indirect_vreg.scatter [tilespmem:s26], [sflag:$0x6], $0x80, v6, vm0, $0xb8;
	[tilespmem:$0x14200] =	vst v63  }
0xc9: {  	s4 =	simm.s32 $0x8A00  }
0xca: {  	[hbm4b:s12+s3] =	stream.indirect_vreg.scatter [tilespmem:s4], [sflag:$0x6], $0x80, v6, vm0, $0xb8;
	[tilespmem:$0x14200] =	vst v63  }
0xcb: {  	s5 =	simm.s32 $0x9200  }
0xcc: {  	[hbm4b:s2+s3] =	stream.indirect_vreg.scatter [tilespmem:s5], [sflag:$0x6], $0x80, v5, vm0, $0xb8;
	[tilespmem:$0x14200] =	vst v63  }
0xcd: {  	s5 =	simm.s32 $0x9A00  }
0xce: {  	[hbm4b:s12+s3] =	stream.indirect_vreg.scatter [tilespmem:s5], [sflag:$0x6], $0x80, v5, vm0, $0xb8;
	[tilespmem:$0x14200] =	vst v63  }
0xcf: {  	v5 =	vld [tilespmem:$0x90];
	_ =	sdelay $0x4  }
0xd0: {  	v6 =	vshll.u32 v5, $0x2  }
0xd1: {  	v5 =	vand.u32 $0x7, v5;
	v6 =	vand.u32 $0xFFFFFFE0, v6  }
0xd2: {  	v5 =	vor.u32 v5, v6  }
0xd3: {  	v6 =	vperm.xlane v5, v2;
	_ =	sdelay $0x1  }
0xd4: {  	v6 =	vadd.s32 v3, v6;
	_ =	sdelay $0x1  }
0xd5: {  	v5 =	vperm.xlane v5, v4;
	_ =	sdelay $0x1  }
0xd6: {  	s5 =	simm.s32 $0xA200;
	v5 =	vadd.s32 v3, v5  }
0xd7: {  	[hbm4b:s2+s3] =	stream.indirect_vreg.scatter [tilespmem:s5], [sflag:$0x6], $0x80, v6, vm0, $0xb8;
	[tilespmem:$0x14200] =	vst v63  }
0xd8: {  	s5 =	simm.s32 $0xAA00  }
0xd9: {  	[hbm4b:s12+s3] =	stream.indirect_vreg.scatter [tilespmem:s5], [sflag:$0x6], $0x80, v6, vm0, $0xb8;
	[tilespmem:$0x14200] =	vst v63  }
0xda: {  	s5 =	simm.s32 $0xB200  }
0xdb: {  	[hbm4b:s2+s3] =	stream.indirect_vreg.scatter [tilespmem:s5], [sflag:$0x6], $0x80, v5, vm0, $0xb8;
	[tilespmem:$0x14200] =	vst v63  }
0xdc: {  	s5 =	simm.s32 $0xBA00  }
0xdd: {  	[hbm4b:s12+s3] =	stream.indirect_vreg.scatter [tilespmem:s5], [sflag:$0x6], $0x80, v5, vm0, $0xb8;
	[tilespmem:$0x14200] =	vst v63  }
0xde: {  	v5 =	vld [tilespmem:$0xA0];
	_ =	sdelay $0x4  }
0xdf: {  	v6 =	vshll.u32 v5, $0x2  }
0xe0: {  	v5 =	vand.u32 $0x7, v5;
	v6 =	vand.u32 $0xFFFFFFE0, v6  }
0xe1: {  	v5 =	vor.u32 v5, v6  }
0xe2: {  	v6 =	vperm.xlane v5, v2;
	_ =	sdelay $0x1  }
0xe3: {  	v6 =	vadd.s32 v3, v6;
	_ =	sdelay $0x1  }
0xe4: {  	v5 =	vperm.xlane v5, v4;
	_ =	sdelay $0x1  }
0xe5: {  	s5 =	simm.s32 $0xC200;
	v5 =	vadd.s32 v3, v5  }
0xe6: {  	[hbm4b:s2+s3] =	stream.indirect_vreg.scatter [tilespmem:s5], [sflag:$0x6], $0x80, v6, vm0, $0xb8;
	[tilespmem:$0x14200] =	vst v63  }
0xe7: {  	s5 =	simm.s32 $0xCA00  }
0xe8: {  	[hbm4b:s12+s3] =	stream.indirect_vreg.scatter [tilespmem:s5], [sflag:$0x6], $0x80, v6, vm0, $0xb8;
	[tilespmem:$0x14200] =	vst v63  }
0xe9: {  	s5 =	simm.s32 $0xD200  }
0xea: {  	[hbm4b:s2+s3] =	stream.indirect_vreg.scatter [tilespmem:s5], [sflag:$0x6], $0x80, v5, vm0, $0xb8;
	[tilespmem:$0x14200] =	vst v63  }
0xeb: {  	s5 =	simm.s32 $0xDA00  }
0xec: {  	[hbm4b:s12+s3] =	stream.indirect_vreg.scatter [tilespmem:s5], [sflag:$0x6], $0x80, v5, vm0, $0xb8;
	[tilespmem:$0x14200] =	vst v63  }
0xed: {  	v5 =	vld [tilespmem:$0xB0];
	_ =	sdelay $0x4  }
0xee: {  	v6 =	vshll.u32 v5, $0x2  }
0xef: {  	v5 =	vand.u32 $0x7, v5;
	v6 =	vand.u32 $0xFFFFFFE0, v6  }
0xf0: {  	v5 =	vor.u32 v5, v6  }
0xf1: {  	v6 =	vperm.xlane v5, v2;
	_ =	sdelay $0x1  }
0xf2: {  	v6 =	vadd.s32 v3, v6;
	_ =	sdelay $0x1  }
0xf3: {  	v5 =	vperm.xlane v5, v4;
	_ =	sdelay $0x1  }
0xf4: {  	s5 =	simm.s32 $0xE200;
	v5 =	vadd.s32 v3, v5  }
0xf5: {  	[hbm4b:s2+s3] =	stream.indirect_vreg.scatter [tilespmem:s5], [sflag:$0x6], $0x80, v6, vm0, $0xb8;
	[tilespmem:$0x14200] =	vst v63  }
0xf6: {  	s5 =	simm.s32 $0xEA00  }
0xf7: {  	[hbm4b:s12+s3] =	stream.indirect_vreg.scatter [tilespmem:s5], [sflag:$0x6], $0x80, v6, vm0, $0xb8;
	[tilespmem:$0x14200] =	vst v63  }
0xf8: {  	s5 =	simm.s32 $0xF200  }
0xf9: {  	[hbm4b:s2+s3] =	stream.indirect_vreg.scatter [tilespmem:s5], [sflag:$0x6], $0x80, v5, vm0, $0xb8;
	[tilespmem:$0x14200] =	vst v63  }
0xfa: {  	s5 =	simm.s32 $0xFA00  }
0xfb: {  	[hbm4b:s12+s3] =	stream.indirect_vreg.scatter [tilespmem:s5], [sflag:$0x6], $0x80, v5, vm0, $0xb8;
	[tilespmem:$0x14200] =	vst v63  }
0xfc: {  	s0 =	simm.s32 $0x12200;
	s4 =	simm.s32 $0x80  }
0xfd: {  	[hbm4b:s6+s7] =	stream.indirect.scatter [tilespmem:s0], [sflag:$0x8], $0x80, s4, s7, $0xb8;
	[tilespmem:$0x14200] =	vst v63  }
0xfe: {  	s0 =	simm.s32 $0x5  }
0xff: {  	_ =	swait.ge [sflag:s0], $0x8000  }
0x100: {  	[sflag:s0] =	ssyncset.done $0x0  }
0x101: {  	s4 =	simm.s32 $0x7;
	[sflag:s0] =	ssyncadd.s32 $0xFFFF8000  }
0x102: {  	_ =	swait.ge [sflag:s4], $0x2000  }
0x103: {  	[sflag:s4] =	ssyncset.done $0x0  }
0x104: {  	s5 =	rddreg [dreg:$0x9];
	[sflag:s4] =	ssyncadd.s32 $0xFFFFE000  }
0x105: {  	[tilespmem:s23], [sflag:$0x1] =	stream.linear.gather [hbm4b:s5+s3], $0x8000, $0x38;
	[tilespmem:$0x14200] =	vst v63  }
0x106: {  	s5 =	rddreg [dreg:$0xa]  }
0x107: {  	[tilespmem:s24], [sflag:$0x3] =	stream.linear.gather [hbm4b:s5+s3], $0x2000, $0x38;
	[tilespmem:$0x14200] =	vst v63  }
0x108: {  	_ =	swait.ge [sflag:s29], $0x8000  }
0x109: {  	[sflag:s29] =	ssyncset.done $0x0  }
0x10a: {  	[sflag:s29] =	ssyncadd.s32 $0xFFFF8000  }
0x10b: {  	_ =	swait.ge [sflag:s16], $0x2000  }
0x10c: {  	[sflag:s16] =	ssyncset.done $0x0  }
0x10d: {  	[sflag:s16] =	ssyncadd.s32 $0xFFFFE000  }
0x10e: {  	v5 =	vld [tilespmem:$0x100];
	_ =	sdelay $0x4  }
0x10f: {  	v6 =	vshll.u32 v5, $0x2  }
0x110: {  	v5 =	vand.u32 $0x7, v5;
	v6 =	vand.u32 $0xFFFFFFE0, v6  }
0x111: {  	v5 =	vor.u32 v5, v6  }
0x112: {  	v6 =	vperm.xlane v5, v2;
	_ =	sdelay $0x1  }
0x113: {  	v6 =	vadd.s32 v3, v6;
	_ =	sdelay $0x1  }
0x114: {  	v5 =	vperm.xlane v5, v4;
	_ =	sdelay $0x1  }
0x115: {  	v5 =	vadd.s32 v3, v5  }
0x116: {  	[hbm4b:s2+s3] =	stream.indirect_vreg.scatter [tilespmem:s23], [sflag:$0x5], $0x80, v6, vm0, $0xb8;
	[tilespmem:$0x14200] =	vst v63  }
0x117: {  	_ = 	snop  }
0x118: {  	[hbm4b:s12+s3] =	stream.indirect_vreg.scatter [tilespmem:s25], [sflag:$0x5], $0x80, v6, vm0, $0xb8;
	[tilespmem:$0x14200] =	vst v63  }
0x119: {  	_ = 	snop  }
0x11a: {  	[hbm4b:s2+s3] =	stream.indirect_vreg.scatter [tilespmem:s15], [sflag:$0x5], $0x80, v5, vm0, $0xb8;
	[tilespmem:$0x14200] =	vst v63  }
0x11b: {  	_ = 	snop  }
0x11c: {  	[hbm4b:s12+s3] =	stream.indirect_vreg.scatter [tilespmem:s8], [sflag:$0x5], $0x80, v5, vm0, $0xb8;
	[tilespmem:$0x14200] =	vst v63  }
0x11d: {  	v5 =	vld [tilespmem:$0x110];
	_ =	sdelay $0x4  }
0x11e: {  	v6 =	vshll.u32 v5, $0x2  }
0x11f: {  	v5 =	vand.u32 $0x7, v5;
	v6 =	vand.u32 $0xFFFFFFE0, v6  }
0x120: {  	v5 =	vor.u32 v5, v6  }
0x121: {  	v6 =	vperm.xlane v5, v2;
	_ =	sdelay $0x1  }
0x122: {  	v6 =	vadd.s32 v3, v6;
	_ =	sdelay $0x1  }
0x123: {  	v5 =	vperm.xlane v5, v4;
	_ =	sdelay $0x1  }
0x124: {  	v5 =	vadd.s32 v3, v5  }
0x125: {  	[hbm4b:s2+s3] =	stream.indirect_vreg.scatter [tilespmem:s9], [sflag:$0x5], $0x80, v6, vm0, $0xb8;
	[tilespmem:$0x14200] =	vst v63  }
0x126: {  	s8 =	simm.s32 $0x2A00  }
0x127: {  	[hbm4b:s12+s3] =	stream.indirect_vreg.scatter [tilespmem:s8], [sflag:$0x5], $0x80, v6, vm0, $0xb8;
	[tilespmem:$0x14200] =	vst v63  }
0x128: {  	_ = 	snop  }
0x129: {  	[hbm4b:s2+s3] =	stream.indirect_vreg.scatter [tilespmem:s11], [sflag:$0x5], $0x80, v5, vm0, $0xb8;
	[tilespmem:$0x14200] =	vst v63  }
0x12a: {  	_ = 	snop  }
0x12b: {  	[hbm4b:s12+s3] =	stream.indirect_vreg.scatter [tilespmem:s13], [sflag:$0x5], $0x80, v5, vm0, $0xb8;
	[tilespmem:$0x14200] =	vst v63  }
0x12c: {  	v5 =	vld [tilespmem:$0x120];
	_ =	sdelay $0x4  }
0x12d: {  	v6 =	vshll.u32 v5, $0x2  }
0x12e: {  	v5 =	vand.u32 $0x7, v5;
	v6 =	vand.u32 $0xFFFFFFE0, v6  }
0x12f: {  	v5 =	vor.u32 v5, v6  }
0x130: {  	v6 =	vperm.xlane v5, v2;
	_ =	sdelay $0x1  }
0x131: {  	v6 =	vadd.s32 v3, v6;
	_ =	sdelay $0x1  }
0x132: {  	v5 =	vperm.xlane v5, v4;
	_ =	sdelay $0x1  }
0x133: {  	v5 =	vadd.s32 v3, v5  }
0x134: {  	[hbm4b:s2+s3] =	stream.indirect_vreg.scatter [tilespmem:s14], [sflag:$0x5], $0x80, v6, vm0, $0xb8;
	[tilespmem:$0x14200] =	vst v63  }
0x135: {  	_ = 	snop  }
0x136: {  	[hbm4b:s12+s3] =	stream.indirect_vreg.scatter [tilespmem:s30], [sflag:$0x5], $0x80, v6, vm0, $0xb8;
	[tilespmem:$0x14200] =	vst v63  }
0x137: {  	_ = 	snop  }
0x138: {  	[hbm4b:s2+s3] =	stream.indirect_vreg.scatter [tilespmem:s18], [sflag:$0x5], $0x80, v5, vm0, $0xb8;
	[tilespmem:$0x14200] =	vst v63  }
0x139: {  	_ = 	snop  }
0x13a: {  	[hbm4b:s12+s3] =	stream.indirect_vreg.scatter [tilespmem:s21], [sflag:$0x5], $0x80, v5, vm0, $0xb8;
	[tilespmem:$0x14200] =	vst v63  }
0x13b: {  	v5 =	vld [tilespmem:$0x130];
	_ =	sdelay $0x4  }
0x13c: {  	v6 =	vshll.u32 v5, $0x2  }
0x13d: {  	v5 =	vand.u32 $0x7, v5;
	v6 =	vand.u32 $0xFFFFFFE0, v6  }
0x13e: {  	v5 =	vor.u32 v5, v6  }
0x13f: {  	v6 =	vperm.xlane v5, v2;
	_ =	sdelay $0x1  }
0x140: {  	v6 =	vadd.s32 v3, v6;
	_ =	sdelay $0x1  }
0x141: {  	v5 =	vperm.xlane v5, v4;
	_ =	sdelay $0x1  }
0x142: {  	v5 =	vadd.s32 v3, v5  }
0x143: {  	[hbm4b:s2+s3] =	stream.indirect_vreg.scatter [tilespmem:s19], [sflag:$0x5], $0x80, v6, vm0, $0xb8;
	[tilespmem:$0x14200] =	vst v63  }
0x144: {  	_ = 	snop  }
0x145: {  	[hbm4b:s12+s3] =	stream.indirect_vreg.scatter [tilespmem:s28], [sflag:$0x5], $0x80, v6, vm0, $0xb8;
	[tilespmem:$0x14200] =	vst v63  }
0x146: {  	_ = 	snop  }
0x147: {  	[hbm4b:s2+s3] =	stream.indirect_vreg.scatter [tilespmem:s17], [sflag:$0x5], $0x80, v5, vm0, $0xb8;
	[tilespmem:$0x14200] =	vst v63  }
0x148: {  	_ = 	snop  }
0x149: {  	[hbm4b:s12+s3] =	stream.indirect_vreg.scatter [tilespmem:s31], [sflag:$0x5], $0x80, v5, vm0, $0xb8;
	[tilespmem:$0x14200] =	vst v63  }
0x14a: {  	s9 =	simm.s32 $0x100;
	s8 =	simm.s32 $0x6  }
0x14b: {  	[hbm4b:s6+s7] =	stream.indirect.scatter [tilespmem:s24], [sflag:$0x7], $0x80, s9, s7, $0xb8;
	[tilespmem:$0x14200] =	vst v63  }
0x14c: {  	_ =	swait.ge [sflag:s8], $0x8000  }
0x14d: {  	[sflag:s8] =	ssyncset.done $0x0  }
0x14e: {  	s9 =	simm.s32 $0x8;
	[sflag:s8] =	ssyncadd.s32 $0xFFFF8000  }
0x14f: {  	_ =	swait.ge [sflag:s9], $0x2000  }
0x150: {  	[sflag:s9] =	ssyncset.done $0x0  }
0x151: {  	s5 =	rddreg [dreg:$0xb];
	[sflag:s9] =	ssyncadd.s32 $0xFFFFE000  }
0x152: {  	[tilespmem:s26], [sflag:$0x2] =	stream.linear.gather [hbm4b:s5+s3], $0x8000, $0x38;
	[tilespmem:$0x14200] =	vst v63  }
0x153: {  	s5 =	rddreg [dreg:$0xc]  }
0x154: {  	[tilespmem:s10], [sflag:$0x4] =	stream.linear.gather [hbm4b:s5+s3], $0x2000, $0x38;
	[tilespmem:$0x14200] =	vst v63  }
0x155: {  	_ =	swait.ge [sflag:s1], $0x8000  }
0x156: {  	[sflag:s1] =	ssyncset.done $0x0  }
0x157: {  	[sflag:s1] =	ssyncadd.s32 $0xFFFF8000  }
0x158: {  	_ =	swait.ge [sflag:s20], $0x2000  }
0x159: {  	[sflag:s20] =	ssyncset.done $0x0  }
0x15a: {  	[sflag:s20] =	ssyncadd.s32 $0xFFFFE000  }
0x15b: {  	v5 =	vld [tilespmem:$0x180];
	_ =	sdelay $0x4  }
0x15c: {  	v6 =	vshll.u32 v5, $0x2  }
0x15d: {  	v5 =	vand.u32 $0x7, v5;
	v6 =	vand.u32 $0xFFFFFFE0, v6  }
0x15e: {  	v5 =	vor.u32 v5, v6  }
0x15f: {  	v6 =	vperm.xlane v5, v2;
	_ =	sdelay $0x1  }
0x160: {  	v6 =	vadd.s32 v3, v6;
	_ =	sdelay $0x1  }
0x161: {  	v5 =	vperm.xlane v5, v4;
	_ =	sdelay $0x1  }
0x162: {  	v5 =	vadd.s32 v3, v5  }
0x163: {  	[hbm4b:s2+s3] =	stream.indirect_vreg.scatter [tilespmem:s26], [sflag:$0x6], $0x80, v6, vm0, $0xb8;
	[tilespmem:$0x14200] =	vst v63  }
0x164: {  	s1 =	simm.s32 $0x8A00  }
0x165: {  	[hbm4b:s12+s3] =	stream.indirect_vreg.scatter [tilespmem:s1], [sflag:$0x6], $0x80, v6, vm0, $0xb8;
	[tilespmem:$0x14200] =	vst v63  }
0x166: {  	s1 =	simm.s32 $0x9200  }
0x167: {  	[hbm4b:s2+s3] =	stream.indirect_vreg.scatter [tilespmem:s1], [sflag:$0x6], $0x80, v5, vm0, $0xb8;
	[tilespmem:$0x14200] =	vst v63  }
0x168: {  	s1 =	simm.s32 $0x9A00  }
0x169: {  	[hbm4b:s12+s3] =	stream.indirect_vreg.scatter [tilespmem:s1], [sflag:$0x6], $0x80, v5, vm0, $0xb8;
	[tilespmem:$0x14200] =	vst v63  }
0x16a: {  	v5 =	vld [tilespmem:$0x190];
	_ =	sdelay $0x4  }
0x16b: {  	v6 =	vshll.u32 v5, $0x2  }
0x16c: {  	v5 =	vand.u32 $0x7, v5;
	v6 =	vand.u32 $0xFFFFFFE0, v6  }
0x16d: {  	v5 =	vor.u32 v5, v6  }
0x16e: {  	v6 =	vperm.xlane v5, v2;
	_ =	sdelay $0x1  }
0x16f: {  	v6 =	vadd.s32 v3, v6;
	_ =	sdelay $0x1  }
0x170: {  	v5 =	vperm.xlane v5, v4;
	_ =	sdelay $0x1  }
0x171: {  	s1 =	simm.s32 $0xA200;
	v5 =	vadd.s32 v3, v5  }
0x172: {  	[hbm4b:s2+s3] =	stream.indirect_vreg.scatter [tilespmem:s1], [sflag:$0x6], $0x80, v6, vm0, $0xb8;
	[tilespmem:$0x14200] =	vst v63  }
0x173: {  	s1 =	simm.s32 $0xAA00  }
0x174: {  	[hbm4b:s12+s3] =	stream.indirect_vreg.scatter [tilespmem:s1], [sflag:$0x6], $0x80, v6, vm0, $0xb8;
	[tilespmem:$0x14200] =	vst v63  }
0x175: {  	s1 =	simm.s32 $0xB200  }
0x176: {  	[hbm4b:s2+s3] =	stream.indirect_vreg.scatter [tilespmem:s1], [sflag:$0x6], $0x80, v5, vm0, $0xb8;
	[tilespmem:$0x14200] =	vst v63  }
0x177: {  	s1 =	simm.s32 $0xBA00  }
0x178: {  	[hbm4b:s12+s3] =	stream.indirect_vreg.scatter [tilespmem:s1], [sflag:$0x6], $0x80, v5, vm0, $0xb8;
	[tilespmem:$0x14200] =	vst v63  }
0x179: {  	v5 =	vld [tilespmem:$0x1A0];
	_ =	sdelay $0x4  }
0x17a: {  	v6 =	vshll.u32 v5, $0x2  }
0x17b: {  	v5 =	vand.u32 $0x7, v5;
	v6 =	vand.u32 $0xFFFFFFE0, v6  }
0x17c: {  	v5 =	vor.u32 v5, v6  }
0x17d: {  	v6 =	vperm.xlane v5, v2;
	_ =	sdelay $0x1  }
0x17e: {  	v6 =	vadd.s32 v3, v6;
	_ =	sdelay $0x1  }
0x17f: {  	v5 =	vperm.xlane v5, v4;
	_ =	sdelay $0x1  }
0x180: {  	s1 =	simm.s32 $0xC200;
	v5 =	vadd.s32 v3, v5  }
0x181: {  	[hbm4b:s2+s3] =	stream.indirect_vreg.scatter [tilespmem:s1], [sflag:$0x6], $0x80, v6, vm0, $0xb8;
	[tilespmem:$0x14200] =	vst v63  }
0x182: {  	s1 =	simm.s32 $0xCA00  }
0x183: {  	[hbm4b:s12+s3] =	stream.indirect_vreg.scatter [tilespmem:s1], [sflag:$0x6], $0x80, v6, vm0, $0xb8;
	[tilespmem:$0x14200] =	vst v63  }
0x184: {  	s1 =	simm.s32 $0xD200  }
0x185: {  	[hbm4b:s2+s3] =	stream.indirect_vreg.scatter [tilespmem:s1], [sflag:$0x6], $0x80, v5, vm0, $0xb8;
	[tilespmem:$0x14200] =	vst v63  }
0x186: {  	s1 =	simm.s32 $0xDA00  }
0x187: {  	[hbm4b:s12+s3] =	stream.indirect_vreg.scatter [tilespmem:s1], [sflag:$0x6], $0x80, v5, vm0, $0xb8;
	[tilespmem:$0x14200] =	vst v63  }
0x188: {  	v5 =	vld [tilespmem:$0x1B0];
	_ =	sdelay $0x4  }
0x189: {  	v6 =	vshll.u32 v5, $0x2  }
0x18a: {  	v5 =	vand.u32 $0x7, v5;
	v6 =	vand.u32 $0xFFFFFFE0, v6  }
0x18b: {  	v5 =	vor.u32 v5, v6  }
0x18c: {  	v6 =	vperm.xlane v5, v2;
	_ =	sdelay $0x1  }
0x18d: {  	v6 =	vadd.s32 v3, v6;
	_ =	sdelay $0x1  }
0x18e: {  	v5 =	vperm.xlane v5, v4;
	_ =	sdelay $0x1  }
0x18f: {  	s1 =	simm.s32 $0xE200;
	v5 =	vadd.s32 v3, v5  }
0x190: {  	[hbm4b:s2+s3] =	stream.indirect_vreg.scatter [tilespmem:s1], [sflag:$0x6], $0x80, v6, vm0, $0xb8;
	[tilespmem:$0x14200] =	vst v63  }
0x191: {  	s1 =	simm.s32 $0xEA00  }
0x192: {  	[hbm4b:s12+s3] =	stream.indirect_vreg.scatter [tilespmem:s1], [sflag:$0x6], $0x80, v6, vm0, $0xb8;
	[tilespmem:$0x14200] =	vst v63  }
0x193: {  	s1 =	simm.s32 $0xF200  }
0x194: {  	[hbm4b:s2+s3] =	stream.indirect_vreg.scatter [tilespmem:s1], [sflag:$0x6], $0x80, v5, vm0, $0xb8;
	[tilespmem:$0x14200] =	vst v63  }
0x195: {  	s1 =	simm.s32 $0xFA00  }
0x196: {  	[hbm4b:s12+s3] =	stream.indirect_vreg.scatter [tilespmem:s1], [sflag:$0x6], $0x80, v5, vm0, $0xb8;
	[tilespmem:$0x14200] =	vst v63  }
0x197: {  	s5 =	simm.s32 $0x12200;
	s1 =	simm.s32 $0x180  }
0x198: {  	[hbm4b:s6+s7] =	stream.indirect.scatter [tilespmem:s5], [sflag:$0x8], $0x80, s1, s7, $0xb8;
	[tilespmem:$0x14200] =	vst v63  }
0x199: {  	_ =	swait.ge [sflag:s0], $0x8000  }
0x19a: {  	[sflag:s0] =	ssyncset.done $0x0  }
0x19b: {  	[sflag:s0] =	ssyncadd.s32 $0xFFFF8000  }
0x19c: {  	_ =	swait.ge [sflag:s4], $0x2000  }
0x19d: {  	[sflag:s4] =	ssyncset.done $0x0  }
0x19e: {  	[sflag:s4] =	ssyncadd.s32 $0xFFFFE000  }
0x19f: {  	_ =	swait.ge [sflag:s8], $0x8000  }
0x1a0: {  	[sflag:s8] =	ssyncset.done $0x0  }
0x1a1: {  	[sflag:s8] =	ssyncadd.s32 $0xFFFF8000  }
0x1a2: {  	_ =	swait.ge [sflag:s9], $0x2000  }
0x1a3: {  	s22 =	sadd.s32 $0x1, s22;
	s8 =	rddreg [dreg:$0xd]  }
0x1a4: {  	p0 =	sne.s32 s22, s8  }
.Ltmp4:
0x1a5: {  	_ = 	snop;
	(pc) =	sbr.rel @p0 .LBB2_1-.Ltmp4, $3  }
0x1a6: {  	_ =	sdelay $0x1  }
0x1a7: {  	[sflag:s9] =	ssyncset.done $0x0  }
0x1a8: {  	[sflag:s9] =	ssyncadd.s32 $0xFFFFE000  }
0x1a9: {  	_ =	sfence.sel $0x180000  }
0x1aa: {  	[bflag:$0x0] =	sbarrier.arrive $0xFFFF  }
0x1ab: {  	_ =	strace $0x90000047  }
0x1ac: {  	s0 =	stileid.u32;
	[bflag:$0x2] =	sbarrier.arrive $0xFFFF  }
0x1ad: {  	p0 =	sne.s32 s0, $0x0;
	s0 =	rddreg [dreg:$0x2]  }
0x1ae: {  	s0 =	sadd.s32 @!p0 $0x100000, s0  }
0x1af: {  	[sflag:s0] =	ssyncadd.tile.s32 @!p0 $0x1;
	_ =	shalt  }
.Lfunc_end2:
_tile_overlayer_lowered:
.L_overlay_start_2:
0x1b0: {  	(tag) =	ssettag $0x2  }
0x1b1: {  	s0 =	rddreg [dreg:$0x0];
	s2 =	stileid.u32  }
0x1b2: {  	s1 =	rddreg [dreg:$0x1];
	p0 =	sne.s32 s2, $0x0  }
0x1b3: {  	s3 =	rddreg [dreg:$0x2];
	[bflag:$0x3] =	sbarrier.arrive $0xFFFF;
	s2 =	simm.s32 @!p0 $0x1C0A  }
0x1b4: {  	[timem:s3], [sflag:s2] =	dma.local @!p0 [hbm:s0], s1  }
0x1b5: {  	s0 =	simm.s32 @!p0 $0xA  }
0x1b6: {  	_ =	swait.ge @!p0 [sflag:s0], s1  }
0x1b7: {  	s1 =	ssub.s32 @!p0 $0x0, s1;
	[sflag:s0] =	ssyncset.done @!p0 $0x0  }
0x1b8: {  	[sflag:s0] =	ssyncadd.s32 @!p0 s1  }
0x1b9: {  	[bflag:$0x3] =	sbarrier.arrive $0xFFFF  }
0x1ba: {  	_ =	shalt  }

// kernel: kernel.9.cloned.1.call-start
scs
__scs_entry_jumppad:
0x0: {  	(pc) =	sbr.rel $0x88, $3  }
0x1: {  	(tag) =	ssettag $0x0;
	lr =	simm.s32 $0x1  }
0x2: {  	[smem:$0x3F9B] =	sst lr;
	_ =	strace $0xD0000000  }
0x3: {  	_ = 	snop  }
0x4: {  	_ = 	snop  }
0x5: {  	_ = 	snop  }
0x6: {  	_ = 	snop  }
0x7: {  	_ = 	snop  }
__scs_overlays_trampoline_lowered:
0x8: {  	[smem:$0x3FAA] =	sst s0  }
0x9: {  	[smem:$0x3FAB] =	sst s1  }
0xa: {  	[smem:$0x3FAC] =	sst s2  }
0xb: {  	[smem:$0x3FAD] =	sst s3  }
0xc: {  	[smem:$0x3FAE] =	sst s4  }
0xd: {  	[smem:$0x3FAF] =	sst s5  }
0xe: {  	[smem:$0x3FB0] =	sst s6  }
0xf: {  	[smem:$0x3FB1] =	sst s7  }
0x10: {  	[smem:$0x3FB2] =	sst s8  }
0x11: {  	[smem:$0x3FB3] =	sst s9;
	s0 =	simm.s32 @!p0 $0x0  }
0x12: {  	s1 =	sld [smem:$0x3F99];
	s0 =	simm.s32 @p0 $0x1  }
0x13: {  	[smem:$0x3FB4] =	sst s0;
	s0 =	simm.s32 @!p1 $0x0  }
0x14: {  	s2 =	sld [smem:$0x3F98];
	s0 =	simm.s32 @p1 $0x1  }
0x15: {  	[smem:$0x3FB5] =	sst s0;
	s0 =	simm.s32 @!p2 $0x0  }
0x16: {  	s3 =	sld [smem:$0x3FDB];
	s0 =	simm.s32 @p2 $0x1  }
0x17: {  	s4 =	simm.s32 $0x1BF5;
	[smem:$0x3FB7] =	sst s0  }
0x18: {  	s0 =	sld [smem:$0x3F9A];
	_ =	swait.ge [sflag:s4], $0x0  }
0x19: {  	s7 =	sld [smem:$0x3F9B]  }
0x1a: {  	s8 =	sadd.s32 $0xFFFFE003, lr  }
0x1b: {  	s9 =	sadd.s32 $0xFFFFFEF7, lr;
	s5 =	simm.s32 $0xFFFFFFFF;
	p2 =	slt.u32 s8, $0xFFFFF086  }
0x1c: {  	p1 =	slt.u32 s9, $0xF7A;
	s5 =	simm.s32 @!p2 $0x0  }
0x1d: {  	s5 =	simm.s32 @p1 $0x1;
	p0 =	seq.s32 s7, s2  }
0x1e: {  	s7 =	smul.u32 @!p0 $0xF7A, s2;
	p2 =	seq.s32 @!p0 s5, $0x0  }
0x1f: {  	s9 =	smul.u32 $0xF7A, s1;
	s8 =	simm.s32 @!p0 $0x1BF5;
	p2 =	por !p2, p0  }
0x20: {  	[sflag:s8] =	ssyncset.s32 @!p0 $0xFFFFF086;
	s6 =	sadd.s32 @!p0 s3, s7;
	s7 =	simm.s32 @!p0 $0x108  }
0x21: {  	s3 =	sadd.s32 s3, s9;
	s6 =	sadd.s32 @!p0 $0x88, s6;
	s7 =	simm.s32 @p2 $0x1082  }
0x22: {  	[simem:s7], [sflag:s8] =	dma.local @!p0 [hbm:s6], $0xF7A  }
0x23: {  	s9 =	sor.u32 $0xD0000000, s2;
	s6 =	simm.s32 $0x108;
	_ =	swait.ge @!p0 [sflag:s8], $0x0  }
0x24: {  	s3 =	sadd.s32 $0x88, s3;
	s6 =	simm.s32 @!p1 $0x1082;
	[sflag:s4] =	ssyncset.s32 $0xFFFFF086  }
0x25: {  	[simem:s6], [sflag:s4] =	dma.local [hbm:s3], $0xF7A  }
0x26: {  	[smem:$0x3F9B] =	sst s1;
	(tag) =	ssettag s2;
	_ =	strace s9  }
0x27: {  	s1 =	sld [smem:$0x3FAB]  }
0x28: {  	s2 =	sld [smem:$0x3FAC]  }
0x29: {  	s4 =	sld [smem:$0x3FAE]  }
0x2a: {  	p0 =	seq.s32 s5, $0x0;
	s5 =	sld [smem:$0x3FAF]  }
0x2b: {  	s6 =	sld [smem:$0x3FB0]  }
0x2c: {  	s7 =	sld [smem:$0x3FB1]  }
0x2d: {  	s3 =	simm.s32 $0x108;
	s8 =	sld [smem:$0x3FB2]  }
0x2e: {  	s3 =	simm.s32 @!p0 $0x1082;
	s9 =	sld [smem:$0x3FB3]  }
0x2f: {  	lr =	sadd.s32 s0, s3;
	s0 =	sld [smem:$0x3FAA]  }
0x30: {  	s3 =	sld [smem:$0x3FAD]  }
0x31: {  	[smem:$0x3FB6] =	sst s10  }
0x32: {  	s10 =	sld [smem:$0x3FB4];
	_ =	sdelay $0x3  }
0x33: {  	p0 =	seq.s32 s10, $0x1;
	s10 =	sld [smem:$0x3FB6];
	_ =	sdelay $0x3  }
0x34: {  	[smem:$0x3FB6] =	sst s10  }
0x35: {  	s10 =	sld [smem:$0x3FB5];
	_ =	sdelay $0x3  }
0x36: {  	p1 =	seq.s32 s10, $0x1;
	s10 =	sld [smem:$0x3FB6];
	_ =	sdelay $0x3  }
0x37: {  	[smem:$0x3FB6] =	sst s10  }
0x38: {  	s10 =	sld [smem:$0x3FB7]  }
0x39: {  	_ = 	snop;
	(pc) =	sbr.ind lr, $3  }
0x3a: {  	_ = 	snop  }
0x3b: {  	_ = 	snop  }
0x3c: {  	p2 =	seq.s32 s10, $0x1;
	s10 =	sld [smem:$0x3FB6]  }
0x3d: {  	_ =	shalt  }
0x3e: {  	_ =	shalt  }
0x3f: {  	_ =	shalt  }
0x40: {  	_ =	shalt  }
0x41: {  	_ =	shalt  }
0x42: {  	_ =	shalt  }
0x43: {  	_ =	shalt  }
0x44: {  	_ =	shalt  }
0x45: {  	_ =	shalt  }
0x46: {  	_ =	shalt  }
0x47: {  	_ =	shalt  }
0x48: {  	_ =	shalt  }
0x49: {  	_ =	shalt  }
0x4a: {  	_ =	shalt  }
0x4b: {  	_ =	shalt  }
0x4c: {  	_ =	shalt  }
0x4d: {  	_ =	shalt  }
0x4e: {  	_ =	shalt  }
0x4f: {  	_ =	shalt  }
0x50: {  	_ =	shalt  }
0x51: {  	_ =	shalt  }
0x52: {  	_ =	shalt  }
0x53: {  	_ =	shalt  }
0x54: {  	_ =	shalt  }
0x55: {  	_ =	shalt  }
0x56: {  	_ =	shalt  }
0x57: {  	_ =	shalt  }
0x58: {  	_ =	shalt  }
0x59: {  	_ =	shalt  }
0x5a: {  	_ =	shalt  }
0x5b: {  	_ =	shalt  }
0x5c: {  	_ =	shalt  }
0x5d: {  	_ =	shalt  }
0x5e: {  	_ =	shalt  }
0x5f: {  	_ =	shalt  }
0x60: {  	_ =	shalt  }
0x61: {  	_ =	shalt  }
0x62: {  	_ =	shalt  }
0x63: {  	_ =	shalt  }
0x64: {  	_ =	shalt  }
0x65: {  	_ =	shalt  }
0x66: {  	_ =	shalt  }
0x67: {  	_ =	shalt  }
0x68: {  	_ =	shalt  }
0x69: {  	_ =	shalt  }
0x6a: {  	_ =	shalt  }
0x6b: {  	_ =	shalt  }
0x6c: {  	_ =	shalt  }
0x6d: {  	_ =	shalt  }
0x6e: {  	_ =	shalt  }
0x6f: {  	_ =	shalt  }
0x70: {  	_ =	shalt  }
0x71: {  	_ =	shalt  }
0x72: {  	_ =	shalt  }
0x73: {  	_ =	shalt  }
0x74: {  	_ =	shalt  }
0x75: {  	_ =	shalt  }
0x76: {  	_ =	shalt  }
0x77: {  	_ =	shalt  }
0x78: {  	_ =	shalt  }
0x79: {  	_ =	shalt  }
0x7a: {  	_ =	shalt  }
0x7b: {  	_ =	shalt  }
0x7c: {  	_ =	shalt  }
0x7d: {  	_ =	shalt  }
0x7e: {  	_ =	shalt  }
0x7f: {  	_ =	shalt  }
0x80: {  	_ =	shalt  }
0x81: {  	_ =	shalt  }
0x82: {  	_ =	shalt  }
0x83: {  	_ =	shalt  }
0x84: {  	_ =	shalt  }
0x85: {  	_ =	shalt  }
0x86: {  	_ =	shalt  }
0x87: {  	_ =	shalt  }
.Lfunc_end0:
.L_simem_size_0:
called_computation.1_lowered:
.L_overlay_start_0:
0x88: {  	s2 =	sld [smem:$0x3FD9]  }
0x89: {  	s3 =	sld [smem:$0x3FFE];
	_ =	sdelay $0x1  }
0x8a: {  	s1 =	srdreg.scid  }
0x8b: {  	s0 =	sand.u32 $0x1, s1  }
0x8c: {  	s14 =	sshll.u32 s0, $0xA;
	s2 =	sadd.s32 s3, s2  }
0x8d: {  	s2 =	sadd.s32 s2, s14  }
0x8e: {  	[smem:$0x3FC2] =	sst s2  }
0x8f: {  	_ = 	snop  }
0x90: {  	s2 =	sld [smem:$0x3FD0];
	_ =	sdelay $0x2  }
0x91: {  	s15 =	simm.s32 $0xA;
	s4 =	simm.s32 $0x10  }
0x92: {  	[smem:s4], [sflag:s15] =	dma.local [hbm:s2], $0x1  }
0x93: {  	_ =	swait.eq [sflag:s15], $0x1  }
0x94: {  	[sflag:s15] =	ssyncset.done $0x0  }
0x95: {  	[sflag:s15] =	ssyncadd.s32 $0xFFFFFFFF  }
0x96: {  	s16 =	sld [smem:$0x10];
	(tm) =	ssettm $0x1  }
0x97: {  	s17 =	sld [smem:$0x3FFB];
	_ =	sdelay $0x3  }
0x98: {  	_ =	strace s17  }
0x99: {  	s3 =	sld [smem:$0x3FFC];
	_ =	sdelay $0x3  }
0x9a: {  	_ =	strace s3  }
0x9b: {  	s3 =	sld [smem:$0x3FFD];
	_ =	sdelay $0x3  }
0x9c: {  	_ =	strace s3  }
0x9d: {  	_ =	strace $0x8FFFFFFF  }
0x9e: {  	s18 =	sld [smem:$0x3FDB];
	_ =	sdelay $0x1  }
0x9f: {  	s19 =	simm.s32 $_scs_section_size  }
0xa0: {  	s5 =	simm.s32 $_size__tile_overlayer_lowered;
	s6 =	simm.s32 $_tile_overlayer_lowered  }
0xa1: {  	s22 =	simm.s32 $0x1BFF;
	s21 =	sshll.u32 s6, $0x1;
	s3 =	sadd.s32 s19, s18  }
0xa2: {  	s7 =	simm.s32 $0x0;
	s20 =	sshll.u32 s5, $0x1;
	s5 =	sadd.s32 s21, s3  }
0xa3: {  	[timem:s7], [sflag:s22] =	dma.local [hbm:s5], s20  }
0xa4: {  	_ =	swait.ge [sflag:s22], s20  }
0xa5: {  	s4 =	ssub.s32 $0x0, s20;
	[sflag:s22] =	ssyncset.done $0x0  }
0xa6: {  	[sflag:s22] =	ssyncadd.s32 s4;
	_ =	sdelay $0x1  }
0xa7: {  	s23 =	simm.s32 $0x1B8B  }
0xa8: {  	_ =	swait.ge [sflag:s23], $0x1  }
0xa9: {  	[sflag:s23] =	ssyncset.done $0x0  }
0xaa: {  	s25 =	simm.s32 $0x1B8E;
	s24 =	sld [smem:$0x3FFE];
	[sflag:s23] =	ssyncadd.s32 $0xFFFFFFFF  }
0xab: {  	s26 =	simm.s32 $execute0_lowered;
	[smem:$0x3FD2] =	sst s25  }
0xac: {  	s5 =	sshll.u32 s26, $0x1;
	_ =	strace $0x80000049;
	[dreg:$0x1] =	wrdreg $0xFFFFFFFF  }
0xad: {  	s28 =	simm.s32 $_size_execute0_lowered;
	s3 =	sadd.s32 s3, s5;
	[dreg:$0x0] =	wrdreg $0x0  }
0xae: {  	s5 =	sshll.u32 s28, $0x1;
	[dreg:$0x2] =	wrdreg s3  }
0xaf: {  	[dreg:$0x3] =	wrdreg s5  }
0xb0: {  	[dreg:$0x4] =	wrdreg $0xC0  }
0xb1: {  	_ =	task [dreg:s7], $0x5FFFF  }
0xb2: {  	[dreg:$0x1] =	wrdreg $0xFFFFFFFF  }
0xb3: {  	[dreg:$0x0] =	wrdreg $0x60  }
0xb4: {  	[dreg:$0x2] =	wrdreg s24  }
0xb5: {  	[dreg:$0x3] =	wrdreg s16  }
0xb6: {  	[dreg:$0x4] =	wrdreg $0x9  }
0xb7: {  	_ =	task.clear_ibuf [dreg:s7], $0x5FFFF;
	_ =	strace $0x90000049  }
0xb8: {  	s29 =	simm.s32 $0x9;
	_ =	strace $0x8000004B  }
0xb9: {  	_ =	swait.ge [sflag:s29], $0x1  }
0xba: {  	[sflag:s29] =	ssyncadd.s32 $0xFFFFFFFF  }
0xbb: {  	_ =	strace $0x9000004B  }
0xbc: {  	_ =	sfence  }
0xbd: {  	s30 =	sld [smem:$0x0];
	_ =	sdelay $0x2  }
0xbe: {  	s31 =	sshll.u32 s1, $0xD;
	s1 =	sshrl.u32 s1, $0x2  }
0xbf: {  	s3 =	sand.u32 $0x4000, s31;
	s1 =	sadd.s32 s1, s30  }
0xc0: {  	s0 =	sor.u32 s3, s0;
	s1 =	sshll.u32 s1, $0x11  }
0xc1: {  	s0 =	sor.u32 s1, s0  }
0xc2: {  	s0 =	sadd.s32 $0x8F2B, s0  }
0xc3: {  	[sflag:s0] =	ssyncadd.remote.s32 $0x1  }
0xc4: {  	_ =	sfence.sel $0xFFFF  }
0xc5: {  	[dreg:$0x0] =	wrdreg $0xFFFFFFFF;
	(pc) =	sbr.abs _section_cstart, $3  }
0xc6: {  	[dreg:$0x1] =	wrdreg $0xFFFFFFFF  }
0xc7: {  	_ =	task.clear_ibuf [dreg:s7], $0x2FFFF;
	_ =	strace $0x9FFFFFFF  }
0xc8: {  	(tm) =	ssettm $0x7FFFFFFF  }
0xc9: {  	_ =	shalt  }
tec
execute0_lowered:
.L_overlay_start_1:
0x0: {  	(tag) =	ssettag $0x1  }
0x1: {  	s0 =	srdreg.scid  }
0x2: {  	s2 =	stileid.u32;
	s1 =	rddreg [dreg:$0x0]  }
0x3: {  	s3 =	rddreg [dreg:$0x1];
	s19 =	simm.s32 $0x1;
	s31 =	simm.s32 $0x3  }
0x4: {  	s9 =	simm.s32 $0x11400;
	s10 =	simm.s32 $0x11C00;
	s11 =	simm.s32 $0x12400  }
0x5: {  	s12 =	simm.s32 $0x12C00;
	s13 =	simm.s32 $0x13400;
	s14 =	simm.s32 $0x13C00  }
0x6: {  	s15 =	simm.s32 $0x14400;
	s16 =	simm.s32 $0x14C00;
	s17 =	simm.s32 $0x15400  }
0x7: {  	s18 =	simm.s32 $0x15C00;
	s28 =	simm.s32 $0x16C00;
	s29 =	simm.s32 $0x17400  }
0x8: {  	s30 =	simm.s32 $0x17C00;
	s0 =	sand.u32 $0x1, s0;
	s2 =	sshll.u32 s2, $0x1  }
0x9: {  	s6 =	sadd.s32 $0xC3200, s1;
	s7 =	sadd.s32 $0xC3300, s1;
	s4 =	sor.u32 s0, s2  }
0xa: {  	s2 =	simm.s32 $0x0;
	s5 =	sshll.u32 s4, $0x7;
	s4 =	sshll.u32 s4, $0xF  }
0xb: {  	[smem:$0x7FF] =	sst s2;
	s5 =	sadd.s32 s5, s1;
	s8 =	sadd.s32 s3, s4  }
0xc: {  	_ =	strace $0x8000004A;
	s5 =	sadd.s32 $0xC2000, s5;
	[dreg:$0xb] =	wrdreg s8  }
0xd: {  	s0 =	ssub.s32 $0x2, s0;
	s3 =	sadd.s32 $0x1000, s8;
	[dreg:$0x3] =	wrdreg s5  }
0xe: {  	s21 =	sshrl.u32 s0, $0x1;
	s20 =	sadd.s32 $0x2000, s8;
	[dreg:$0x4] =	wrdreg s3  }
0xf: {  	s4 =	sadd.s32 $0xC3000, s1;
	s22 =	sadd.s32 $0x3000, s8;
	[dreg:$0x5] =	wrdreg s20  }
0x10: {  	s0 =	ssub.s32 s0, s21;
	s23 =	sadd.s32 $0x4000, s8;
	[dreg:$0x6] =	wrdreg s22  }
0x11: {  	s21 =	simm.s32 $0x4;
	s24 =	sadd.s32 $0x5000, s8;
	[dreg:$0x7] =	wrdreg s23  }
0x12: {  	s25 =	sadd.s32 $0x6000, s8;
	s26 =	sadd.s32 $0x7000, s8;
	[dreg:$0x8] =	wrdreg s24  }
0x13: {  	v2 =	vlaneseq.u32;
	s8 =	smax.u32 s0, $0x1;
	s5 =	sadd.s32 $0xC3100, s1;
	[dreg:$0x9] =	wrdreg s25  }
0x14: {  	vm0 =	vmmov $0xffff;
	v1 =	vshrl.u32 v2, $0x3;
	[dreg:$0xa] =	wrdreg s26;
	s20 =	simm.s32 $0x2;
	s23 =	simm.s32 $0x5  }
0x15: {  	v0 =	vand.u32 $0x7, v2;
	v2 =	vor.u32 $0x8, v2;
	v1 =	vmul.u32 $0x8, v1;
	s24 =	simm.s32 $0x6;
	s26 =	simm.s32 $0x400;
	s22 =	simm.s32 $0x16400  }
.LBB2_1:
0x16: {  	s25 =	rddreg [dreg:$0x3];
	s3 =	simm.s32 $0x7  }
0x17: {  	[tilespmem:s2], [sflag:$0x7] =	stream.linear.gather [hbm4b:s25+s2], $0x400, $0x38;
	[tilespmem:$0x18400] =	vst v63  }
0x18: {  	_ =	swait.ge [sflag:s3], $0x400  }
0x19: {  	[sflag:s3] =	ssyncset.done $0x0  }
0x1a: {  	[sflag:s3] =	ssyncadd.s32 $0xFFFFFC00  }
0x1b: {  	v3 =	vld [tilespmem:$0x0];
	_ =	sdelay $0x4  }
0x1c: {  	v4 =	vshll.u32 v3, $0x3  }
0x1d: {  	v3 =	vand.u32 $0x7, v3;
	v4 =	vand.u32 $0xFFFFFFC0, v4  }
0x1e: {  	v3 =	vor.u32 v3, v4  }
0x1f: {  	v4 =	vperm.xlane v3, v0;
	_ =	sdelay $0x1  }
0x20: {  	v4 =	vadd.s32 v1, v4;
	_ =	sdelay $0x4  }
0x21: {  	[tilespmem:s26], [sflag:$0x1] =	stream.indirect_vreg.gather [hbm4b:s4+s2], $0x80, v4, vm0, $0xb8;
	[tilespmem:$0x18400] =	vst v63  }
0x22: {  	s0 =	simm.s32 $0xC00;
	v3 =	vperm.xlane v3, v2  }
0x23: {  	[tilespmem:s0], [sflag:$0x1] =	stream.indirect_vreg.gather [hbm4b:s5+s2], $0x80, v4, vm0, $0xb8;
	[tilespmem:$0x18400] =	vst v63  }
0x24: {  	s25 =	simm.s32 $0x1400;
	v3 =	vadd.s32 v1, v3  }
0x25: {  	[tilespmem:s25], [sflag:$0x1] =	stream.indirect_vreg.gather [hbm4b:s6+s2], $0x80, v4, vm0, $0xb8;
	[tilespmem:$0x18400] =	vst v63  }
0x26: {  	s1 =	simm.s32 $0x1C00  }
0x27: {  	[tilespmem:s1], [sflag:$0x1] =	stream.indirect_vreg.gather [hbm4b:s7+s2], $0x80, v4, vm0, $0xb8;
	[tilespmem:$0x18400] =	vst v63  }
0x28: {  	s3 =	simm.s32 $0x2400  }
0x29: {  	[tilespmem:s3], [sflag:$0x1] =	stream.indirect_vreg.gather [hbm4b:s4+s2], $0x80, v3, vm0, $0xb8;
	[tilespmem:$0x18400] =	vst v63  }
0x2a: {  	s25 =	simm.s32 $0x2C00  }
0x2b: {  	[tilespmem:s25], [sflag:$0x1] =	stream.indirect_vreg.gather [hbm4b:s5+s2], $0x80, v3, vm0, $0xb8;
	[tilespmem:$0x18400] =	vst v63  }
0x2c: {  	s1 =	simm.s32 $0x3400  }
0x2d: {  	[tilespmem:s1], [sflag:$0x1] =	stream.indirect_vreg.gather [hbm4b:s6+s2], $0x80, v3, vm0, $0xb8;
	[tilespmem:$0x18400] =	vst v63  }
0x2e: {  	s3 =	simm.s32 $0x3C00  }
0x2f: {  	[tilespmem:s3], [sflag:$0x1] =	stream.indirect_vreg.gather [hbm4b:s7+s2], $0x80, v3, vm0, $0xb8;
	[tilespmem:$0x18400] =	vst v63  }
0x30: {  	v3 =	vld [tilespmem:$0x10];
	_ =	sdelay $0x4  }
0x31: {  	v49 =	vshll.u32 v3, $0x3  }
0x32: {  	v3 =	vand.u32 $0x7, v3;
	v4 =	vand.u32 $0xFFFFFFC0, v49  }
0x33: {  	v3 =	vor.u32 v3, v4  }
0x34: {  	v4 =	vperm.xlane v3, v0;
	_ =	sdelay $0x1  }
0x35: {  	v4 =	vadd.s32 v1, v4;
	_ =	sdelay $0x3  }
0x36: {  	s25 =	simm.s32 $0x4400  }
0x37: {  	[tilespmem:s25], [sflag:$0x1] =	stream.indirect_vreg.gather [hbm4b:s4+s2], $0x80, v4, vm0, $0xb8;
	[tilespmem:$0x18400] =	vst v63  }
0x38: {  	s1 =	simm.s32 $0x4C00;
	v3 =	vperm.xlane v3, v2  }
0x39: {  	[tilespmem:s1], [sflag:$0x1] =	stream.indirect_vreg.gather [hbm4b:s5+s2], $0x80, v4, vm0, $0xb8;
	[tilespmem:$0x18400] =	vst v63  }
0x3a: {  	s3 =	simm.s32 $0x5400;
	v3 =	vadd.s32 v1, v3  }
0x3b: {  	[tilespmem:s3], [sflag:$0x1] =	stream.indirect_vreg.gather [hbm4b:s6+s2], $0x80, v4, vm0, $0xb8;
	[tilespmem:$0x18400] =	vst v63  }
0x3c: {  	s25 =	simm.s32 $0x5C00  }
0x3d: {  	[tilespmem:s25], [sflag:$0x1] =	stream.indirect_vreg.gather [hbm4b:s7+s2], $0x80, v4, vm0, $0xb8;
	[tilespmem:$0x18400] =	vst v63  }
0x3e: {  	s1 =	simm.s32 $0x6400  }
0x3f: {  	[tilespmem:s1], [sflag:$0x1] =	stream.indirect_vreg.gather [hbm4b:s4+s2], $0x80, v3, vm0, $0xb8;
	[tilespmem:$0x18400] =	vst v63  }
0x40: {  	s3 =	simm.s32 $0x6C00  }
0x41: {  	[tilespmem:s3], [sflag:$0x1] =	stream.indirect_vreg.gather [hbm4b:s5+s2], $0x80, v3, vm0, $0xb8;
	[tilespmem:$0x18400] =	vst v63  }
0x42: {  	s25 =	simm.s32 $0x7400  }
0x43: {  	[tilespmem:s25], [sflag:$0x1] =	stream.indirect_vreg.gather [hbm4b:s6+s2], $0x80, v3, vm0, $0xb8;
	[tilespmem:$0x18400] =	vst v63  }
0x44: {  	s1 =	simm.s32 $0x7C00  }
0x45: {  	[tilespmem:s1], [sflag:$0x1] =	stream.indirect_vreg.gather [hbm4b:s7+s2], $0x80, v3, vm0, $0xb8;
	[tilespmem:$0x18400] =	vst v63  }
0x46: {  	v3 =	vld [tilespmem:$0x80];
	_ =	sdelay $0x4  }
0x47: {  	v50 =	vshll.u32 v3, $0x3  }
0x48: {  	v3 =	vand.u32 $0x7, v3;
	v4 =	vand.u32 $0xFFFFFFC0, v50  }
0x49: {  	v3 =	vor.u32 v3, v4  }
0x4a: {  	v4 =	vperm.xlane v3, v0;
	_ =	sdelay $0x1  }
0x4b: {  	v4 =	vadd.s32 v1, v4;
	_ =	sdelay $0x3  }
0x4c: {  	s0 =	simm.s32 $0x8400  }
0x4d: {  	[tilespmem:s0], [sflag:$0x2] =	stream.indirect_vreg.gather [hbm4b:s4+s2], $0x80, v4, vm0, $0xb8;
	[tilespmem:$0x18400] =	vst v63  }
0x4e: {  	s1 =	simm.s32 $0x8C00;
	v3 =	vperm.xlane v3, v2  }
0x4f: {  	[tilespmem:s1], [sflag:$0x2] =	stream.indirect_vreg.gather [hbm4b:s5+s2], $0x80, v4, vm0, $0xb8;
	[tilespmem:$0x18400] =	vst v63  }
0x50: {  	s3 =	simm.s32 $0x9400;
	v3 =	vadd.s32 v1, v3  }
0x51: {  	[tilespmem:s3], [sflag:$0x2] =	stream.indirect_vreg.gather [hbm4b:s6+s2], $0x80, v4, vm0, $0xb8;
	[tilespmem:$0x18400] =	vst v63  }
0x52: {  	s25 =	simm.s32 $0x9C00  }
0x53: {  	[tilespmem:s25], [sflag:$0x2] =	stream.indirect_vreg.gather [hbm4b:s7+s2], $0x80, v4, vm0, $0xb8;
	[tilespmem:$0x18400] =	vst v63  }
0x54: {  	s3 =	simm.s32 $0xA400  }
0x55: {  	[tilespmem:s3], [sflag:$0x2] =	stream.indirect_vreg.gather [hbm4b:s4+s2], $0x80, v3, vm0, $0xb8;
	[tilespmem:$0x18400] =	vst v63  }
0x56: {  	s25 =	simm.s32 $0xAC00  }
0x57: {  	[tilespmem:s25], [sflag:$0x2] =	stream.indirect_vreg.gather [hbm4b:s5+s2], $0x80, v3, vm0, $0xb8;
	[tilespmem:$0x18400] =	vst v63  }
0x58: {  	s3 =	simm.s32 $0xB400  }
0x59: {  	[tilespmem:s3], [sflag:$0x2] =	stream.indirect_vreg.gather [hbm4b:s6+s2], $0x80, v3, vm0, $0xb8;
	[tilespmem:$0x18400] =	vst v63  }
0x5a: {  	s25 =	simm.s32 $0xBC00  }
0x5b: {  	[tilespmem:s25], [sflag:$0x2] =	stream.indirect_vreg.gather [hbm4b:s7+s2], $0x80, v3, vm0, $0xb8;
	[tilespmem:$0x18400] =	vst v63  }
0x5c: {  	v3 =	vld [tilespmem:$0x90];
	_ =	sdelay $0x4  }
0x5d: {  	v51 =	vshll.u32 v3, $0x3  }
0x5e: {  	v3 =	vand.u32 $0x7, v3;
	v4 =	vand.u32 $0xFFFFFFC0, v51  }
0x5f: {  	v3 =	vor.u32 v3, v4  }
0x60: {  	v4 =	vperm.xlane v3, v0;
	_ =	sdelay $0x1  }
0x61: {  	v4 =	vadd.s32 v1, v4;
	_ =	sdelay $0x3  }
0x62: {  	s3 =	simm.s32 $0xC400  }
0x63: {  	[tilespmem:s3], [sflag:$0x2] =	stream.indirect_vreg.gather [hbm4b:s4+s2], $0x80, v4, vm0, $0xb8;
	[tilespmem:$0x18400] =	vst v63  }
0x64: {  	s25 =	simm.s32 $0xCC00;
	v3 =	vperm.xlane v3, v2  }
0x65: {  	[tilespmem:s25], [sflag:$0x2] =	stream.indirect_vreg.gather [hbm4b:s5+s2], $0x80, v4, vm0, $0xb8;
	[tilespmem:$0x18400] =	vst v63  }
0x66: {  	v3 =	vadd.s32 v1, v3;
	s3 =	simm.s32 $0xD400  }
0x67: {  	[tilespmem:s3], [sflag:$0x2] =	stream.indirect_vreg.gather [hbm4b:s6+s2], $0x80, v4, vm0, $0xb8;
	[tilespmem:$0x18400] =	vst v63  }
0x68: {  	s25 =	simm.s32 $0xDC00  }
0x69: {  	[tilespmem:s25], [sflag:$0x2] =	stream.indirect_vreg.gather [hbm4b:s7+s2], $0x80, v4, vm0, $0xb8;
	[tilespmem:$0x18400] =	vst v63  }
0x6a: {  	s3 =	simm.s32 $0xE400  }
0x6b: {  	[tilespmem:s3], [sflag:$0x2] =	stream.indirect_vreg.gather [hbm4b:s4+s2], $0x80, v3, vm0, $0xb8;
	[tilespmem:$0x18400] =	vst v63  }
0x6c: {  	s25 =	simm.s32 $0xEC00  }
0x6d: {  	[tilespmem:s25], [sflag:$0x2] =	stream.indirect_vreg.gather [hbm4b:s5+s2], $0x80, v3, vm0, $0xb8;
	[tilespmem:$0x18400] =	vst v63  }
0x6e: {  	s3 =	simm.s32 $0xF400  }
0x6f: {  	[tilespmem:s3], [sflag:$0x2] =	stream.indirect_vreg.gather [hbm4b:s6+s2], $0x80, v3, vm0, $0xb8;
	[tilespmem:$0x18400] =	vst v63  }
0x70: {  	s25 =	simm.s32 $0xFC00  }
0x71: {  	[tilespmem:s25], [sflag:$0x2] =	stream.indirect_vreg.gather [hbm4b:s7+s2], $0x80, v3, vm0, $0xb8;
	[tilespmem:$0x18400] =	vst v63  }
0x72: {  	v3 =	vld [tilespmem:$0x100];
	_ =	sdelay $0x4  }
0x73: {  	v52 =	vshll.u32 v3, $0x3  }
0x74: {  	v3 =	vand.u32 $0x7, v3;
	v4 =	vand.u32 $0xFFFFFFC0, v52  }
0x75: {  	v3 =	vor.u32 v3, v4  }
0x76: {  	v4 =	vperm.xlane v3, v0;
	_ =	sdelay $0x1  }
0x77: {  	v4 =	vadd.s32 v1, v4;
	_ =	sdelay $0x3  }
0x78: {  	s1 =	simm.s32 $0x10400  }
0x79: {  	[tilespmem:s1], [sflag:$0x3] =	stream.indirect_vreg.gather [hbm4b:s4+s2], $0x80, v4, vm0, $0xb8;
	[tilespmem:$0x18400] =	vst v63  }
0x7a: {  	s3 =	simm.s32 $0x10C00;
	v3 =	vperm.xlane v3, v2  }
0x7b: {  	[tilespmem:s3], [sflag:$0x3] =	stream.indirect_vreg.gather [hbm4b:s5+s2], $0x80, v4, vm0, $0xb8;
	[tilespmem:$0x18400] =	vst v63  }
0x7c: {  	v3 =	vadd.s32 v1, v3  }
0x7d: {  	[tilespmem:s9], [sflag:$0x3] =	stream.indirect_vreg.gather [hbm4b:s6+s2], $0x80, v4, vm0, $0xb8;
	[tilespmem:$0x18400] =	vst v63  }
0x7e: {  	_ = 	snop  }
0x7f: {  	[tilespmem:s10], [sflag:$0x3] =	stream.indirect_vreg.gather [hbm4b:s7+s2], $0x80, v4, vm0, $0xb8;
	[tilespmem:$0x18400] =	vst v63  }
0x80: {  	_ = 	snop  }
0x81: {  	[tilespmem:s11], [sflag:$0x3] =	stream.indirect_vreg.gather [hbm4b:s4+s2], $0x80, v3, vm0, $0xb8;
	[tilespmem:$0x18400] =	vst v63  }
0x82: {  	_ = 	snop  }
0x83: {  	[tilespmem:s12], [sflag:$0x3] =	stream.indirect_vreg.gather [hbm4b:s5+s2], $0x80, v3, vm0, $0xb8;
	[tilespmem:$0x18400] =	vst v63  }
0x84: {  	_ = 	snop  }
0x85: {  	[tilespmem:s13], [sflag:$0x3] =	stream.indirect_vreg.gather [hbm4b:s6+s2], $0x80, v3, vm0, $0xb8;
	[tilespmem:$0x18400] =	vst v63  }
0x86: {  	_ = 	snop  }
0x87: {  	[tilespmem:s14], [sflag:$0x3] =	stream.indirect_vreg.gather [hbm4b:s7+s2], $0x80, v3, vm0, $0xb8;
	[tilespmem:$0x18400] =	vst v63  }
0x88: {  	v3 =	vld [tilespmem:$0x110];
	_ =	sdelay $0x4  }
0x89: {  	v53 =	vshll.u32 v3, $0x3  }
0x8a: {  	v3 =	vand.u32 $0x7, v3;
	v4 =	vand.u32 $0xFFFFFFC0, v53  }
0x8b: {  	v3 =	vor.u32 v3, v4  }
0x8c: {  	v4 =	vperm.xlane v3, v0;
	_ =	sdelay $0x1  }
0x8d: {  	v4 =	vadd.s32 v1, v4;
	_ =	sdelay $0x4  }
0x8e: {  	[tilespmem:s15], [sflag:$0x3] =	stream.indirect_vreg.gather [hbm4b:s4+s2], $0x80, v4, vm0, $0xb8;
	[tilespmem:$0x18400] =	vst v63  }
0x8f: {  	v3 =	vperm.xlane v3, v2  }
0x90: {  	[tilespmem:s16], [sflag:$0x3] =	stream.indirect_vreg.gather [hbm4b:s5+s2], $0x80, v4, vm0, $0xb8;
	[tilespmem:$0x18400] =	vst v63  }
0x91: {  	v3 =	vadd.s32 v1, v3  }
0x92: {  	[tilespmem:s17], [sflag:$0x3] =	stream.indirect_vreg.gather [hbm4b:s6+s2], $0x80, v4, vm0, $0xb8;
	[tilespmem:$0x18400] =	vst v63  }
0x93: {  	_ = 	snop  }
0x94: {  	[tilespmem:s18], [sflag:$0x3] =	stream.indirect_vreg.gather [hbm4b:s7+s2], $0x80, v4, vm0, $0xb8;
	[tilespmem:$0x18400] =	vst v63  }
0x95: {  	_ = 	snop  }
0x96: {  	[tilespmem:s22], [sflag:$0x3] =	stream.indirect_vreg.gather [hbm4b:s4+s2], $0x80, v3, vm0, $0xb8;
	[tilespmem:$0x18400] =	vst v63  }
0x97: {  	_ = 	snop  }
0x98: {  	[tilespmem:s28], [sflag:$0x3] =	stream.indirect_vreg.gather [hbm4b:s5+s2], $0x80, v3, vm0, $0xb8;
	[tilespmem:$0x18400] =	vst v63  }
0x99: {  	_ = 	snop  }
0x9a: {  	[tilespmem:s29], [sflag:$0x3] =	stream.indirect_vreg.gather [hbm4b:s6+s2], $0x80, v3, vm0, $0xb8;
	[tilespmem:$0x18400] =	vst v63  }
0x9b: {  	_ = 	snop  }
0x9c: {  	[tilespmem:s30], [sflag:$0x3] =	stream.indirect_vreg.gather [hbm4b:s7+s2], $0x80, v3, vm0, $0xb8;
	[tilespmem:$0x18400] =	vst v63  }
0x9d: {  	_ =	swait.ge [sflag:s19], $0x8000  }
0x9e: {  	[sflag:s19] =	ssyncset.done $0x0  }
0x9f: {  	s25 =	rddreg [dreg:$0xb];
	[sflag:s19] =	ssyncadd.s32 $0xFFFF8000  }
0xa0: {  	[hbm4b:s25+s2] =	stream.linear.scatter [tilespmem:s26], [sflag:$0x4], $0x8000, $0x38;
	[tilespmem:$0x18400] =	vst v63  }
0xa1: {  	_ =	swait.ge [sflag:s20], $0x8000  }
0xa2: {  	[sflag:s20] =	ssyncset.done $0x0  }
0xa3: {  	s25 =	rddreg [dreg:$0x4];
	[sflag:s20] =	ssyncadd.s32 $0xFFFF8000  }
0xa4: {  	[hbm4b:s25+s2] =	stream.linear.scatter [tilespmem:s0], [sflag:$0x5], $0x8000, $0x38;
	[tilespmem:$0x18400] =	vst v63  }
0xa5: {  	_ =	swait.ge [sflag:s21], $0x8000  }
0xa6: {  	[sflag:s21] =	ssyncset.done $0x0  }
0xa7: {  	[sflag:s21] =	ssyncadd.s32 $0xFFFF8000  }
0xa8: {  	v3 =	vld [tilespmem:$0x180];
	_ =	sdelay $0x4  }
0xa9: {  	v54 =	vshll.u32 v3, $0x3  }
0xaa: {  	v3 =	vand.u32 $0x7, v3;
	v4 =	vand.u32 $0xFFFFFFC0, v54  }
0xab: {  	v3 =	vor.u32 v3, v4  }
0xac: {  	v4 =	vperm.xlane v3, v0;
	_ =	sdelay $0x1  }
0xad: {  	v4 =	vadd.s32 v1, v4;
	_ =	sdelay $0x4  }
0xae: {  	[tilespmem:s26], [sflag:$0x1] =	stream.indirect_vreg.gather [hbm4b:s4+s2], $0x80, v4, vm0, $0xb8;
	[tilespmem:$0x18400] =	vst v63  }
0xaf: {  	s25 =	simm.s32 $0xC00;
	v3 =	vperm.xlane v3, v2  }
0xb0: {  	[tilespmem:s25], [sflag:$0x1] =	stream.indirect_vreg.gather [hbm4b:s5+s2], $0x80, v4, vm0, $0xb8;
	[tilespmem:$0x18400] =	vst v63  }
0xb1: {  	v3 =	vadd.s32 v1, v3;
	s25 =	simm.s32 $0x1400  }
0xb2: {  	[tilespmem:s25], [sflag:$0x1] =	stream.indirect_vreg.gather [hbm4b:s6+s2], $0x80, v4, vm0, $0xb8;
	[tilespmem:$0x18400] =	vst v63  }
0xb3: {  	s25 =	simm.s32 $0x1C00  }
0xb4: {  	[tilespmem:s25], [sflag:$0x1] =	stream.indirect_vreg.gather [hbm4b:s7+s2], $0x80, v4, vm0, $0xb8;
	[tilespmem:$0x18400] =	vst v63  }
0xb5: {  	s25 =	simm.s32 $0x2400  }
0xb6: {  	[tilespmem:s25], [sflag:$0x1] =	stream.indirect_vreg.gather [hbm4b:s4+s2], $0x80, v3, vm0, $0xb8;
	[tilespmem:$0x18400] =	vst v63  }
0xb7: {  	s25 =	simm.s32 $0x2C00  }
0xb8: {  	[tilespmem:s25], [sflag:$0x1] =	stream.indirect_vreg.gather [hbm4b:s5+s2], $0x80, v3, vm0, $0xb8;
	[tilespmem:$0x18400] =	vst v63  }
0xb9: {  	s25 =	simm.s32 $0x3400  }
0xba: {  	[tilespmem:s25], [sflag:$0x1] =	stream.indirect_vreg.gather [hbm4b:s6+s2], $0x80, v3, vm0, $0xb8;
	[tilespmem:$0x18400] =	vst v63  }
0xbb: {  	s25 =	simm.s32 $0x3C00  }
0xbc: {  	[tilespmem:s25], [sflag:$0x1] =	stream.indirect_vreg.gather [hbm4b:s7+s2], $0x80, v3, vm0, $0xb8;
	[tilespmem:$0x18400] =	vst v63  }
0xbd: {  	v3 =	vld [tilespmem:$0x190];
	_ =	sdelay $0x4  }
0xbe: {  	v55 =	vshll.u32 v3, $0x3  }
0xbf: {  	v3 =	vand.u32 $0x7, v3;
	v4 =	vand.u32 $0xFFFFFFC0, v55  }
0xc0: {  	v3 =	vor.u32 v3, v4  }
0xc1: {  	v4 =	vperm.xlane v3, v0;
	_ =	sdelay $0x1  }
0xc2: {  	v4 =	vadd.s32 v1, v4;
	_ =	sdelay $0x3  }
0xc3: {  	s25 =	simm.s32 $0x4400  }
0xc4: {  	[tilespmem:s25], [sflag:$0x1] =	stream.indirect_vreg.gather [hbm4b:s4+s2], $0x80, v4, vm0, $0xb8;
	[tilespmem:$0x18400] =	vst v63  }
0xc5: {  	v3 =	vperm.xlane v3, v2;
	s25 =	simm.s32 $0x4C00  }
0xc6: {  	[tilespmem:s25], [sflag:$0x1] =	stream.indirect_vreg.gather [hbm4b:s5+s2], $0x80, v4, vm0, $0xb8;
	[tilespmem:$0x18400] =	vst v63  }
0xc7: {  	v3 =	vadd.s32 v1, v3;
	s25 =	simm.s32 $0x5400  }
0xc8: {  	[tilespmem:s25], [sflag:$0x1] =	stream.indirect_vreg.gather [hbm4b:s6+s2], $0x80, v4, vm0, $0xb8;
	[tilespmem:$0x18400] =	vst v63  }
0xc9: {  	s25 =	simm.s32 $0x5C00  }
0xca: {  	[tilespmem:s25], [sflag:$0x1] =	stream.indirect_vreg.gather [hbm4b:s7+s2], $0x80, v4, vm0, $0xb8;
	[tilespmem:$0x18400] =	vst v63  }
0xcb: {  	s25 =	simm.s32 $0x6400  }
0xcc: {  	[tilespmem:s25], [sflag:$0x1] =	stream.indirect_vreg.gather [hbm4b:s4+s2], $0x80, v3, vm0, $0xb8;
	[tilespmem:$0x18400] =	vst v63  }
0xcd: {  	s25 =	simm.s32 $0x6C00  }
0xce: {  	[tilespmem:s25], [sflag:$0x1] =	stream.indirect_vreg.gather [hbm4b:s5+s2], $0x80, v3, vm0, $0xb8;
	[tilespmem:$0x18400] =	vst v63  }
0xcf: {  	s25 =	simm.s32 $0x7400  }
0xd0: {  	[tilespmem:s25], [sflag:$0x1] =	stream.indirect_vreg.gather [hbm4b:s6+s2], $0x80, v3, vm0, $0xb8;
	[tilespmem:$0x18400] =	vst v63  }
0xd1: {  	s25 =	simm.s32 $0x7C00  }
0xd2: {  	[tilespmem:s25], [sflag:$0x1] =	stream.indirect_vreg.gather [hbm4b:s7+s2], $0x80, v3, vm0, $0xb8;
	[tilespmem:$0x18400] =	vst v63  }
0xd3: {  	_ =	swait.ge [sflag:s31], $0x8000  }
0xd4: {  	[sflag:s31] =	ssyncset.done $0x0  }
0xd5: {  	s25 =	rddreg [dreg:$0x5];
	[sflag:s31] =	ssyncadd.s32 $0xFFFF8000  }
0xd6: {  	[hbm4b:s25+s2] =	stream.linear.scatter [tilespmem:s1], [sflag:$0x6], $0x8000, $0x38;
	[tilespmem:$0x18400] =	vst v63  }
0xd7: {  	_ =	swait.ge [sflag:s23], $0x8000  }
0xd8: {  	[sflag:s23] =	ssyncset.done $0x0  }
0xd9: {  	[sflag:s23] =	ssyncadd.s32 $0xFFFF8000  }
0xda: {  	v3 =	vld [tilespmem:$0x200];
	_ =	sdelay $0x4  }
0xdb: {  	v56 =	vshll.u32 v3, $0x3  }
0xdc: {  	v3 =	vand.u32 $0x7, v3;
	v4 =	vand.u32 $0xFFFFFFC0, v56  }
0xdd: {  	v3 =	vor.u32 v3, v4  }
0xde: {  	v4 =	vperm.xlane v3, v0;
	_ =	sdelay $0x1  }
0xdf: {  	v4 =	vadd.s32 v1, v4;
	_ =	sdelay $0x4  }
0xe0: {  	[tilespmem:s0], [sflag:$0x2] =	stream.indirect_vreg.gather [hbm4b:s4+s2], $0x80, v4, vm0, $0xb8;
	[tilespmem:$0x18400] =	vst v63  }
0xe1: {  	s25 =	simm.s32 $0x8C00;
	v3 =	vperm.xlane v3, v2  }
0xe2: {  	[tilespmem:s25], [sflag:$0x2] =	stream.indirect_vreg.gather [hbm4b:s5+s2], $0x80, v4, vm0, $0xb8;
	[tilespmem:$0x18400] =	vst v63  }
0xe3: {  	v3 =	vadd.s32 v1, v3;
	s25 =	simm.s32 $0x9400  }
0xe4: {  	[tilespmem:s25], [sflag:$0x2] =	stream.indirect_vreg.gather [hbm4b:s6+s2], $0x80, v4, vm0, $0xb8;
	[tilespmem:$0x18400] =	vst v63  }
0xe5: {  	s25 =	simm.s32 $0x9C00  }
0xe6: {  	[tilespmem:s25], [sflag:$0x2] =	stream.indirect_vreg.gather [hbm4b:s7+s2], $0x80, v4, vm0, $0xb8;
	[tilespmem:$0x18400] =	vst v63  }
0xe7: {  	s25 =	simm.s32 $0xA400  }
0xe8: {  	[tilespmem:s25], [sflag:$0x2] =	stream.indirect_vreg.gather [hbm4b:s4+s2], $0x80, v3, vm0, $0xb8;
	[tilespmem:$0x18400] =	vst v63  }
0xe9: {  	s25 =	simm.s32 $0xAC00  }
0xea: {  	[tilespmem:s25], [sflag:$0x2] =	stream.indirect_vreg.gather [hbm4b:s5+s2], $0x80, v3, vm0, $0xb8;
	[tilespmem:$0x18400] =	vst v63  }
0xeb: {  	s25 =	simm.s32 $0xB400  }
0xec: {  	[tilespmem:s25], [sflag:$0x2] =	stream.indirect_vreg.gather [hbm4b:s6+s2], $0x80, v3, vm0, $0xb8;
	[tilespmem:$0x18400] =	vst v63  }
0xed: {  	s25 =	simm.s32 $0xBC00  }
0xee: {  	[tilespmem:s25], [sflag:$0x2] =	stream.indirect_vreg.gather [hbm4b:s7+s2], $0x80, v3, vm0, $0xb8;
	[tilespmem:$0x18400] =	vst v63  }
0xef: {  	v3 =	vld [tilespmem:$0x210];
	_ =	sdelay $0x4  }
0xf0: {  	v57 =	vshll.u32 v3, $0x3  }
0xf1: {  	v3 =	vand.u32 $0x7, v3;
	v4 =	vand.u32 $0xFFFFFFC0, v57  }
0xf2: {  	v3 =	vor.u32 v3, v4  }
0xf3: {  	v4 =	vperm.xlane v3, v0;
	_ =	sdelay $0x1  }
0xf4: {  	v4 =	vadd.s32 v1, v4;
	_ =	sdelay $0x3  }
0xf5: {  	s25 =	simm.s32 $0xC400  }
0xf6: {  	[tilespmem:s25], [sflag:$0x2] =	stream.indirect_vreg.gather [hbm4b:s4+s2], $0x80, v4, vm0, $0xb8;
	[tilespmem:$0x18400] =	vst v63  }
0xf7: {  	v3 =	vperm.xlane v3, v2;
	s25 =	simm.s32 $0xCC00  }
0xf8: {  	[tilespmem:s25], [sflag:$0x2] =	stream.indirect_vreg.gather [hbm4b:s5+s2], $0x80, v4, vm0, $0xb8;
	[tilespmem:$0x18400] =	vst v63  }
0xf9: {  	v3 =	vadd.s32 v1, v3;
	s25 =	simm.s32 $0xD400  }
0xfa: {  	[tilespmem:s25], [sflag:$0x2] =	stream.indirect_vreg.gather [hbm4b:s6+s2], $0x80, v4, vm0, $0xb8;
	[tilespmem:$0x18400] =	vst v63  }
0xfb: {  	s25 =	simm.s32 $0xDC00  }
0xfc: {  	[tilespmem:s25], [sflag:$0x2] =	stream.indirect_vreg.gather [hbm4b:s7+s2], $0x80, v4, vm0, $0xb8;
	[tilespmem:$0x18400] =	vst v63  }
0xfd: {  	s25 =	simm.s32 $0xE400  }
0xfe: {  	[tilespmem:s25], [sflag:$0x2] =	stream.indirect_vreg.gather [hbm4b:s4+s2], $0x80, v3, vm0, $0xb8;
	[tilespmem:$0x18400] =	vst v63  }
0xff: {  	s25 =	simm.s32 $0xEC00  }
0x100: {  	[tilespmem:s25], [sflag:$0x2] =	stream.indirect_vreg.gather [hbm4b:s5+s2], $0x80, v3, vm0, $0xb8;
	[tilespmem:$0x18400] =	vst v63  }
0x101: {  	s25 =	simm.s32 $0xF400  }
0x102: {  	[tilespmem:s25], [sflag:$0x2] =	stream.indirect_vreg.gather [hbm4b:s6+s2], $0x80, v3, vm0, $0xb8;
	[tilespmem:$0x18400] =	vst v63  }
0x103: {  	s25 =	simm.s32 $0xFC00  }
0x104: {  	[tilespmem:s25], [sflag:$0x2] =	stream.indirect_vreg.gather [hbm4b:s7+s2], $0x80, v3, vm0, $0xb8;
	[tilespmem:$0x18400] =	vst v63  }
0x105: {  	_ =	swait.ge [sflag:s19], $0x8000  }
0x106: {  	[sflag:s19] =	ssyncset.done $0x0  }
0x107: {  	s25 =	rddreg [dreg:$0x6];
	[sflag:s19] =	ssyncadd.s32 $0xFFFF8000  }
0x108: {  	[hbm4b:s25+s2] =	stream.linear.scatter [tilespmem:s26], [sflag:$0x4], $0x8000, $0x38;
	[tilespmem:$0x18400] =	vst v63  }
0x109: {  	_ =	swait.ge [sflag:s24], $0x8000  }
0x10a: {  	[sflag:s24] =	ssyncset.done $0x0  }
0x10b: {  	[sflag:s24] =	ssyncadd.s32 $0xFFFF8000  }
0x10c: {  	v3 =	vld [tilespmem:$0x280];
	_ =	sdelay $0x4  }
0x10d: {  	v58 =	vshll.u32 v3, $0x3  }
0x10e: {  	v3 =	vand.u32 $0x7, v3;
	v4 =	vand.u32 $0xFFFFFFC0, v58  }
0x10f: {  	v3 =	vor.u32 v3, v4  }
0x110: {  	v4 =	vperm.xlane v3, v0;
	_ =	sdelay $0x1  }
0x111: {  	v4 =	vadd.s32 v1, v4;
	_ =	sdelay $0x4  }
0x112: {  	[tilespmem:s1], [sflag:$0x3] =	stream.indirect_vreg.gather [hbm4b:s4+s2], $0x80, v4, vm0, $0xb8;
	[tilespmem:$0x18400] =	vst v63  }
0x113: {  	v3 =	vperm.xlane v3, v2  }
0x114: {  	[tilespmem:s3], [sflag:$0x3] =	stream.indirect_vreg.gather [hbm4b:s5+s2], $0x80, v4, vm0, $0xb8;
	[tilespmem:$0x18400] =	vst v63  }
0x115: {  	v3 =	vadd.s32 v1, v3  }
0x116: {  	[tilespmem:s9], [sflag:$0x3] =	stream.indirect_vreg.gather [hbm4b:s6+s2], $0x80, v4, vm0, $0xb8;
	[tilespmem:$0x18400] =	vst v63  }
0x117: {  	_ = 	snop  }
0x118: {  	[tilespmem:s10], [sflag:$0x3] =	stream.indirect_vreg.gather [hbm4b:s7+s2], $0x80, v4, vm0, $0xb8;
	[tilespmem:$0x18400] =	vst v63  }
0x119: {  	_ = 	snop  }
0x11a: {  	[tilespmem:s11], [sflag:$0x3] =	stream.indirect_vreg.gather [hbm4b:s4+s2], $0x80, v3, vm0, $0xb8;
	[tilespmem:$0x18400] =	vst v63  }
0x11b: {  	_ = 	snop  }
0x11c: {  	[tilespmem:s12], [sflag:$0x3] =	stream.indirect_vreg.gather [hbm4b:s5+s2], $0x80, v3, vm0, $0xb8;
	[tilespmem:$0x18400] =	vst v63  }
0x11d: {  	_ = 	snop  }
0x11e: {  	[tilespmem:s13], [sflag:$0x3] =	stream.indirect_vreg.gather [hbm4b:s6+s2], $0x80, v3, vm0, $0xb8;
	[tilespmem:$0x18400] =	vst v63  }
0x11f: {  	_ = 	snop  }
0x120: {  	[tilespmem:s14], [sflag:$0x3] =	stream.indirect_vreg.gather [hbm4b:s7+s2], $0x80, v3, vm0, $0xb8;
	[tilespmem:$0x18400] =	vst v63  }
0x121: {  	v3 =	vld [tilespmem:$0x290];
	_ =	sdelay $0x4  }
0x122: {  	v59 =	vshll.u32 v3, $0x3  }
0x123: {  	v3 =	vand.u32 $0x7, v3;
	v4 =	vand.u32 $0xFFFFFFC0, v59  }
0x124: {  	v3 =	vor.u32 v3, v4  }
0x125: {  	v4 =	vperm.xlane v3, v0;
	_ =	sdelay $0x1  }
0x126: {  	v4 =	vadd.s32 v1, v4;
	_ =	sdelay $0x4  }
0x127: {  	[tilespmem:s15], [sflag:$0x3] =	stream.indirect_vreg.gather [hbm4b:s4+s2], $0x80, v4, vm0, $0xb8;
	[tilespmem:$0x18400] =	vst v63  }
0x128: {  	v3 =	vperm.xlane v3, v2  }
0x129: {  	[tilespmem:s16], [sflag:$0x3] =	stream.indirect_vreg.gather [hbm4b:s5+s2], $0x80, v4, vm0, $0xb8;
	[tilespmem:$0x18400] =	vst v63  }
0x12a: {  	v3 =	vadd.s32 v1, v3  }
0x12b: {  	[tilespmem:s17], [sflag:$0x3] =	stream.indirect_vreg.gather [hbm4b:s6+s2], $0x80, v4, vm0, $0xb8;
	[tilespmem:$0x18400] =	vst v63  }
0x12c: {  	_ = 	snop  }
0x12d: {  	[tilespmem:s18], [sflag:$0x3] =	stream.indirect_vreg.gather [hbm4b:s7+s2], $0x80, v4, vm0, $0xb8;
	[tilespmem:$0x18400] =	vst v63  }
0x12e: {  	_ = 	snop  }
0x12f: {  	[tilespmem:s22], [sflag:$0x3] =	stream.indirect_vreg.gather [hbm4b:s4+s2], $0x80, v3, vm0, $0xb8;
	[tilespmem:$0x18400] =	vst v63  }
0x130: {  	_ = 	snop  }
0x131: {  	[tilespmem:s28], [sflag:$0x3] =	stream.indirect_vreg.gather [hbm4b:s5+s2], $0x80, v3, vm0, $0xb8;
	[tilespmem:$0x18400] =	vst v63  }
0x132: {  	_ = 	snop  }
0x133: {  	[tilespmem:s29], [sflag:$0x3] =	stream.indirect_vreg.gather [hbm4b:s6+s2], $0x80, v3, vm0, $0xb8;
	[tilespmem:$0x18400] =	vst v63  }
0x134: {  	_ = 	snop  }
0x135: {  	[tilespmem:s30], [sflag:$0x3] =	stream.indirect_vreg.gather [hbm4b:s7+s2], $0x80, v3, vm0, $0xb8;
	[tilespmem:$0x18400] =	vst v63  }
0x136: {  	_ =	swait.ge [sflag:s20], $0x8000  }
0x137: {  	[sflag:s20] =	ssyncset.done $0x0  }
0x138: {  	s3 =	rddreg [dreg:$0x7];
	[sflag:s20] =	ssyncadd.s32 $0xFFFF8000  }
0x139: {  	[hbm4b:s3+s2] =	stream.linear.scatter [tilespmem:s0], [sflag:$0x5], $0x8000, $0x38;
	[tilespmem:$0x18400] =	vst v63  }
0x13a: {  	_ =	swait.ge [sflag:s21], $0x8000  }
0x13b: {  	[sflag:s21] =	ssyncset.done $0x0  }
0x13c: {  	[sflag:s21] =	ssyncadd.s32 $0xFFFF8000  }
0x13d: {  	v3 =	vld [tilespmem:$0x300];
	_ =	sdelay $0x4  }
0x13e: {  	v60 =	vshll.u32 v3, $0x3  }
0x13f: {  	v3 =	vand.u32 $0x7, v3;
	v4 =	vand.u32 $0xFFFFFFC0, v60  }
0x140: {  	v3 =	vor.u32 v3, v4  }
0x141: {  	v4 =	vperm.xlane v3, v0;
	_ =	sdelay $0x1  }
0x142: {  	v4 =	vadd.s32 v1, v4;
	_ =	sdelay $0x4  }
0x143: {  	[tilespmem:s26], [sflag:$0x1] =	stream.indirect_vreg.gather [hbm4b:s4+s2], $0x80, v4, vm0, $0xb8;
	[tilespmem:$0x18400] =	vst v63  }
0x144: {  	s25 =	simm.s32 $0xC00;
	v3 =	vperm.xlane v3, v2  }
0x145: {  	[tilespmem:s25], [sflag:$0x1] =	stream.indirect_vreg.gather [hbm4b:s5+s2], $0x80, v4, vm0, $0xb8;
	[tilespmem:$0x18400] =	vst v63  }
0x146: {  	v3 =	vadd.s32 v1, v3;
	s25 =	simm.s32 $0x1400  }
0x147: {  	[tilespmem:s25], [sflag:$0x1] =	stream.indirect_vreg.gather [hbm4b:s6+s2], $0x80, v4, vm0, $0xb8;
	[tilespmem:$0x18400] =	vst v63  }
0x148: {  	s25 =	simm.s32 $0x1C00  }
0x149: {  	[tilespmem:s25], [sflag:$0x1] =	stream.indirect_vreg.gather [hbm4b:s7+s2], $0x80, v4, vm0, $0xb8;
	[tilespmem:$0x18400] =	vst v63  }
0x14a: {  	s25 =	simm.s32 $0x2400  }
0x14b: {  	[tilespmem:s25], [sflag:$0x1] =	stream.indirect_vreg.gather [hbm4b:s4+s2], $0x80, v3, vm0, $0xb8;
	[tilespmem:$0x18400] =	vst v63  }
0x14c: {  	s25 =	simm.s32 $0x2C00  }
0x14d: {  	[tilespmem:s25], [sflag:$0x1] =	stream.indirect_vreg.gather [hbm4b:s5+s2], $0x80, v3, vm0, $0xb8;
	[tilespmem:$0x18400] =	vst v63  }
0x14e: {  	s25 =	simm.s32 $0x3400  }
0x14f: {  	[tilespmem:s25], [sflag:$0x1] =	stream.indirect_vreg.gather [hbm4b:s6+s2], $0x80, v3, vm0, $0xb8;
	[tilespmem:$0x18400] =	vst v63  }
0x150: {  	s25 =	simm.s32 $0x3C00  }
0x151: {  	[tilespmem:s25], [sflag:$0x1] =	stream.indirect_vreg.gather [hbm4b:s7+s2], $0x80, v3, vm0, $0xb8;
	[tilespmem:$0x18400] =	vst v63  }
0x152: {  	v3 =	vld [tilespmem:$0x310];
	_ =	sdelay $0x4  }
0x153: {  	v61 =	vshll.u32 v3, $0x3  }
0x154: {  	v3 =	vand.u32 $0x7, v3;
	v4 =	vand.u32 $0xFFFFFFC0, v61  }
0x155: {  	v3 =	vor.u32 v3, v4  }
0x156: {  	v4 =	vperm.xlane v3, v0;
	_ =	sdelay $0x1  }
0x157: {  	v4 =	vadd.s32 v1, v4;
	_ =	sdelay $0x3  }
0x158: {  	s25 =	simm.s32 $0x4400  }
0x159: {  	[tilespmem:s25], [sflag:$0x1] =	stream.indirect_vreg.gather [hbm4b:s4+s2], $0x80, v4, vm0, $0xb8;
	[tilespmem:$0x18400] =	vst v63  }
0x15a: {  	v3 =	vperm.xlane v3, v2;
	s25 =	simm.s32 $0x4C00  }
0x15b: {  	[tilespmem:s25], [sflag:$0x1] =	stream.indirect_vreg.gather [hbm4b:s5+s2], $0x80, v4, vm0, $0xb8;
	[tilespmem:$0x18400] =	vst v63  }
0x15c: {  	v3 =	vadd.s32 v1, v3;
	s25 =	simm.s32 $0x5400  }
0x15d: {  	[tilespmem:s25], [sflag:$0x1] =	stream.indirect_vreg.gather [hbm4b:s6+s2], $0x80, v4, vm0, $0xb8;
	[tilespmem:$0x18400] =	vst v63  }
0x15e: {  	s25 =	simm.s32 $0x5C00  }
0x15f: {  	[tilespmem:s25], [sflag:$0x1] =	stream.indirect_vreg.gather [hbm4b:s7+s2], $0x80, v4, vm0, $0xb8;
	[tilespmem:$0x18400] =	vst v63  }
0x160: {  	s25 =	simm.s32 $0x6400  }
0x161: {  	[tilespmem:s25], [sflag:$0x1] =	stream.indirect_vreg.gather [hbm4b:s4+s2], $0x80, v3, vm0, $0xb8;
	[tilespmem:$0x18400] =	vst v63  }
0x162: {  	s25 =	simm.s32 $0x6C00  }
0x163: {  	[tilespmem:s25], [sflag:$0x1] =	stream.indirect_vreg.gather [hbm4b:s5+s2], $0x80, v3, vm0, $0xb8;
	[tilespmem:$0x18400] =	vst v63  }
0x164: {  	s25 =	simm.s32 $0x7400  }
0x165: {  	[tilespmem:s25], [sflag:$0x1] =	stream.indirect_vreg.gather [hbm4b:s6+s2], $0x80, v3, vm0, $0xb8;
	[tilespmem:$0x18400] =	vst v63  }
0x166: {  	s25 =	simm.s32 $0x7C00  }
0x167: {  	[tilespmem:s25], [sflag:$0x1] =	stream.indirect_vreg.gather [hbm4b:s7+s2], $0x80, v3, vm0, $0xb8;
	[tilespmem:$0x18400] =	vst v63  }
0x168: {  	_ =	swait.ge [sflag:s31], $0x8000  }
0x169: {  	[sflag:s31] =	ssyncset.done $0x0  }
0x16a: {  	s3 =	rddreg [dreg:$0x8];
	[sflag:s31] =	ssyncadd.s32 $0xFFFF8000  }
0x16b: {  	[hbm4b:s3+s2] =	stream.linear.scatter [tilespmem:s1], [sflag:$0x6], $0x8000, $0x38;
	[tilespmem:$0x18400] =	vst v63  }
0x16c: {  	_ =	swait.ge [sflag:s23], $0x8000  }
0x16d: {  	[sflag:s23] =	ssyncset.done $0x0  }
0x16e: {  	[sflag:s23] =	ssyncadd.s32 $0xFFFF8000  }
0x16f: {  	v3 =	vld [tilespmem:$0x380];
	_ =	sdelay $0x4  }
0x170: {  	v62 =	vshll.u32 v3, $0x3  }
0x171: {  	v3 =	vand.u32 $0x7, v3;
	v4 =	vand.u32 $0xFFFFFFC0, v62  }
0x172: {  	v3 =	vor.u32 v3, v4  }
0x173: {  	v4 =	vperm.xlane v3, v0;
	_ =	sdelay $0x1  }
0x174: {  	v4 =	vadd.s32 v1, v4;
	_ =	sdelay $0x4  }
0x175: {  	[tilespmem:s0], [sflag:$0x2] =	stream.indirect_vreg.gather [hbm4b:s4+s2], $0x80, v4, vm0, $0xb8;
	[tilespmem:$0x18400] =	vst v63  }
0x176: {  	s25 =	simm.s32 $0x8C00;
	v3 =	vperm.xlane v3, v2  }
0x177: {  	[tilespmem:s25], [sflag:$0x2] =	stream.indirect_vreg.gather [hbm4b:s5+s2], $0x80, v4, vm0, $0xb8;
	[tilespmem:$0x18400] =	vst v63  }
0x178: {  	s3 =	simm.s32 $0x9400;
	v3 =	vadd.s32 v1, v3  }
0x179: {  	[tilespmem:s3], [sflag:$0x2] =	stream.indirect_vreg.gather [hbm4b:s6+s2], $0x80, v4, vm0, $0xb8;
	[tilespmem:$0x18400] =	vst v63  }
0x17a: {  	s25 =	simm.s32 $0x9C00  }
0x17b: {  	[tilespmem:s25], [sflag:$0x2] =	stream.indirect_vreg.gather [hbm4b:s7+s2], $0x80, v4, vm0, $0xb8;
	[tilespmem:$0x18400] =	vst v63  }
0x17c: {  	s3 =	simm.s32 $0xA400  }
0x17d: {  	[tilespmem:s3], [sflag:$0x2] =	stream.indirect_vreg.gather [hbm4b:s4+s2], $0x80, v3, vm0, $0xb8;
	[tilespmem:$0x18400] =	vst v63  }
0x17e: {  	s25 =	simm.s32 $0xAC00  }
0x17f: {  	[tilespmem:s25], [sflag:$0x2] =	stream.indirect_vreg.gather [hbm4b:s5+s2], $0x80, v3, vm0, $0xb8;
	[tilespmem:$0x18400] =	vst v63  }
0x180: {  	s3 =	simm.s32 $0xB400  }
0x181: {  	[tilespmem:s3], [sflag:$0x2] =	stream.indirect_vreg.gather [hbm4b:s6+s2], $0x80, v3, vm0, $0xb8;
	[tilespmem:$0x18400] =	vst v63  }
0x182: {  	s25 =	simm.s32 $0xBC00  }
0x183: {  	[tilespmem:s25], [sflag:$0x2] =	stream.indirect_vreg.gather [hbm4b:s7+s2], $0x80, v3, vm0, $0xb8;
	[tilespmem:$0x18400] =	vst v63  }
0x184: {  	v3 =	vld [tilespmem:$0x390];
	_ =	sdelay $0x4  }
0x185: {  	v63 =	vshll.u32 v3, $0x3  }
0x186: {  	v3 =	vand.u32 $0x7, v3;
	v4 =	vand.u32 $0xFFFFFFC0, v63  }
0x187: {  	v3 =	vor.u32 v3, v4  }
0x188: {  	v4 =	vperm.xlane v3, v0;
	_ =	sdelay $0x1  }
0x189: {  	v4 =	vadd.s32 v1, v4;
	_ =	sdelay $0x3  }
0x18a: {  	s3 =	simm.s32 $0xC400  }
0x18b: {  	[tilespmem:s3], [sflag:$0x2] =	stream.indirect_vreg.gather [hbm4b:s4+s2], $0x80, v4, vm0, $0xb8;
	[tilespmem:$0x18400] =	vst v63  }
0x18c: {  	s25 =	simm.s32 $0xCC00;
	v3 =	vperm.xlane v3, v2  }
0x18d: {  	[tilespmem:s25], [sflag:$0x2] =	stream.indirect_vreg.gather [hbm4b:s5+s2], $0x80, v4, vm0, $0xb8;
	[tilespmem:$0x18400] =	vst v63  }
0x18e: {  	v3 =	vadd.s32 v1, v3;
	s3 =	simm.s32 $0xD400  }
0x18f: {  	[tilespmem:s3], [sflag:$0x2] =	stream.indirect_vreg.gather [hbm4b:s6+s2], $0x80, v4, vm0, $0xb8;
	[tilespmem:$0x18400] =	vst v63  }
0x190: {  	s25 =	simm.s32 $0xDC00  }
0x191: {  	[tilespmem:s25], [sflag:$0x2] =	stream.indirect_vreg.gather [hbm4b:s7+s2], $0x80, v4, vm0, $0xb8;
	[tilespmem:$0x18400] =	vst v63  }
0x192: {  	s3 =	simm.s32 $0xE400  }
0x193: {  	[tilespmem:s3], [sflag:$0x2] =	stream.indirect_vreg.gather [hbm4b:s4+s2], $0x80, v3, vm0, $0xb8;
	[tilespmem:$0x18400] =	vst v63  }
0x194: {  	s25 =	simm.s32 $0xEC00  }
0x195: {  	[tilespmem:s25], [sflag:$0x2] =	stream.indirect_vreg.gather [hbm4b:s5+s2], $0x80, v3, vm0, $0xb8;
	[tilespmem:$0x18400] =	vst v63  }
0x196: {  	s3 =	simm.s32 $0xF400  }
0x197: {  	[tilespmem:s3], [sflag:$0x2] =	stream.indirect_vreg.gather [hbm4b:s6+s2], $0x80, v3, vm0, $0xb8;
	[tilespmem:$0x18400] =	vst v63  }
0x198: {  	s25 =	simm.s32 $0xFC00  }
0x199: {  	[tilespmem:s25], [sflag:$0x2] =	stream.indirect_vreg.gather [hbm4b:s7+s2], $0x80, v3, vm0, $0xb8;
	[tilespmem:$0x18400] =	vst v63  }
0x19a: {  	_ =	swait.ge [sflag:s19], $0x8000  }
0x19b: {  	[sflag:s19] =	ssyncset.done $0x0  }
0x19c: {  	s1 =	rddreg [dreg:$0x9];
	[sflag:s19] =	ssyncadd.s32 $0xFFFF8000  }
0x19d: {  	[hbm4b:s1+s2] =	stream.linear.scatter [tilespmem:s26], [sflag:$0x4], $0x8000, $0x38;
	[tilespmem:$0x18400] =	vst v63  }
0x19e: {  	_ =	swait.ge [sflag:s20], $0x8000  }
0x19f: {  	[sflag:s20] =	ssyncset.done $0x0  }
0x1a0: {  	s3 =	rddreg [dreg:$0xa];
	[sflag:s20] =	ssyncadd.s32 $0xFFFF8000  }
0x1a1: {  	[hbm4b:s3+s2] =	stream.linear.scatter [tilespmem:s0], [sflag:$0x5], $0x8000, $0x38;
	[tilespmem:$0x18400] =	vst v63  }
0x1a2: {  	_ =	swait.ge [sflag:s24], $0x8000  }
0x1a3: {  	[sflag:s24] =	ssyncset.done $0x0  }
0x1a4: {  	[sflag:s24] =	ssyncadd.s32 $0xFFFF8000  }
0x1a5: {  	p0 =	sne.s32 s8, $0x1;
	_ =	swait.ge [sflag:s21], $0x8000  }
.Ltmp0:
0x1a6: {  	[sflag:s21] =	ssyncset.done $0x0;
	(pc) =	sbr.rel @p0 .LBB2_1-.Ltmp0, $4  }
0x1a7: {  	[sflag:s21] =	ssyncadd.s32 $0xFFFF8000  }
0x1a8: {  	_ =	swait.ge [sflag:s23], $0x8000  }
0x1a9: {  	[sflag:s23] =	ssyncset.done $0x0  }
0x1aa: {  	s8 =	sadd.s32 $0xFFFFFFFF, s8;
	[sflag:s23] =	ssyncadd.s32 $0xFFFF8000  }
0x1ab: {  	_ =	sfence.sel $0x180000  }
0x1ac: {  	[bflag:$0x0] =	sbarrier.arrive $0xFFFF  }
0x1ad: {  	_ =	strace $0x9000004A  }
0x1ae: {  	s0 =	stileid.u32;
	[bflag:$0x2] =	sbarrier.arrive $0xFFFF  }
0x1af: {  	p0 =	sne.s32 s0, $0x0;
	s0 =	rddreg [dreg:$0x2]  }
0x1b0: {  	s0 =	sadd.s32 @!p0 $0x100000, s0  }
0x1b1: {  	[sflag:s0] =	ssyncadd.tile.s32 @!p0 $0x1;
	_ =	shalt  }
.Lfunc_end2:
_tile_overlayer_lowered:
.L_overlay_start_2:
0x1b2: {  	(tag) =	ssettag $0x2  }
0x1b3: {  	s0 =	rddreg [dreg:$0x0];
	s2 =	stileid.u32  }
0x1b4: {  	s1 =	rddreg [dreg:$0x1];
	p0 =	sne.s32 s2, $0x0  }
0x1b5: {  	s3 =	rddreg [dreg:$0x2];
	[bflag:$0x3] =	sbarrier.arrive $0xFFFF;
	s2 =	simm.s32 @!p0 $0x1C07  }
0x1b6: {  	[timem:s3], [sflag:s2] =	dma.local @!p0 [hbm:s0], s1  }
0x1b7: {  	s0 =	simm.s32 @!p0 $0x7  }
0x1b8: {  	_ =	swait.ge @!p0 [sflag:s0], s1  }
0x1b9: {  	s1 =	ssub.s32 @!p0 $0x0, s1;
	[sflag:s0] =	ssyncset.done @!p0 $0x0  }
0x1ba: {  	[sflag:s0] =	ssyncadd.s32 @!p0 s1  }
0x1bb: {  	[bflag:$0x3] =	sbarrier.arrive $0xFFFF  }
0x1bc: {  	_ =	shalt  }

</sc_bundles>
